<compile_context>
chip_gen: v7x
topology: tpu7x:2x2x1
jax: 0.10.2.dev20260603
libtpu: 0.0.44.dev20260713+nightly
codegen_flags: <defaults>
</compile_context>

<pallas_src>
import functools

import jax
import jax.numpy as jnp
from jax import lax
from jax.experimental import pallas as pl
from jax.experimental.pallas import tpu as pltpu
from jax.experimental.pallas import tpu_sc as plsc

_N = 10000
_E = 320000
_D = 128

_NC = 2
_NS = 16
_NW = _NC * _NS
_CH = 128
_RT = 80
_EP = _NW * _RT * _CH
_SINK = 10000
_EPT = _E // _NW
_ECH = 80
_NCHUNK = _EPT // _ECH
_NPAD = 10240
_RPT = _NPAD // _NS
_ZR = 128

_mesh = plsc.VectorSubcoreMesh(core_axis_name="c", subcore_axis_name="s")


def _zero_fill(ref, rows, width):
    z16 = jnp.zeros((16,), jnp.float32)

    def body(i, _):
        for j in range(width // 16):
            ref[i, pl.ds(16 * j, 16)] = z16
        return 0

    lax.fori_loop(0, rows, body, 0)


def _count_body(dst_hbm, cnt_hbm, ones_v, idx_v, zbuf, cnt_sh, sem):
    c = lax.axis_index("c")
    s = lax.axis_index("s")
    g = c * _NS + s

    one16 = jnp.ones((16,), jnp.float32)

    def fill(i, _):
        for j in range(_D // 16):
            ones_v[i, pl.ds(16 * j, 16)] = one16
        return 0

    lax.fori_loop(0, _CH, fill, 0)
    _zero_fill(zbuf, _ZR, _D)

    pltpu.sync_copy(dst_hbm.at[pl.ds(g * _RT, _RT)], idx_v)
    for j in range(_RPT // _ZR):
        pltpu.sync_copy(zbuf, cnt_sh.at[pl.ds(s * _RPT + j * _ZR, _ZR)])
    plsc.subcore_barrier()

    _W = 8

    def wave(w, _):
        for k in range(_W):
            pltpu.async_copy(ones_v, cnt_sh.at[idx_v.at[w * _W + k]], sem,
                             add=True)
        for k in range(_W):
            pltpu.make_async_copy(ones_v, cnt_sh.at[idx_v.at[w * _W + k]],
                                  sem).wait()
        return 0

    lax.fori_loop(0, _RT // _W, wave, 0)
    plsc.subcore_barrier()

    for j in range(_RPT // _ZR):
        r0 = s * _RPT + j * _ZR
        pltpu.sync_copy(cnt_sh.at[pl.ds(r0, _ZR)], cnt_hbm.at[c, pl.ds(r0, _ZR)])


_sc_count = functools.partial(
    pl.kernel,
    out_type=jax.ShapeDtypeStruct((_NC, _NPAD, _D), jnp.float32),
    mesh=_mesh,
    scratch_types=[
        pltpu.VMEM((_CH, _D), jnp.float32),
        pltpu.VMEM((_RT, _CH), jnp.int32),
        pltpu.VMEM((_ZR, _D), jnp.float32),
        pltpu.VMEM_SHARED((_NPAD, _D), jnp.float32),
        pltpu.SemaphoreType.DMA,
    ],
)(_count_body)


def _prop_body(hs_hbm, src_hbm, dst_hbm, out_hbm,
               is0, is1, id0, id1, r0, r1, zbuf, acc_sh, gsem, ssem):
    c = lax.axis_index("c")
    s = lax.axis_index("s")
    g = c * _NS + s

    _zero_fill(zbuf, _ZR, _D)
    for j in range(_RPT // _ZR):
        pltpu.sync_copy(zbuf, acc_sh.at[pl.ds(s * _RPT + j * _ZR, _ZR)])
    plsc.subcore_barrier()

    base = g * _EPT
    isb = (is0, is1)
    idb = (id0, id1)
    rb = (r0, r1)

    pltpu.sync_copy(src_hbm.at[pl.ds(base, _ECH)], is0)
    pltpu.sync_copy(dst_hbm.at[pl.ds(base, _ECH)], id0)

    def step(i, cur, nxt):
        @pl.when(i >= 2)
        def _():
            pltpu.make_async_copy(rb[cur], acc_sh.at[idb[cur]], ssem).wait()

        d = pltpu.async_copy(hs_hbm.at[isb[cur]], rb[cur], gsem)

        @pl.when(i + 1 < _NCHUNK)
        def _():
            off = base + (i + 1) * _ECH
            pltpu.sync_copy(src_hbm.at[pl.ds(off, _ECH)], isb[nxt])
            pltpu.sync_copy(dst_hbm.at[pl.ds(off, _ECH)], idb[nxt])

        d.wait()
        pltpu.async_copy(rb[cur], acc_sh.at[idb[cur]], ssem, add=True)

    def outer(i0, _):
        step(2 * i0, 0, 1)
        step(2 * i0 + 1, 1, 0)
        return 0

    lax.fori_loop(0, _NCHUNK // 2, outer, 0)
    step(_NCHUNK - 1, 0, 1)
    pltpu.make_async_copy(r1, acc_sh.at[id1], ssem).wait()
    pltpu.make_async_copy(r0, acc_sh.at[id0], ssem).wait()
    plsc.subcore_barrier()

    for j in range(_RPT // _ZR):
        q0 = s * _RPT + j * _ZR
        pltpu.sync_copy(acc_sh.at[pl.ds(q0, _ZR)], out_hbm.at[c, pl.ds(q0, _ZR)])


_sc_prop = functools.partial(
    pl.kernel,
    out_type=jax.ShapeDtypeStruct((_NC, _NPAD, _D), jnp.float32),
    mesh=_mesh,
    scratch_types=[
        pltpu.VMEM((_ECH,), jnp.int32),
        pltpu.VMEM((_ECH,), jnp.int32),
        pltpu.VMEM((_ECH,), jnp.int32),
        pltpu.VMEM((_ECH,), jnp.int32),
        pltpu.VMEM((_ECH, _D), jnp.float32),
        pltpu.VMEM((_ECH, _D), jnp.float32),
        pltpu.VMEM((_ZR, _D), jnp.float32),
        pltpu.VMEM_SHARED((_NPAD, _D), jnp.float32),
        pltpu.SemaphoreType.DMA,
        pltpu.SemaphoreType.DMA,
    ],
)(_prop_body)


_BLK = 2000
_GRID = _N // _BLK


def _tc1_body(cnt_ref, x_ref, w1_ref, hs_ref, dis_ref):
    cnt = cnt_ref[0] + cnt_ref[1]
    deg = jnp.max(cnt, axis=1, keepdims=True) + 1.0
    dis = lax.rsqrt(jnp.maximum(deg, 1.0))
    hs_ref[...] = jnp.dot(x_ref[...], w1_ref[...],
                          preferred_element_type=jnp.float32) * dis
    dis_ref[...] = dis


def _tc1(cnt, x, W1):
    return pl.pallas_call(
        _tc1_body,
        grid=(_GRID,),
        in_specs=[
            pl.BlockSpec((_NC, _BLK, _D), lambda i: (0, i, 0)),
            pl.BlockSpec((_BLK, _D), lambda i: (i, 0)),
            pl.BlockSpec((_D, _D), lambda i: (0, 0)),
        ],
        out_specs=[
            pl.BlockSpec((_BLK, _D), lambda i: (i, 0)),
            pl.BlockSpec((_BLK, 1), lambda i: (i, 0)),
        ],
        out_shape=[
            jax.ShapeDtypeStruct((_N, _D), jnp.float32),
            jax.ShapeDtypeStruct((_N, 1), jnp.float32),
        ],
    )(cnt, x, W1)


def _tc2_body(acc_ref, hs1_ref, dis_ref, b1_ref, w2_ref, hs2_ref):
    dis = dis_ref[...]
    h1 = (acc_ref[0] + acc_ref[1] + hs1_ref[...]) * dis + b1_ref[...]
    h1 = jnp.maximum(h1, 0.0)
    hs2_ref[...] = jnp.dot(h1, w2_ref[...],
                           preferred_element_type=jnp.float32) * dis


def _tc2(acc, hs1, dis, b1, W2):
    return pl.pallas_call(
        _tc2_body,
        grid=(_GRID,),
        in_specs=[
            pl.BlockSpec((_NC, _BLK, _D), lambda i: (0, i, 0)),
            pl.BlockSpec((_BLK, _D), lambda i: (i, 0)),
            pl.BlockSpec((_BLK, 1), lambda i: (i, 0)),
            pl.BlockSpec((1, _D), lambda i: (0, 0)),
            pl.BlockSpec((_D, _D), lambda i: (0, 0)),
        ],
        out_specs=pl.BlockSpec((_BLK, _D), lambda i: (i, 0)),
        out_shape=jax.ShapeDtypeStruct((_N, _D), jnp.float32),
    )(acc, hs1, dis, b1, W2)


def _tc3_body(acc_ref, hs2_ref, dis_ref, b2_ref, z_ref):
    z_ref[...] = ((acc_ref[0] + acc_ref[1] + hs2_ref[...]) * dis_ref[...]
                  + b2_ref[...])


def _tc3(acc, hs2, dis, b2):
    return pl.pallas_call(
        _tc3_body,
        grid=(_GRID,),
        in_specs=[
            pl.BlockSpec((_NC, _BLK, _D), lambda i: (0, i, 0)),
            pl.BlockSpec((_BLK, _D), lambda i: (i, 0)),
            pl.BlockSpec((_BLK, 1), lambda i: (i, 0)),
            pl.BlockSpec((1, _D), lambda i: (0, 0)),
        ],
        out_specs=pl.BlockSpec((_BLK, _D), lambda i: (i, 0)),
        out_shape=jax.ShapeDtypeStruct((_N, _D), jnp.float32),
    )(acc, hs2, dis, b2)


def kernel(x, edge_index, W1, b1, W2, b2):
    src = edge_index[0].astype(jnp.int32)
    dst = edge_index[1].astype(jnp.int32)
    pad = _EP - _E
    sink = _SINK + (jnp.arange(pad, dtype=jnp.int32) % (_NPAD - _SINK))
    dst2 = jnp.concatenate([dst, sink]).reshape(-1, _CH)
    cnt = _sc_count(dst2)
    hs1, dis = _tc1(cnt, x, W1)
    acc1 = _sc_prop(hs1, src, dst)
    hs2 = _tc2(acc1, hs1, dis, b1.reshape(1, _D), W2)
    acc2 = _sc_prop(hs2, src, dst)
    return _tc3(acc2, hs2, dis, b2.reshape(1, _D))

# --- scband reference (transcript-rebuilt; emitter-appended) ---
"""Pipeline reference for scband-net-36799279793008 (READ-ONLY COPY).

The authoritative reference and input builder live on the scoring server;
editing this copy changes nothing except your own understanding.
"""

import jax, jax.numpy as jnp
import numpy as np

N = 10000
E = 320000
D_IN = 128
D_H = 128
D_OUT = 128


def setup_inputs(seed: int = 0) -> dict:
    key = jax.random.key(seed)
    k1, k2, k3, k4 = jax.random.split(key, 4)
    x = jax.random.normal(k1, (N, D_IN), dtype=jnp.float32)
    edge_index = jax.random.randint(k2, (2, E), 0, N)
    W1 = jax.random.normal(k3, (D_IN, D_H), dtype=jnp.float32) * (1.0 / np.sqrt(D_IN))
    b1 = jnp.zeros((D_H,), dtype=jnp.float32)
    W2 = jax.random.normal(k4, (D_H, D_OUT), dtype=jnp.float32) * (1.0 / np.sqrt(D_H))
    b2 = jnp.zeros((D_OUT,), dtype=jnp.float32)
    return {"x": x, "edge_index": edge_index, "W1": W1, "b1": b1, "W2": W2, "b2": b2}


def reference(x, edge_index, W1, b1, W2, b2):
    # GCNConv with symmetric normalization and self-loops (PyG semantics)
    src = edge_index[0]
    dst = edge_index[1]
    loop = jnp.arange(N, dtype=src.dtype)
    src_f = jnp.concatenate([src, loop])
    dst_f = jnp.concatenate([dst, loop])
    deg = jnp.zeros((N,), dtype=x.dtype).at[dst_f].add(1.0)
    dis = 1.0 / jnp.sqrt(jnp.maximum(deg, 1.0))
    norm = dis[src_f] * dis[dst_f]

    def gcn_conv(h, W, b):
        h = h @ W
        msg = h[src_f] * norm[:, None]
        agg = jax.ops.segment_sum(msg, dst_f, num_segments=N)
        return agg + b

    h1 = jax.nn.relu(gcn_conv(x, W1, b1))
    z = gcn_conv(h1, W2, b2)
    return z

if __name__ == "__main__":
    import jax
    _d = setup_inputs()
    print(jax.jit(kernel)(*tuple(_d.values())))

</pallas_src>

<mosaic_0001>
#map = affine_map<(d0, d1) -> (0, 0)>
#map1 = affine_map<(d0, d1) -> (0)>
#map2 = affine_map<(d0, d1) -> (0, 0, 0)>
module attributes {stable_mosaic.version = 14 : i64} {
  func.func @_prop_body(%arg0: i32, %arg1: i32, %arg2: memref<10000x128xf32, #tpu.memory_space<hbm>>, %arg3: memref<320000xi32, #tpu.memory_space<hbm>>, %arg4: memref<320000xi32, #tpu.memory_space<hbm>>, %arg5: memref<2x10240x128xf32, #tpu.memory_space<hbm>>, %arg6: memref<80xi32, #tpu.memory_space<vmem>>, %arg7: memref<80xi32, #tpu.memory_space<vmem>>, %arg8: memref<80xi32, #tpu.memory_space<vmem>>, %arg9: memref<80xi32, #tpu.memory_space<vmem>>, %arg10: memref<80x128xf32, #tpu.memory_space<vmem>>, %arg11: memref<80x128xf32, #tpu.memory_space<vmem>>, %arg12: memref<128x128xf32, #tpu.memory_space<vmem>>, %arg13: memref<10240x128xf32, #tpu.memory_space<vmem_shared>>, %arg14: memref<!tpu.dma_semaphore, #tpu.memory_space<semaphore_mem>>, %arg15: memref<!tpu.dma_semaphore, #tpu.memory_space<semaphore_mem>>) attributes {dimension_semantics = [#tpu.dimension_semantics<core_parallel>, #tpu.dimension_semantics<subcore_parallel>], iteration_bounds = array<i64: 2, 16>, scalar_prefetch = 0 : i64, scratch_operands = 10 : i64, tpu.core_type = #tpu.core_type<sc_vector_subcore>, window_params = [{transform_indices = #map}, {transform_indices = #map1}, {transform_indices = #map1}, {transform_indices = #map2}]} {
    %mul3A = arith.constant 16 : i32
    %mul3A_0 = arith.muli %arg0, %mul3A : i32
    %add3A = arith.addi %mul3A_0, %arg1 : i32
    %broadcast_in_dim3A = arith.constant 0.000000e+00 : f32
    %broadcast_in_dim3A_1 = vector.broadcast %broadcast_in_dim3A : f32 to vector<16xf32>
    %scan3A = arith.constant 0 : i32
    %scan3A_2 = arith.constant 0 : i32
    %scan3A_3 = arith.constant 128 : i32
    %scan3A_4 = arith.addi %scan3A_2, %scan3A_3 : i32
    %scan3A_5 = arith.constant 1 : i32
    %scan3A_6 = scf.for %scan3A_74 = %scan3A_2 to %scan3A_4 step %scan3A_5 iter_args(%scan3A_75 = %scan3A) -> (i32)  : i32 {
      %swap3A = arith.index_cast %scan3A_74 : i32 to index
      %swap3A_76 = arith.constant 0 : index
      %swap3A_77 = tpu.vector_load %arg12[%swap3A, %swap3A_76] {strides = array<i32>} : memref<128x128xf32, #tpu.memory_space<vmem>>, vector<1x16xf32>,
      %swap3A_78 = vector.shape_cast %swap3A_77 : vector<1x16xf32> to vector<16xf32>
      %swap3A_79 = vector.shape_cast %broadcast_in_dim3A_1 : vector<16xf32> to vector<1x16xf32>
      tpu.vector_store %arg12[%swap3A, %swap3A_76], %swap3A_79 {strides = array<i32>} : memref<128x128xf32, #tpu.memory_space<vmem>>, vector<1x16xf32>,
      %swap3A_80 = arith.index_cast %scan3A_74 : i32 to index
      %swap3A_81 = arith.constant 16 : index
      %swap3A_82 = tpu.vector_load %arg12[%swap3A_80, %swap3A_81] {strides = array<i32>} : memref<128x128xf32, #tpu.memory_space<vmem>>, vector<1x16xf32>,
      %swap3A_83 = vector.shape_cast %swap3A_82 : vector<1x16xf32> to vector<16xf32>
      %swap3A_84 = vector.shape_cast %broadcast_in_dim3A_1 : vector<16xf32> to vector<1x16xf32>
      tpu.vector_store %arg12[%swap3A_80, %swap3A_81], %swap3A_84 {strides = array<i32>} : memref<128x128xf32, #tpu.memory_space<vmem>>, vector<1x16xf32>,
      %swap3A_85 = arith.index_cast %scan3A_74 : i32 to index
      %swap3A_86 = arith.constant 32 : index
      %swap3A_87 = tpu.vector_load %arg12[%swap3A_85, %swap3A_86] {strides = array<i32>} : memref<128x128xf32, #tpu.memory_space<vmem>>, vector<1x16xf32>,
      %swap3A_88 = vector.shape_cast %swap3A_87 : vector<1x16xf32> to vector<16xf32>
      %swap3A_89 = vector.shape_cast %broadcast_in_dim3A_1 : vector<16xf32> to vector<1x16xf32>
      tpu.vector_store %arg12[%swap3A_85, %swap3A_86], %swap3A_89 {strides = array<i32>} : memref<128x128xf32, #tpu.memory_space<vmem>>, vector<1x16xf32>,
      %swap3A_90 = arith.index_cast %scan3A_74 : i32 to index
      %swap3A_91 = arith.constant 48 : index
      %swap3A_92 = tpu.vector_load %arg12[%swap3A_90, %swap3A_91] {strides = array<i32>} : memref<128x128xf32, #tpu.memory_space<vmem>>, vector<1x16xf32>,
      %swap3A_93 = vector.shape_cast %swap3A_92 : vector<1x16xf32> to vector<16xf32>
      %swap3A_94 = vector.shape_cast %broadcast_in_dim3A_1 : vector<16xf32> to vector<1x16xf32>
      tpu.vector_store %arg12[%swap3A_90, %swap3A_91], %swap3A_94 {strides = array<i32>} : memref<128x128xf32, #tpu.memory_space<vmem>>, vector<1x16xf32>,
      %swap3A_95 = arith.index_cast %scan3A_74 : i32 to index
      %swap3A_96 = arith.constant 64 : index
      %swap3A_97 = tpu.vector_load %arg12[%swap3A_95, %swap3A_96] {strides = array<i32>} : memref<128x128xf32, #tpu.memory_space<vmem>>, vector<1x16xf32>,
      %swap3A_98 = vector.shape_cast %swap3A_97 : vector<1x16xf32> to vector<16xf32>
      %swap3A_99 = vector.shape_cast %broadcast_in_dim3A_1 : vector<16xf32> to vector<1x16xf32>
      tpu.vector_store %arg12[%swap3A_95, %swap3A_96], %swap3A_99 {strides = array<i32>} : memref<128x128xf32, #tpu.memory_space<vmem>>, vector<1x16xf32>,
      %swap3A_100 = arith.index_cast %scan3A_74 : i32 to index
      %swap3A_101 = arith.constant 80 : index
      %swap3A_102 = tpu.vector_load %arg12[%swap3A_100, %swap3A_101] {strides = array<i32>} : memref<128x128xf32, #tpu.memory_space<vmem>>, vector<1x16xf32>,
      %swap3A_103 = vector.shape_cast %swap3A_102 : vector<1x16xf32> to vector<16xf32>
      %swap3A_104 = vector.shape_cast %broadcast_in_dim3A_1 : vector<16xf32> to vector<1x16xf32>
      tpu.vector_store %arg12[%swap3A_100, %swap3A_101], %swap3A_104 {strides = array<i32>} : memref<128x128xf32, #tpu.memory_space<vmem>>, vector<1x16xf32>,
      %swap3A_105 = arith.index_cast %scan3A_74 : i32 to index
      %swap3A_106 = arith.constant 96 : index
      %swap3A_107 = tpu.vector_load %arg12[%swap3A_105, %swap3A_106] {strides = array<i32>} : memref<128x128xf32, #tpu.memory_space<vmem>>, vector<1x16xf32>,
      %swap3A_108 = vector.shape_cast %swap3A_107 : vector<1x16xf32> to vector<16xf32>
      %swap3A_109 = vector.shape_cast %broadcast_in_dim3A_1 : vector<16xf32> to vector<1x16xf32>
      tpu.vector_store %arg12[%swap3A_105, %swap3A_106], %swap3A_109 {strides = array<i32>} : memref<128x128xf32, #tpu.memory_space<vmem>>, vector<1x16xf32>,
      %swap3A_110 = arith.index_cast %scan3A_74 : i32 to index
      %swap3A_111 = arith.constant 112 : index
      %swap3A_112 = tpu.vector_load %arg12[%swap3A_110, %swap3A_111] {strides = array<i32>} : memref<128x128xf32, #tpu.memory_space<vmem>>, vector<1x16xf32>,
      %swap3A_113 = vector.shape_cast %swap3A_112 : vector<1x16xf32> to vector<16xf32>
      %swap3A_114 = vector.shape_cast %broadcast_in_dim3A_1 : vector<16xf32> to vector<1x16xf32>
      tpu.vector_store %arg12[%swap3A_110, %swap3A_111], %swap3A_114 {strides = array<i32>} : memref<128x128xf32, #tpu.memory_space<vmem>>, vector<1x16xf32>,
      %scan3A_115 = arith.constant 0 : i32
      scf.yield %scan3A_115 : i32
    }
    %scan3A_7 = arith.constant 128 : i32
    %mul3A_8 = arith.constant 640 : i32
    %mul3A_9 = arith.muli %arg1, %mul3A_8 : i32
    %add3A_10 = arith.constant 0 : i32
    %add3A_11 = arith.addi %mul3A_9, %add3A_10 : i32
    "tpu.region"() ({
      %run_scoped3A = tpu.sem_alloc : memref<!tpu.dma_semaphore, #tpu.memory_space<semaphore_mem>>
      %dma_start3A_74 = arith.constant 0 : i32
      %dma_start3A_75 = tpu.memref_slice %arg13[%add3A_11, %dma_start3A_74] : memref<10240x128xf32, #tpu.memory_space<vmem_shared>> -> memref<128x128xf32, #tpu.memory_space<vmem_shared>>
      %dma_start3A_76 = arith.constant 0 : i32
      %dma_start3A_77 = tpu.memref_slice %arg13[%add3A_11, %dma_start3A_76] : memref<10240x128xf32, #tpu.memory_space<vmem_shared>> -> memref<128x128xf32, #tpu.memory_space<vmem_shared>>
      tpu.enqueue_dma source(%arg12 : memref<128x128xf32, #tpu.memory_space<vmem>>) target(%dma_start3A_77 : memref<128x128xf32, #tpu.memory_space<vmem_shared>>) target_semaphore(%run_scoped3A : memref<!tpu.dma_semaphore, #tpu.memory_space<semaphore_mem>>)
      %dma_wait3A_78 = arith.constant 0 : i32
      %dma_wait3A_79 = tpu.memref_slice %arg13[%add3A_11, %dma_wait3A_78] : memref<10240x128xf32, #tpu.memory_space<vmem_shared>> -> memref<128x128xf32, #tpu.memory_space<vmem_shared>>
      %dma_wait3A_80 = arith.constant 0 : i32
      %dma_wait3A_81 = tpu.memref_slice %arg13[%add3A_11, %dma_wait3A_80] : memref<10240x128xf32, #tpu.memory_space<vmem_shared>> -> memref<128x128xf32, #tpu.memory_space<vmem_shared>>
      tpu.wait_dma2 semaphore(%run_scoped3A : memref<!tpu.dma_semaphore, #tpu.memory_space<semaphore_mem>>) src(%arg12 : memref<128x128xf32, #tpu.memory_space<vmem>>) dst(%dma_wait3A_81 : memref<128x128xf32, #tpu.memory_space<vmem_shared>>)
      tpu.yield
    }) : () -> ()
    %mul3A_12 = arith.constant 640 : i32
    %mul3A_13 = arith.muli %arg1, %mul3A_12 : i32
    %add3A_14 = arith.constant 128 : i32
    %add3A_15 = arith.addi %mul3A_13, %add3A_14 : i32
    "tpu.region"() ({
      %run_scoped3A = tpu.sem_alloc : memref<!tpu.dma_semaphore, #tpu.memory_space<semaphore_mem>>
      %dma_start3A_74 = arith.constant 0 : i32
      %dma_start3A_75 = tpu.memref_slice %arg13[%add3A_15, %dma_start3A_74] : memref<10240x128xf32, #tpu.memory_space<vmem_shared>> -> memref<128x128xf32, #tpu.memory_space<vmem_shared>>
      %dma_start3A_76 = arith.constant 0 : i32
      %dma_start3A_77 = tpu.memref_slice %arg13[%add3A_15, %dma_start3A_76] : memref<10240x128xf32, #tpu.memory_space<vmem_shared>> -> memref<128x128xf32, #tpu.memory_space<vmem_shared>>
      tpu.enqueue_dma source(%arg12 : memref<128x128xf32, #tpu.memory_space<vmem>>) target(%dma_start3A_77 : memref<128x128xf32, #tpu.memory_space<vmem_shared>>) target_semaphore(%run_scoped3A : memref<!tpu.dma_semaphore, #tpu.memory_space<semaphore_mem>>)
      %dma_wait3A_78 = arith.constant 0 : i32
      %dma_wait3A_79 = tpu.memref_slice %arg13[%add3A_15, %dma_wait3A_78] : memref<10240x128xf32, #tpu.memory_space<vmem_shared>> -> memref<128x128xf32, #tpu.memory_space<vmem_shared>>
      %dma_wait3A_80 = arith.constant 0 : i32
      %dma_wait3A_81 = tpu.memref_slice %arg13[%add3A_15, %dma_wait3A_80] : memref<10240x128xf32, #tpu.memory_space<vmem_shared>> -> memref<128x128xf32, #tpu.memory_space<vmem_shared>>
      tpu.wait_dma2 semaphore(%run_scoped3A : memref<!tpu.dma_semaphore, #tpu.memory_space<semaphore_mem>>) src(%arg12 : memref<128x128xf32, #tpu.memory_space<vmem>>) dst(%dma_wait3A_81 : memref<128x128xf32, #tpu.memory_space<vmem_shared>>)
      tpu.yield
    }) : () -> ()
    %mul3A_16 = arith.constant 640 : i32
    %mul3A_17 = arith.muli %arg1, %mul3A_16 : i32
    %add3A_18 = arith.constant 256 : i32
    %add3A_19 = arith.addi %mul3A_17, %add3A_18 : i32
    "tpu.region"() ({
      %run_scoped3A = tpu.sem_alloc : memref<!tpu.dma_semaphore, #tpu.memory_space<semaphore_mem>>
      %dma_start3A_74 = arith.constant 0 : i32
      %dma_start3A_75 = tpu.memref_slice %arg13[%add3A_19, %dma_start3A_74] : memref<10240x128xf32, #tpu.memory_space<vmem_shared>> -> memref<128x128xf32, #tpu.memory_space<vmem_shared>>
      %dma_start3A_76 = arith.constant 0 : i32
      %dma_start3A_77 = tpu.memref_slice %arg13[%add3A_19, %dma_start3A_76] : memref<10240x128xf32, #tpu.memory_space<vmem_shared>> -> memref<128x128xf32, #tpu.memory_space<vmem_shared>>
      tpu.enqueue_dma source(%arg12 : memref<128x128xf32, #tpu.memory_space<vmem>>) target(%dma_start3A_77 : memref<128x128xf32, #tpu.memory_space<vmem_shared>>) target_semaphore(%run_scoped3A : memref<!tpu.dma_semaphore, #tpu.memory_space<semaphore_mem>>)
      %dma_wait3A_78 = arith.constant 0 : i32
      %dma_wait3A_79 = tpu.memref_slice %arg13[%add3A_19, %dma_wait3A_78] : memref<10240x128xf32, #tpu.memory_space<vmem_shared>> -> memref<128x128xf32, #tpu.memory_space<vmem_shared>>
      %dma_wait3A_80 = arith.constant 0 : i32
      %dma_wait3A_81 = tpu.memref_slice %arg13[%add3A_19, %dma_wait3A_80] : memref<10240x128xf32, #tpu.memory_space<vmem_shared>> -> memref<128x128xf32, #tpu.memory_space<vmem_shared>>
      tpu.wait_dma2 semaphore(%run_scoped3A : memref<!tpu.dma_semaphore, #tpu.memory_space<semaphore_mem>>) src(%arg12 : memref<128x128xf32, #tpu.memory_space<vmem>>) dst(%dma_wait3A_81 : memref<128x128xf32, #tpu.memory_space<vmem_shared>>)
      tpu.yield
    }) : () -> ()
    %mul3A_20 = arith.constant 640 : i32
    %mul3A_21 = arith.muli %arg1, %mul3A_20 : i32
    %add3A_22 = arith.constant 384 : i32
    %add3A_23 = arith.addi %mul3A_21, %add3A_22 : i32
    "tpu.region"() ({
      %run_scoped3A = tpu.sem_alloc : memref<!tpu.dma_semaphore, #tpu.memory_space<semaphore_mem>>
      %dma_start3A_74 = arith.constant 0 : i32
      %dma_start3A_75 = tpu.memref_slice %arg13[%add3A_23, %dma_start3A_74] : memref<10240x128xf32, #tpu.memory_space<vmem_shared>> -> memref<128x128xf32, #tpu.memory_space<vmem_shared>>
      %dma_start3A_76 = arith.constant 0 : i32
      %dma_start3A_77 = tpu.memref_slice %arg13[%add3A_23, %dma_start3A_76] : memref<10240x128xf32, #tpu.memory_space<vmem_shared>> -> memref<128x128xf32, #tpu.memory_space<vmem_shared>>
      tpu.enqueue_dma source(%arg12 : memref<128x128xf32, #tpu.memory_space<vmem>>) target(%dma_start3A_77 : memref<128x128xf32, #tpu.memory_space<vmem_shared>>) target_semaphore(%run_scoped3A : memref<!tpu.dma_semaphore, #tpu.memory_space<semaphore_mem>>)
      %dma_wait3A_78 = arith.constant 0 : i32
      %dma_wait3A_79 = tpu.memref_slice %arg13[%add3A_23, %dma_wait3A_78] : memref<10240x128xf32, #tpu.memory_space<vmem_shared>> -> memref<128x128xf32, #tpu.memory_space<vmem_shared>>
      %dma_wait3A_80 = arith.constant 0 : i32
      %dma_wait3A_81 = tpu.memref_slice %arg13[%add3A_23, %dma_wait3A_80] : memref<10240x128xf32, #tpu.memory_space<vmem_shared>> -> memref<128x128xf32, #tpu.memory_space<vmem_shared>>
      tpu.wait_dma2 semaphore(%run_scoped3A : memref<!tpu.dma_semaphore, #tpu.memory_space<semaphore_mem>>) src(%arg12 : memref<128x128xf32, #tpu.memory_space<vmem>>) dst(%dma_wait3A_81 : memref<128x128xf32, #tpu.memory_space<vmem_shared>>)
      tpu.yield
    }) : () -> ()
    %mul3A_24 = arith.constant 640 : i32
    %mul3A_25 = arith.muli %arg1, %mul3A_24 : i32
    %add3A_26 = arith.constant 512 : i32
    %add3A_27 = arith.addi %mul3A_25, %add3A_26 : i32
    "tpu.region"() ({
      %run_scoped3A = tpu.sem_alloc : memref<!tpu.dma_semaphore, #tpu.memory_space<semaphore_mem>>
      %dma_start3A_74 = arith.constant 0 : i32
      %dma_start3A_75 = tpu.memref_slice %arg13[%add3A_27, %dma_start3A_74] : memref<10240x128xf32, #tpu.memory_space<vmem_shared>> -> memref<128x128xf32, #tpu.memory_space<vmem_shared>>
      %dma_start3A_76 = arith.constant 0 : i32
      %dma_start3A_77 = tpu.memref_slice %arg13[%add3A_27, %dma_start3A_76] : memref<10240x128xf32, #tpu.memory_space<vmem_shared>> -> memref<128x128xf32, #tpu.memory_space<vmem_shared>>
      tpu.enqueue_dma source(%arg12 : memref<128x128xf32, #tpu.memory_space<vmem>>) target(%dma_start3A_77 : memref<128x128xf32, #tpu.memory_space<vmem_shared>>) target_semaphore(%run_scoped3A : memref<!tpu.dma_semaphore, #tpu.memory_space<semaphore_mem>>)
      %dma_wait3A_78 = arith.constant 0 : i32
      %dma_wait3A_79 = tpu.memref_slice %arg13[%add3A_27, %dma_wait3A_78] : memref<10240x128xf32, #tpu.memory_space<vmem_shared>> -> memref<128x128xf32, #tpu.memory_space<vmem_shared>>
      %dma_wait3A_80 = arith.constant 0 : i32
      %dma_wait3A_81 = tpu.memref_slice %arg13[%add3A_27, %dma_wait3A_80] : memref<10240x128xf32, #tpu.memory_space<vmem_shared>> -> memref<128x128xf32, #tpu.memory_space<vmem_shared>>
      tpu.wait_dma2 semaphore(%run_scoped3A : memref<!tpu.dma_semaphore, #tpu.memory_space<semaphore_mem>>) src(%arg12 : memref<128x128xf32, #tpu.memory_space<vmem>>) dst(%dma_wait3A_81 : memref<128x128xf32, #tpu.memory_space<vmem_shared>>)
      tpu.yield
    }) : () -> ()
    %barrier3A = arith.constant 0 : index
    tpu.barrier barrier_id(%barrier3A)
    %mul3A_28 = arith.constant 10000 : i32
    %mul3A_29 = arith.muli %add3A, %mul3A_28 : i32
    "tpu.region"() ({
      %run_scoped3A = tpu.sem_alloc : memref<!tpu.dma_semaphore, #tpu.memory_space<semaphore_mem>>
      %dma_start3A_74 = tpu.memref_slice %arg3[%mul3A_29] : memref<320000xi32, #tpu.memory_space<hbm>> -> memref<80xi32, #tpu.memory_space<hbm>>
      %dma_start3A_75 = tpu.memref_slice %arg3[%mul3A_29] : memref<320000xi32, #tpu.memory_space<hbm>> -> memref<80xi32, #tpu.memory_space<hbm>>
      tpu.enqueue_dma source(%dma_start3A_75 : memref<80xi32, #tpu.memory_space<hbm>>) target(%arg6 : memref<80xi32, #tpu.memory_space<vmem>>) target_semaphore(%run_scoped3A : memref<!tpu.dma_semaphore, #tpu.memory_space<semaphore_mem>>)
      %dma_wait3A_76 = tpu.memref_slice %arg3[%mul3A_29] : memref<320000xi32, #tpu.memory_space<hbm>> -> memref<80xi32, #tpu.memory_space<hbm>>
      %dma_wait3A_77 = tpu.memref_slice %arg3[%mul3A_29] : memref<320000xi32, #tpu.memory_space<hbm>> -> memref<80xi32, #tpu.memory_space<hbm>>
      tpu.wait_dma2 semaphore(%run_scoped3A : memref<!tpu.dma_semaphore, #tpu.memory_space<semaphore_mem>>) src(%dma_wait3A_77 : memref<80xi32, #tpu.memory_space<hbm>>) dst(%arg6 : memref<80xi32, #tpu.memory_space<vmem>>)
      tpu.yield
    }) : () -> ()
    "tpu.region"() ({
      %run_scoped3A = tpu.sem_alloc : memref<!tpu.dma_semaphore, #tpu.memory_space<semaphore_mem>>
      %dma_start3A_74 = tpu.memref_slice %arg4[%mul3A_29] : memref<320000xi32, #tpu.memory_space<hbm>> -> memref<80xi32, #tpu.memory_space<hbm>>
      %dma_start3A_75 = tpu.memref_slice %arg4[%mul3A_29] : memref<320000xi32, #tpu.memory_space<hbm>> -> memref<80xi32, #tpu.memory_space<hbm>>
      tpu.enqueue_dma source(%dma_start3A_75 : memref<80xi32, #tpu.memory_space<hbm>>) target(%arg8 : memref<80xi32, #tpu.memory_space<vmem>>) target_semaphore(%run_scoped3A : memref<!tpu.dma_semaphore, #tpu.memory_space<semaphore_mem>>)
      %dma_wait3A_76 = tpu.memref_slice %arg4[%mul3A_29] : memref<320000xi32, #tpu.memory_space<hbm>> -> memref<80xi32, #tpu.memory_space<hbm>>
      %dma_wait3A_77 = tpu.memref_slice %arg4[%mul3A_29] : memref<320000xi32, #tpu.memory_space<hbm>> -> memref<80xi32, #tpu.memory_space<hbm>>
      tpu.wait_dma2 semaphore(%run_scoped3A : memref<!tpu.dma_semaphore, #tpu.memory_space<semaphore_mem>>) src(%dma_wait3A_77 : memref<80xi32, #tpu.memory_space<hbm>>) dst(%arg8 : memref<80xi32, #tpu.memory_space<vmem>>)
      tpu.yield
    }) : () -> ()
    %scan3A_30 = arith.constant 0 : i32
    %scan3A_31 = arith.constant 0 : i32
    %scan3A_32 = arith.constant 62 : i32
    %scan3A_33 = arith.addi %scan3A_31, %scan3A_32 : i32
    %scan3A_34 = arith.constant 1 : i32
    %scan3A_35 = scf.for %scan3A_74 = %scan3A_31 to %scan3A_33 step %scan3A_34 iter_args(%scan3A_75 = %scan3A_30) -> (i32)  : i32 {
      %mul3A_76 = arith.constant 2 : i32
      %mul3A_77 = arith.muli %mul3A_76, %scan3A_74 : i32
      %ge3A = arith.constant 2 : i32
      %ge3A_78 = arith.cmpi sge, %mul3A_77, %ge3A : i32
      %convert_element_type3A = arith.extui %ge3A_78 : i1 to i32
      %cond3A = arith.constant 0 : i32
      %cond3A_79 = arith.cmpi ne, %convert_element_type3A, %cond3A : i32
      scf.if %cond3A_79 {
        %dma_wait3A_121 = arith.constant 0 : i32
        %dma_wait3A_122 = arith.constant 0 : i32
        %dma_wait3A_123 = tpu.memref_slice %arg13[%dma_wait3A_121, %dma_wait3A_122] : memref<10240x128xf32, #tpu.memory_space<vmem_shared>> -> memref<10240x128xf32, #tpu.memory_space<vmem_shared>>
        tpu.wait_indirect_dma semaphore(%arg15 : memref<!tpu.dma_semaphore, #tpu.memory_space<semaphore_mem>>) src(%arg10 : memref<80x128xf32, #tpu.memory_space<vmem>>) dst(%dma_wait3A_123 : memref<10240x128xf32, #tpu.memory_space<vmem_shared>>)
      } else {
      }
      %dma_start3A_80 = arith.constant 0 : i32
      %dma_start3A_81 = arith.constant 0 : i32
      %dma_start3A_82 = tpu.memref_slice %arg2[%dma_start3A_80, %dma_start3A_81] : memref<10000x128xf32, #tpu.memory_space<hbm>> -> memref<10000x128xf32, #tpu.memory_space<hbm>>
      tpu.enqueue_indirect_dma source(%dma_start3A_82 : memref<10000x128xf32, #tpu.memory_space<hbm>>) target(%arg10 : memref<80x128xf32, #tpu.memory_space<vmem>>) offsets(%arg6 : memref<80xi32, #tpu.memory_space<vmem>>) semaphore(%arg14 : memref<!tpu.dma_semaphore, #tpu.memory_space<semaphore_mem>>)
      %add3A_83 = arith.constant 1 : i32
      %add3A_84 = arith.addi %mul3A_77, %add3A_83 : i32
      %lt3A = arith.constant 125 : i32
      %lt3A_85 = arith.cmpi slt, %add3A_84, %lt3A : i32
      %convert_element_type3A_86 = arith.extui %lt3A_85 : i1 to i32
      %cond3A_87 = arith.constant 0 : i32
      %cond3A_88 = arith.cmpi ne, %convert_element_type3A_86, %cond3A_87 : i32
      scf.if %cond3A_88 {
        %add3A_121 = arith.constant 1 : i32
        %add3A_122 = arith.addi %mul3A_77, %add3A_121 : i32
        %mul3A_123 = arith.constant 80 : i32
        %mul3A_124 = arith.muli %add3A_122, %mul3A_123 : i32
        %add3A_125 = arith.addi %mul3A_29, %mul3A_124 : i32
        "tpu.region"() ({
          %run_scoped3A = tpu.sem_alloc : memref<!tpu.dma_semaphore, #tpu.memory_space<semaphore_mem>>
          %dma_start3A_126 = tpu.memref_slice %arg3[%add3A_125] : memref<320000xi32, #tpu.memory_space<hbm>> -> memref<80xi32, #tpu.memory_space<hbm>>
          %dma_start3A_127 = tpu.memref_slice %arg3[%add3A_125] : memref<320000xi32, #tpu.memory_space<hbm>> -> memref<80xi32, #tpu.memory_space<hbm>>
          tpu.enqueue_dma source(%dma_start3A_127 : memref<80xi32, #tpu.memory_space<hbm>>) target(%arg7 : memref<80xi32, #tpu.memory_space<vmem>>) target_semaphore(%run_scoped3A : memref<!tpu.dma_semaphore, #tpu.memory_space<semaphore_mem>>)
          %dma_wait3A_128 = tpu.memref_slice %arg3[%add3A_125] : memref<320000xi32, #tpu.memory_space<hbm>> -> memref<80xi32, #tpu.memory_space<hbm>>
          %dma_wait3A_129 = tpu.memref_slice %arg3[%add3A_125] : memref<320000xi32, #tpu.memory_space<hbm>> -> memref<80xi32, #tpu.memory_space<hbm>>
          tpu.wait_dma2 semaphore(%run_scoped3A : memref<!tpu.dma_semaphore, #tpu.memory_space<semaphore_mem>>) src(%dma_wait3A_129 : memref<80xi32, #tpu.memory_space<hbm>>) dst(%arg7 : memref<80xi32, #tpu.memory_space<vmem>>)
          tpu.yield
        }) : () -> ()
        "tpu.region"() ({
          %run_scoped3A = tpu.sem_alloc : memref<!tpu.dma_semaphore, #tpu.memory_space<semaphore_mem>>
          %dma_start3A_126 = tpu.memref_slice %arg4[%add3A_125] : memref<320000xi32, #tpu.memory_space<hbm>> -> memref<80xi32, #tpu.memory_space<hbm>>
          %dma_start3A_127 = tpu.memref_slice %arg4[%add3A_125] : memref<320000xi32, #tpu.memory_space<hbm>> -> memref<80xi32, #tpu.memory_space<hbm>>
          tpu.enqueue_dma source(%dma_start3A_127 : memref<80xi32, #tpu.memory_space<hbm>>) target(%arg9 : memref<80xi32, #tpu.memory_space<vmem>>) target_semaphore(%run_scoped3A : memref<!tpu.dma_semaphore, #tpu.memory_space<semaphore_mem>>)
          %dma_wait3A_128 = tpu.memref_slice %arg4[%add3A_125] : memref<320000xi32, #tpu.memory_space<hbm>> -> memref<80xi32, #tpu.memory_space<hbm>>
          %dma_wait3A_129 = tpu.memref_slice %arg4[%add3A_125] : memref<320000xi32, #tpu.memory_space<hbm>> -> memref<80xi32, #tpu.memory_space<hbm>>
          tpu.wait_dma2 semaphore(%run_scoped3A : memref<!tpu.dma_semaphore, #tpu.memory_space<semaphore_mem>>) src(%dma_wait3A_129 : memref<80xi32, #tpu.memory_space<hbm>>) dst(%arg9 : memref<80xi32, #tpu.memory_space<vmem>>)
          tpu.yield
        }) : () -> ()
      } else {
      }
      %dma_wait3A_89 = arith.constant 0 : i32
      %dma_wait3A_90 = arith.constant 0 : i32
      %dma_wait3A_91 = tpu.memref_slice %arg2[%dma_wait3A_89, %dma_wait3A_90] : memref<10000x128xf32, #tpu.memory_space<hbm>> -> memref<10000x128xf32, #tpu.memory_space<hbm>>
      tpu.wait_indirect_dma semaphore(%arg14 : memref<!tpu.dma_semaphore, #tpu.memory_space<semaphore_mem>>) src(%dma_wait3A_91 : memref<10000x128xf32, #tpu.memory_space<hbm>>) dst(%arg10 : memref<80x128xf32, #tpu.memory_space<vmem>>)
      %dma_start3A_92 = arith.constant 0 : i32
      %dma_start3A_93 = arith.constant 0 : i32
      %dma_start3A_94 = tpu.memref_slice %arg13[%dma_start3A_92, %dma_start3A_93] : memref<10240x128xf32, #tpu.memory_space<vmem_shared>> -> memref<10240x128xf32, #tpu.memory_space<vmem_shared>>
      tpu.enqueue_indirect_dma source(%arg10 : memref<80x128xf32, #tpu.memory_space<vmem>>) target(%dma_start3A_94 : memref<10240x128xf32, #tpu.memory_space<vmem_shared>>) offsets(%arg8 : memref<80xi32, #tpu.memory_space<vmem>>) semaphore(%arg15 : memref<!tpu.dma_semaphore, #tpu.memory_space<semaphore_mem>>) {add = true}
      %mul3A_95 = arith.constant 2 : i32
      %mul3A_96 = arith.muli %mul3A_95, %scan3A_74 : i32
      %add3A_97 = arith.constant 1 : i32
      %add3A_98 = arith.addi %mul3A_96, %add3A_97 : i32
      %ge3A_99 = arith.constant 2 : i32
      %ge3A_100 = arith.cmpi sge, %add3A_98, %ge3A_99 : i32
      %convert_element_type3A_101 = arith.extui %ge3A_100 : i1 to i32
      %cond3A_102 = arith.constant 0 : i32
      %cond3A_103 = arith.cmpi ne, %convert_element_type3A_101, %cond3A_102 : i32
      scf.if %cond3A_103 {
        %dma_wait3A_121 = arith.constant 0 : i32
        %dma_wait3A_122 = arith.constant 0 : i32
        %dma_wait3A_123 = tpu.memref_slice %arg13[%dma_wait3A_121, %dma_wait3A_122] : memref<10240x128xf32, #tpu.memory_space<vmem_shared>> -> memref<10240x128xf32, #tpu.memory_space<vmem_shared>>
        tpu.wait_indirect_dma semaphore(%arg15 : memref<!tpu.dma_semaphore, #tpu.memory_space<semaphore_mem>>) src(%arg11 : memref<80x128xf32, #tpu.memory_space<vmem>>) dst(%dma_wait3A_123 : memref<10240x128xf32, #tpu.memory_space<vmem_shared>>)
      } else {
      }
      %dma_start3A_104 = arith.constant 0 : i32
      %dma_start3A_105 = arith.constant 0 : i32
      %dma_start3A_106 = tpu.memref_slice %arg2[%dma_start3A_104, %dma_start3A_105] : memref<10000x128xf32, #tpu.memory_space<hbm>> -> memref<10000x128xf32, #tpu.memory_space<hbm>>
      tpu.enqueue_indirect_dma source(%dma_start3A_106 : memref<10000x128xf32, #tpu.memory_space<hbm>>) target(%arg11 : memref<80x128xf32, #tpu.memory_space<vmem>>) offsets(%arg7 : memref<80xi32, #tpu.memory_space<vmem>>) semaphore(%arg14 : memref<!tpu.dma_semaphore, #tpu.memory_space<semaphore_mem>>)
      %add3A_107 = arith.constant 1 : i32
      %add3A_108 = arith.addi %add3A_98, %add3A_107 : i32
      %lt3A_109 = arith.constant 125 : i32
      %lt3A_110 = arith.cmpi slt, %add3A_108, %lt3A_109 : i32
      %convert_element_type3A_111 = arith.extui %lt3A_110 : i1 to i32
      %cond3A_112 = arith.constant 0 : i32
      %cond3A_113 = arith.cmpi ne, %convert_element_type3A_111, %cond3A_112 : i32
      scf.if %cond3A_113 {
        %add3A_121 = arith.constant 1 : i32
        %add3A_122 = arith.addi %add3A_98, %add3A_121 : i32
        %mul3A_123 = arith.constant 80 : i32
        %mul3A_124 = arith.muli %add3A_122, %mul3A_123 : i32
        %add3A_125 = arith.addi %mul3A_29, %mul3A_124 : i32
        "tpu.region"() ({
          %run_scoped3A = tpu.sem_alloc : memref<!tpu.dma_semaphore, #tpu.memory_space<semaphore_mem>>
          %dma_start3A_126 = tpu.memref_slice %arg3[%add3A_125] : memref<320000xi32, #tpu.memory_space<hbm>> -> memref<80xi32, #tpu.memory_space<hbm>>
          %dma_start3A_127 = tpu.memref_slice %arg3[%add3A_125] : memref<320000xi32, #tpu.memory_space<hbm>> -> memref<80xi32, #tpu.memory_space<hbm>>
          tpu.enqueue_dma source(%dma_start3A_127 : memref<80xi32, #tpu.memory_space<hbm>>) target(%arg6 : memref<80xi32, #tpu.memory_space<vmem>>) target_semaphore(%run_scoped3A : memref<!tpu.dma_semaphore, #tpu.memory_space<semaphore_mem>>)
          %dma_wait3A_128 = tpu.memref_slice %arg3[%add3A_125] : memref<320000xi32, #tpu.memory_space<hbm>> -> memref<80xi32, #tpu.memory_space<hbm>>
          %dma_wait3A_129 = tpu.memref_slice %arg3[%add3A_125] : memref<320000xi32, #tpu.memory_space<hbm>> -> memref<80xi32, #tpu.memory_space<hbm>>
          tpu.wait_dma2 semaphore(%run_scoped3A : memref<!tpu.dma_semaphore, #tpu.memory_space<semaphore_mem>>) src(%dma_wait3A_129 : memref<80xi32, #tpu.memory_space<hbm>>) dst(%arg6 : memref<80xi32, #tpu.memory_space<vmem>>)
          tpu.yield
        }) : () -> ()
        "tpu.region"() ({
          %run_scoped3A = tpu.sem_alloc : memref<!tpu.dma_semaphore, #tpu.memory_space<semaphore_mem>>
          %dma_start3A_126 = tpu.memref_slice %arg4[%add3A_125] : memref<320000xi32, #tpu.memory_space<hbm>> -> memref<80xi32, #tpu.memory_space<hbm>>
          %dma_start3A_127 = tpu.memref_slice %arg4[%add3A_125] : memref<320000xi32, #tpu.memory_space<hbm>> -> memref<80xi32, #tpu.memory_space<hbm>>
          tpu.enqueue_dma source(%dma_start3A_127 : memref<80xi32, #tpu.memory_space<hbm>>) target(%arg8 : memref<80xi32, #tpu.memory_space<vmem>>) target_semaphore(%run_scoped3A : memref<!tpu.dma_semaphore, #tpu.memory_space<semaphore_mem>>)
          %dma_wait3A_128 = tpu.memref_slice %arg4[%add3A_125] : memref<320000xi32, #tpu.memory_space<hbm>> -> memref<80xi32, #tpu.memory_space<hbm>>
          %dma_wait3A_129 = tpu.memref_slice %arg4[%add3A_125] : memref<320000xi32, #tpu.memory_space<hbm>> -> memref<80xi32, #tpu.memory_space<hbm>>
          tpu.wait_dma2 semaphore(%run_scoped3A : memref<!tpu.dma_semaphore, #tpu.memory_space<semaphore_mem>>) src(%dma_wait3A_129 : memref<80xi32, #tpu.memory_space<hbm>>) dst(%arg8 : memref<80xi32, #tpu.memory_space<vmem>>)
          tpu.yield
        }) : () -> ()
      } else {
      }
      %dma_wait3A_114 = arith.constant 0 : i32
      %dma_wait3A_115 = arith.constant 0 : i32
      %dma_wait3A_116 = tpu.memref_slice %arg2[%dma_wait3A_114, %dma_wait3A_115] : memref<10000x128xf32, #tpu.memory_space<hbm>> -> memref<10000x128xf32, #tpu.memory_space<hbm>>
      tpu.wait_indirect_dma semaphore(%arg14 : memref<!tpu.dma_semaphore, #tpu.memory_space<semaphore_mem>>) src(%dma_wait3A_116 : memref<10000x128xf32, #tpu.memory_space<hbm>>) dst(%arg11 : memref<80x128xf32, #tpu.memory_space<vmem>>)
      %dma_start3A_117 = arith.constant 0 : i32
      %dma_start3A_118 = arith.constant 0 : i32
      %dma_start3A_119 = tpu.memref_slice %arg13[%dma_start3A_117, %dma_start3A_118] : memref<10240x128xf32, #tpu.memory_space<vmem_shared>> -> memref<10240x128xf32, #tpu.memory_space<vmem_shared>>
      tpu.enqueue_indirect_dma source(%arg11 : memref<80x128xf32, #tpu.memory_space<vmem>>) target(%dma_start3A_119 : memref<10240x128xf32, #tpu.memory_space<vmem_shared>>) offsets(%arg9 : memref<80xi32, #tpu.memory_space<vmem>>) semaphore(%arg15 : memref<!tpu.dma_semaphore, #tpu.memory_space<semaphore_mem>>) {add = true}
      %scan3A_120 = arith.constant 0 : i32
      scf.yield %scan3A_120 : i32
    }
    %scan3A_36 = arith.constant 62 : i32
    %dma_wait3A = arith.constant 0 : i32
    %dma_wait3A_37 = arith.constant 0 : i32
    %dma_wait3A_38 = tpu.memref_slice %arg13[%dma_wait3A, %dma_wait3A_37] : memref<10240x128xf32, #tpu.memory_space<vmem_shared>> -> memref<10240x128xf32, #tpu.memory_space<vmem_shared>>
    tpu.wait_indirect_dma semaphore(%arg15 : memref<!tpu.dma_semaphore, #tpu.memory_space<semaphore_mem>>) src(%arg10 : memref<80x128xf32, #tpu.memory_space<vmem>>) dst(%dma_wait3A_38 : memref<10240x128xf32, #tpu.memory_space<vmem_shared>>)
    %dma_start3A = arith.constant 0 : i32
    %dma_start3A_39 = arith.constant 0 : i32
    %dma_start3A_40 = tpu.memref_slice %arg2[%dma_start3A, %dma_start3A_39] : memref<10000x128xf32, #tpu.memory_space<hbm>> -> memref<10000x128xf32, #tpu.memory_space<hbm>>
    tpu.enqueue_indirect_dma source(%dma_start3A_40 : memref<10000x128xf32, #tpu.memory_space<hbm>>) target(%arg10 : memref<80x128xf32, #tpu.memory_space<vmem>>) offsets(%arg6 : memref<80xi32, #tpu.memory_space<vmem>>) semaphore(%arg14 : memref<!tpu.dma_semaphore, #tpu.memory_space<semaphore_mem>>)
    %dma_wait3A_41 = arith.constant 0 : i32
    %dma_wait3A_42 = arith.constant 0 : i32
    %dma_wait3A_43 = tpu.memref_slice %arg2[%dma_wait3A_41, %dma_wait3A_42] : memref<10000x128xf32, #tpu.memory_space<hbm>> -> memref<10000x128xf32, #tpu.memory_space<hbm>>
    tpu.wait_indirect_dma semaphore(%arg14 : memref<!tpu.dma_semaphore, #tpu.memory_space<semaphore_mem>>) src(%dma_wait3A_43 : memref<10000x128xf32, #tpu.memory_space<hbm>>) dst(%arg10 : memref<80x128xf32, #tpu.memory_space<vmem>>)
    %dma_start3A_44 = arith.constant 0 : i32
    %dma_start3A_45 = arith.constant 0 : i32
    %dma_start3A_46 = tpu.memref_slice %arg13[%dma_start3A_44, %dma_start3A_45] : memref<10240x128xf32, #tpu.memory_space<vmem_shared>> -> memref<10240x128xf32, #tpu.memory_space<vmem_shared>>
    tpu.enqueue_indirect_dma source(%arg10 : memref<80x128xf32, #tpu.memory_space<vmem>>) target(%dma_start3A_46 : memref<10240x128xf32, #tpu.memory_space<vmem_shared>>) offsets(%arg8 : memref<80xi32, #tpu.memory_space<vmem>>) semaphore(%arg15 : memref<!tpu.dma_semaphore, #tpu.memory_space<semaphore_mem>>) {add = true}
    %dma_wait3A_47 = arith.constant 0 : i32
    %dma_wait3A_48 = arith.constant 0 : i32
    %dma_wait3A_49 = tpu.memref_slice %arg13[%dma_wait3A_47, %dma_wait3A_48] : memref<10240x128xf32, #tpu.memory_space<vmem_shared>> -> memref<10240x128xf32, #tpu.memory_space<vmem_shared>>
    tpu.wait_indirect_dma semaphore(%arg15 : memref<!tpu.dma_semaphore, #tpu.memory_space<semaphore_mem>>) src(%arg11 : memref<80x128xf32, #tpu.memory_space<vmem>>) dst(%dma_wait3A_49 : memref<10240x128xf32, #tpu.memory_space<vmem_shared>>)
    %dma_wait3A_50 = arith.constant 0 : i32
    %dma_wait3A_51 = arith.constant 0 : i32
    %dma_wait3A_52 = tpu.memref_slice %arg13[%dma_wait3A_50, %dma_wait3A_51] : memref<10240x128xf32, #tpu.memory_space<vmem_shared>> -> memref<10240x128xf32, #tpu.memory_space<vmem_shared>>
    tpu.wait_indirect_dma semaphore(%arg15 : memref<!tpu.dma_semaphore, #tpu.memory_space<semaphore_mem>>) src(%arg10 : memref<80x128xf32, #tpu.memory_space<vmem>>) dst(%dma_wait3A_52 : memref<10240x128xf32, #tpu.memory_space<vmem_shared>>)
    %barrier3A_53 = arith.constant 0 : index
    tpu.barrier barrier_id(%barrier3A_53)
    %mul3A_54 = arith.constant 640 : i32
    %mul3A_55 = arith.muli %arg1, %mul3A_54 : i32
    %add3A_56 = arith.constant 0 : i32
    %add3A_57 = arith.addi %mul3A_55, %add3A_56 : i32
    "tpu.region"() ({
      %run_scoped3A = tpu.sem_alloc : memref<!tpu.dma_semaphore, #tpu.memory_space<semaphore_mem>>
      %dma_start3A_74 = arith.constant 0 : i32
      %dma_start3A_75 = tpu.memref_slice %arg5[%arg0, %add3A_57, %dma_start3A_74] : memref<2x10240x128xf32, #tpu.memory_space<hbm>> -> memref<1x128x128xf32, #tpu.memory_space<hbm>>
      %dma_start3A_76 = tpu.memref_squeeze %dma_start3A_75 : memref<1x128x128xf32, #tpu.memory_space<hbm>> -> memref<128x128xf32, #tpu.memory_space<hbm>>
      %dma_start3A_77 = arith.constant 0 : i32
      %dma_start3A_78 = tpu.memref_slice %arg13[%add3A_57, %dma_start3A_77] : memref<10240x128xf32, #tpu.memory_space<vmem_shared>> -> memref<128x128xf32, #tpu.memory_space<vmem_shared>>
      tpu.enqueue_dma source(%dma_start3A_78 : memref<128x128xf32, #tpu.memory_space<vmem_shared>>) target(%dma_start3A_76 : memref<128x128xf32, #tpu.memory_space<hbm>>) target_semaphore(%run_scoped3A : memref<!tpu.dma_semaphore, #tpu.memory_space<semaphore_mem>>)
      %dma_wait3A_79 = arith.constant 0 : i32
      %dma_wait3A_80 = tpu.memref_slice %arg5[%arg0, %add3A_57, %dma_wait3A_79] : memref<2x10240x128xf32, #tpu.memory_space<hbm>> -> memref<1x128x128xf32, #tpu.memory_space<hbm>>
      %dma_wait3A_81 = tpu.memref_squeeze %dma_wait3A_80 : memref<1x128x128xf32, #tpu.memory_space<hbm>> -> memref<128x128xf32, #tpu.memory_space<hbm>>
      %dma_wait3A_82 = arith.constant 0 : i32
      %dma_wait3A_83 = tpu.memref_slice %arg13[%add3A_57, %dma_wait3A_82] : memref<10240x128xf32, #tpu.memory_space<vmem_shared>> -> memref<128x128xf32, #tpu.memory_space<vmem_shared>>
      tpu.wait_dma2 semaphore(%run_scoped3A : memref<!tpu.dma_semaphore, #tpu.memory_space<semaphore_mem>>) src(%dma_wait3A_83 : memref<128x128xf32, #tpu.memory_space<vmem_shared>>) dst(%dma_wait3A_81 : memref<128x128xf32, #tpu.memory_space<hbm>>)
      tpu.yield
    }) : () -> ()
    %mul3A_58 = arith.constant 640 : i32
    %mul3A_59 = arith.muli %arg1, %mul3A_58 : i32
    %add3A_60 = arith.constant 128 : i32
    %add3A_61 = arith.addi %mul3A_59, %add3A_60 : i32
    "tpu.region"() ({
      %run_scoped3A = tpu.sem_alloc : memref<!tpu.dma_semaphore, #tpu.memory_space<semaphore_mem>>
      %dma_start3A_74 = arith.constant 0 : i32
      %dma_start3A_75 = tpu.memref_slice %arg5[%arg0, %add3A_61, %dma_start3A_74] : memref<2x10240x128xf32, #tpu.memory_space<hbm>> -> memref<1x128x128xf32, #tpu.memory_space<hbm>>
      %dma_start3A_76 = tpu.memref_squeeze %dma_start3A_75 : memref<1x128x128xf32, #tpu.memory_space<hbm>> -> memref<128x128xf32, #tpu.memory_space<hbm>>
      %dma_start3A_77 = arith.constant 0 : i32
      %dma_start3A_78 = tpu.memref_slice %arg13[%add3A_61, %dma_start3A_77] : memref<10240x128xf32, #tpu.memory_space<vmem_shared>> -> memref<128x128xf32, #tpu.memory_space<vmem_shared>>
      tpu.enqueue_dma source(%dma_start3A_78 : memref<128x128xf32, #tpu.memory_space<vmem_shared>>) target(%dma_start3A_76 : memref<128x128xf32, #tpu.memory_space<hbm>>) target_semaphore(%run_scoped3A : memref<!tpu.dma_semaphore, #tpu.memory_space<semaphore_mem>>)
      %dma_wait3A_79 = arith.constant 0 : i32
      %dma_wait3A_80 = tpu.memref_slice %arg5[%arg0, %add3A_61, %dma_wait3A_79] : memref<2x10240x128xf32, #tpu.memory_space<hbm>> -> memref<1x128x128xf32, #tpu.memory_space<hbm>>
      %dma_wait3A_81 = tpu.memref_squeeze %dma_wait3A_80 : memref<1x128x128xf32, #tpu.memory_space<hbm>> -> memref<128x128xf32, #tpu.memory_space<hbm>>
      %dma_wait3A_82 = arith.constant 0 : i32
      %dma_wait3A_83 = tpu.memref_slice %arg13[%add3A_61, %dma_wait3A_82] : memref<10240x128xf32, #tpu.memory_space<vmem_shared>> -> memref<128x128xf32, #tpu.memory_space<vmem_shared>>
      tpu.wait_dma2 semaphore(%run_scoped3A : memref<!tpu.dma_semaphore, #tpu.memory_space<semaphore_mem>>) src(%dma_wait3A_83 : memref<128x128xf32, #tpu.memory_space<vmem_shared>>) dst(%dma_wait3A_81 : memref<128x128xf32, #tpu.memory_space<hbm>>)
      tpu.yield
    }) : () -> ()
    %mul3A_62 = arith.constant 640 : i32
    %mul3A_63 = arith.muli %arg1, %mul3A_62 : i32
    %add3A_64 = arith.constant 256 : i32
    %add3A_65 = arith.addi %mul3A_63, %add3A_64 : i32
    "tpu.region"() ({
      %run_scoped3A = tpu.sem_alloc : memref<!tpu.dma_semaphore, #tpu.memory_space<semaphore_mem>>
      %dma_start3A_74 = arith.constant 0 : i32
      %dma_start3A_75 = tpu.memref_slice %arg5[%arg0, %add3A_65, %dma_start3A_74] : memref<2x10240x128xf32, #tpu.memory_space<hbm>> -> memref<1x128x128xf32, #tpu.memory_space<hbm>>
      %dma_start3A_76 = tpu.memref_squeeze %dma_start3A_75 : memref<1x128x128xf32, #tpu.memory_space<hbm>> -> memref<128x128xf32, #tpu.memory_space<hbm>>
      %dma_start3A_77 = arith.constant 0 : i32
      %dma_start3A_78 = tpu.memref_slice %arg13[%add3A_65, %dma_start3A_77] : memref<10240x128xf32, #tpu.memory_space<vmem_shared>> -> memref<128x128xf32, #tpu.memory_space<vmem_shared>>
      tpu.enqueue_dma source(%dma_start3A_78 : memref<128x128xf32, #tpu.memory_space<vmem_shared>>) target(%dma_start3A_76 : memref<128x128xf32, #tpu.memory_space<hbm>>) target_semaphore(%run_scoped3A : memref<!tpu.dma_semaphore, #tpu.memory_space<semaphore_mem>>)
      %dma_wait3A_79 = arith.constant 0 : i32
      %dma_wait3A_80 = tpu.memref_slice %arg5[%arg0, %add3A_65, %dma_wait3A_79] : memref<2x10240x128xf32, #tpu.memory_space<hbm>> -> memref<1x128x128xf32, #tpu.memory_space<hbm>>
      %dma_wait3A_81 = tpu.memref_squeeze %dma_wait3A_80 : memref<1x128x128xf32, #tpu.memory_space<hbm>> -> memref<128x128xf32, #tpu.memory_space<hbm>>
      %dma_wait3A_82 = arith.constant 0 : i32
      %dma_wait3A_83 = tpu.memref_slice %arg13[%add3A_65, %dma_wait3A_82] : memref<10240x128xf32, #tpu.memory_space<vmem_shared>> -> memref<128x128xf32, #tpu.memory_space<vmem_shared>>
      tpu.wait_dma2 semaphore(%run_scoped3A : memref<!tpu.dma_semaphore, #tpu.memory_space<semaphore_mem>>) src(%dma_wait3A_83 : memref<128x128xf32, #tpu.memory_space<vmem_shared>>) dst(%dma_wait3A_81 : memref<128x128xf32, #tpu.memory_space<hbm>>)
      tpu.yield
    }) : () -> ()
    %mul3A_66 = arith.constant 640 : i32
    %mul3A_67 = arith.muli %arg1, %mul3A_66 : i32
    %add3A_68 = arith.constant 384 : i32
    %add3A_69 = arith.addi %mul3A_67, %add3A_68 : i32
    "tpu.region"() ({
      %run_scoped3A = tpu.sem_alloc : memref<!tpu.dma_semaphore, #tpu.memory_space<semaphore_mem>>
      %dma_start3A_74 = arith.constant 0 : i32
      %dma_start3A_75 = tpu.memref_slice %arg5[%arg0, %add3A_69, %dma_start3A_74] : memref<2x10240x128xf32, #tpu.memory_space<hbm>> -> memref<1x128x128xf32, #tpu.memory_space<hbm>>
      %dma_start3A_76 = tpu.memref_squeeze %dma_start3A_75 : memref<1x128x128xf32, #tpu.memory_space<hbm>> -> memref<128x128xf32, #tpu.memory_space<hbm>>
      %dma_start3A_77 = arith.constant 0 : i32
      %dma_start3A_78 = tpu.memref_slice %arg13[%add3A_69, %dma_start3A_77] : memref<10240x128xf32, #tpu.memory_space<vmem_shared>> -> memref<128x128xf32, #tpu.memory_space<vmem_shared>>
      tpu.enqueue_dma source(%dma_start3A_78 : memref<128x128xf32, #tpu.memory_space<vmem_shared>>) target(%dma_start3A_76 : memref<128x128xf32, #tpu.memory_space<hbm>>) target_semaphore(%run_scoped3A : memref<!tpu.dma_semaphore, #tpu.memory_space<semaphore_mem>>)
      %dma_wait3A_79 = arith.constant 0 : i32
      %dma_wait3A_80 = tpu.memref_slice %arg5[%arg0, %add3A_69, %dma_wait3A_79] : memref<2x10240x128xf32, #tpu.memory_space<hbm>> -> memref<1x128x128xf32, #tpu.memory_space<hbm>>
      %dma_wait3A_81 = tpu.memref_squeeze %dma_wait3A_80 : memref<1x128x128xf32, #tpu.memory_space<hbm>> -> memref<128x128xf32, #tpu.memory_space<hbm>>
      %dma_wait3A_82 = arith.constant 0 : i32
      %dma_wait3A_83 = tpu.memref_slice %arg13[%add3A_69, %dma_wait3A_82] : memref<10240x128xf32, #tpu.memory_space<vmem_shared>> -> memref<128x128xf32, #tpu.memory_space<vmem_shared>>
      tpu.wait_dma2 semaphore(%run_scoped3A : memref<!tpu.dma_semaphore, #tpu.memory_space<semaphore_mem>>) src(%dma_wait3A_83 : memref<128x128xf32, #tpu.memory_space<vmem_shared>>) dst(%dma_wait3A_81 : memref<128x128xf32, #tpu.memory_space<hbm>>)
      tpu.yield
    }) : () -> ()
    %mul3A_70 = arith.constant 640 : i32
    %mul3A_71 = arith.muli %arg1, %mul3A_70 : i32
    %add3A_72 = arith.constant 512 : i32
    %add3A_73 = arith.addi %mul3A_71, %add3A_72 : i32
    "tpu.region"() ({
      %run_scoped3A = tpu.sem_alloc : memref<!tpu.dma_semaphore, #tpu.memory_space<semaphore_mem>>
      %dma_start3A_74 = arith.constant 0 : i32
      %dma_start3A_75 = tpu.memref_slice %arg5[%arg0, %add3A_73, %dma_start3A_74] : memref<2x10240x128xf32, #tpu.memory_space<hbm>> -> memref<1x128x128xf32, #tpu.memory_space<hbm>>
      %dma_start3A_76 = tpu.memref_squeeze %dma_start3A_75 : memref<1x128x128xf32, #tpu.memory_space<hbm>> -> memref<128x128xf32, #tpu.memory_space<hbm>>
      %dma_start3A_77 = arith.constant 0 : i32
      %dma_start3A_78 = tpu.memref_slice %arg13[%add3A_73, %dma_start3A_77] : memref<10240x128xf32, #tpu.memory_space<vmem_shared>> -> memref<128x128xf32, #tpu.memory_space<vmem_shared>>
      tpu.enqueue_dma source(%dma_start3A_78 : memref<128x128xf32, #tpu.memory_space<vmem_shared>>) target(%dma_start3A_76 : memref<128x128xf32, #tpu.memory_space<hbm>>) target_semaphore(%run_scoped3A : memref<!tpu.dma_semaphore, #tpu.memory_space<semaphore_mem>>)
      %dma_wait3A_79 = arith.constant 0 : i32
      %dma_wait3A_80 = tpu.memref_slice %arg5[%arg0, %add3A_73, %dma_wait3A_79] : memref<2x10240x128xf32, #tpu.memory_space<hbm>> -> memref<1x128x128xf32, #tpu.memory_space<hbm>>
      %dma_wait3A_81 = tpu.memref_squeeze %dma_wait3A_80 : memref<1x128x128xf32, #tpu.memory_space<hbm>> -> memref<128x128xf32, #tpu.memory_space<hbm>>
      %dma_wait3A_82 = arith.constant 0 : i32
      %dma_wait3A_83 = tpu.memref_slice %arg13[%add3A_73, %dma_wait3A_82] : memref<10240x128xf32, #tpu.memory_space<vmem_shared>> -> memref<128x128xf32, #tpu.memory_space<vmem_shared>>
      tpu.wait_dma2 semaphore(%run_scoped3A : memref<!tpu.dma_semaphore, #tpu.memory_space<semaphore_mem>>) src(%dma_wait3A_83 : memref<128x128xf32, #tpu.memory_space<vmem_shared>>) dst(%dma_wait3A_81 : memref<128x128xf32, #tpu.memory_space<hbm>>)
      tpu.yield
    }) : () -> ()
    return
  }
}

#map = affine_map<(d0, d1) -> (0, 0)>
#map1 = affine_map<(d0, d1) -> (0, 0, 0)>
module attributes {stable_mosaic.version = 14 : i64} {
  func.func @_count_body(%arg0: i32, %arg1: i32, %arg2: memref<2560x128xi32, #tpu.memory_space<hbm>>, %arg3: memref<2x10240x128xf32, #tpu.memory_space<hbm>>, %arg4: memref<128x128xf32, #tpu.memory_space<vmem>>, %arg5: memref<80x128xi32, #tpu.memory_space<vmem>>, %arg6: memref<128x128xf32, #tpu.memory_space<vmem>>, %arg7: memref<10240x128xf32, #tpu.memory_space<vmem_shared>>, %arg8: memref<!tpu.dma_semaphore, #tpu.memory_space<semaphore_mem>>) attributes {dimension_semantics = [#tpu.dimension_semantics<core_parallel>, #tpu.dimension_semantics<subcore_parallel>], iteration_bounds = array<i64: 2, 16>, scalar_prefetch = 0 : i64, scratch_operands = 5 : i64, tpu.core_type = #tpu.core_type<sc_vector_subcore>, window_params = [{transform_indices = #map}, {transform_indices = #map1}]} {
    %mul3A = arith.constant 16 : i32
    %mul3A_0 = arith.muli %arg0, %mul3A : i32
    %add3A = arith.addi %mul3A_0, %arg1 : i32
    %broadcast_in_dim3A = arith.constant 1.000000e+00 : f32
    %broadcast_in_dim3A_1 = vector.broadcast %broadcast_in_dim3A : f32 to vector<16xf32>
    %scan3A = arith.constant 0 : i32
    %scan3A_2 = arith.constant 0 : i32
    %scan3A_3 = arith.constant 128 : i32
    %scan3A_4 = arith.addi %scan3A_2, %scan3A_3 : i32
    %scan3A_5 = arith.constant 1 : i32
    %scan3A_6 = scf.for %scan3A_67 = %scan3A_2 to %scan3A_4 step %scan3A_5 iter_args(%scan3A_68 = %scan3A) -> (i32)  : i32 {
      %swap3A = arith.index_cast %scan3A_67 : i32 to index
      %swap3A_69 = arith.constant 0 : index
      %swap3A_70 = tpu.vector_load %arg4[%swap3A, %swap3A_69] {strides = array<i32>} : memref<128x128xf32, #tpu.memory_space<vmem>>, vector<1x16xf32>,
      %swap3A_71 = vector.shape_cast %swap3A_70 : vector<1x16xf32> to vector<16xf32>
      %swap3A_72 = vector.shape_cast %broadcast_in_dim3A_1 : vector<16xf32> to vector<1x16xf32>
      tpu.vector_store %arg4[%swap3A, %swap3A_69], %swap3A_72 {strides = array<i32>} : memref<128x128xf32, #tpu.memory_space<vmem>>, vector<1x16xf32>,
      %swap3A_73 = arith.index_cast %scan3A_67 : i32 to index
      %swap3A_74 = arith.constant 16 : index
      %swap3A_75 = tpu.vector_load %arg4[%swap3A_73, %swap3A_74] {strides = array<i32>} : memref<128x128xf32, #tpu.memory_space<vmem>>, vector<1x16xf32>,
      %swap3A_76 = vector.shape_cast %swap3A_75 : vector<1x16xf32> to vector<16xf32>
      %swap3A_77 = vector.shape_cast %broadcast_in_dim3A_1 : vector<16xf32> to vector<1x16xf32>
      tpu.vector_store %arg4[%swap3A_73, %swap3A_74], %swap3A_77 {strides = array<i32>} : memref<128x128xf32, #tpu.memory_space<vmem>>, vector<1x16xf32>,
      %swap3A_78 = arith.index_cast %scan3A_67 : i32 to index
      %swap3A_79 = arith.constant 32 : index
      %swap3A_80 = tpu.vector_load %arg4[%swap3A_78, %swap3A_79] {strides = array<i32>} : memref<128x128xf32, #tpu.memory_space<vmem>>, vector<1x16xf32>,
      %swap3A_81 = vector.shape_cast %swap3A_80 : vector<1x16xf32> to vector<16xf32>
      %swap3A_82 = vector.shape_cast %broadcast_in_dim3A_1 : vector<16xf32> to vector<1x16xf32>
      tpu.vector_store %arg4[%swap3A_78, %swap3A_79], %swap3A_82 {strides = array<i32>} : memref<128x128xf32, #tpu.memory_space<vmem>>, vector<1x16xf32>,
      %swap3A_83 = arith.index_cast %scan3A_67 : i32 to index
      %swap3A_84 = arith.constant 48 : index
      %swap3A_85 = tpu.vector_load %arg4[%swap3A_83, %swap3A_84] {strides = array<i32>} : memref<128x128xf32, #tpu.memory_space<vmem>>, vector<1x16xf32>,
      %swap3A_86 = vector.shape_cast %swap3A_85 : vector<1x16xf32> to vector<16xf32>
      %swap3A_87 = vector.shape_cast %broadcast_in_dim3A_1 : vector<16xf32> to vector<1x16xf32>
      tpu.vector_store %arg4[%swap3A_83, %swap3A_84], %swap3A_87 {strides = array<i32>} : memref<128x128xf32, #tpu.memory_space<vmem>>, vector<1x16xf32>,
      %swap3A_88 = arith.index_cast %scan3A_67 : i32 to index
      %swap3A_89 = arith.constant 64 : index
      %swap3A_90 = tpu.vector_load %arg4[%swap3A_88, %swap3A_89] {strides = array<i32>} : memref<128x128xf32, #tpu.memory_space<vmem>>, vector<1x16xf32>,
      %swap3A_91 = vector.shape_cast %swap3A_90 : vector<1x16xf32> to vector<16xf32>
      %swap3A_92 = vector.shape_cast %broadcast_in_dim3A_1 : vector<16xf32> to vector<1x16xf32>
      tpu.vector_store %arg4[%swap3A_88, %swap3A_89], %swap3A_92 {strides = array<i32>} : memref<128x128xf32, #tpu.memory_space<vmem>>, vector<1x16xf32>,
      %swap3A_93 = arith.index_cast %scan3A_67 : i32 to index
      %swap3A_94 = arith.constant 80 : index
      %swap3A_95 = tpu.vector_load %arg4[%swap3A_93, %swap3A_94] {strides = array<i32>} : memref<128x128xf32, #tpu.memory_space<vmem>>, vector<1x16xf32>,
      %swap3A_96 = vector.shape_cast %swap3A_95 : vector<1x16xf32> to vector<16xf32>
      %swap3A_97 = vector.shape_cast %broadcast_in_dim3A_1 : vector<16xf32> to vector<1x16xf32>
      tpu.vector_store %arg4[%swap3A_93, %swap3A_94], %swap3A_97 {strides = array<i32>} : memref<128x128xf32, #tpu.memory_space<vmem>>, vector<1x16xf32>,
      %swap3A_98 = arith.index_cast %scan3A_67 : i32 to index
      %swap3A_99 = arith.constant 96 : index
      %swap3A_100 = tpu.vector_load %arg4[%swap3A_98, %swap3A_99] {strides = array<i32>} : memref<128x128xf32, #tpu.memory_space<vmem>>, vector<1x16xf32>,
      %swap3A_101 = vector.shape_cast %swap3A_100 : vector<1x16xf32> to vector<16xf32>
      %swap3A_102 = vector.shape_cast %broadcast_in_dim3A_1 : vector<16xf32> to vector<1x16xf32>
      tpu.vector_store %arg4[%swap3A_98, %swap3A_99], %swap3A_102 {strides = array<i32>} : memref<128x128xf32, #tpu.memory_space<vmem>>, vector<1x16xf32>,
      %swap3A_103 = arith.index_cast %scan3A_67 : i32 to index
      %swap3A_104 = arith.constant 112 : index
      %swap3A_105 = tpu.vector_load %arg4[%swap3A_103, %swap3A_104] {strides = array<i32>} : memref<128x128xf32, #tpu.memory_space<vmem>>, vector<1x16xf32>,
      %swap3A_106 = vector.shape_cast %swap3A_105 : vector<1x16xf32> to vector<16xf32>
      %swap3A_107 = vector.shape_cast %broadcast_in_dim3A_1 : vector<16xf32> to vector<1x16xf32>
      tpu.vector_store %arg4[%swap3A_103, %swap3A_104], %swap3A_107 {strides = array<i32>} : memref<128x128xf32, #tpu.memory_space<vmem>>, vector<1x16xf32>,
      %scan3A_108 = arith.constant 0 : i32
      scf.yield %scan3A_108 : i32
    }
    %scan3A_7 = arith.constant 128 : i32
    %broadcast_in_dim3A_8 = arith.constant 0.000000e+00 : f32
    %broadcast_in_dim3A_9 = vector.broadcast %broadcast_in_dim3A_8 : f32 to vector<16xf32>
    %scan3A_10 = arith.constant 0 : i32
    %scan3A_11 = arith.constant 0 : i32
    %scan3A_12 = arith.constant 128 : i32
    %scan3A_13 = arith.addi %scan3A_11, %scan3A_12 : i32
    %scan3A_14 = arith.constant 1 : i32
    %scan3A_15 = scf.for %scan3A_67 = %scan3A_11 to %scan3A_13 step %scan3A_14 iter_args(%scan3A_68 = %scan3A_10) -> (i32)  : i32 {
      %swap3A = arith.index_cast %scan3A_67 : i32 to index
      %swap3A_69 = arith.constant 0 : index
      %swap3A_70 = tpu.vector_load %arg6[%swap3A, %swap3A_69] {strides = array<i32>} : memref<128x128xf32, #tpu.memory_space<vmem>>, vector<1x16xf32>,
      %swap3A_71 = vector.shape_cast %swap3A_70 : vector<1x16xf32> to vector<16xf32>
      %swap3A_72 = vector.shape_cast %broadcast_in_dim3A_9 : vector<16xf32> to vector<1x16xf32>
      tpu.vector_store %arg6[%swap3A, %swap3A_69], %swap3A_72 {strides = array<i32>} : memref<128x128xf32, #tpu.memory_space<vmem>>, vector<1x16xf32>,
      %swap3A_73 = arith.index_cast %scan3A_67 : i32 to index
      %swap3A_74 = arith.constant 16 : index
      %swap3A_75 = tpu.vector_load %arg6[%swap3A_73, %swap3A_74] {strides = array<i32>} : memref<128x128xf32, #tpu.memory_space<vmem>>, vector<1x16xf32>,
      %swap3A_76 = vector.shape_cast %swap3A_75 : vector<1x16xf32> to vector<16xf32>
      %swap3A_77 = vector.shape_cast %broadcast_in_dim3A_9 : vector<16xf32> to vector<1x16xf32>
      tpu.vector_store %arg6[%swap3A_73, %swap3A_74], %swap3A_77 {strides = array<i32>} : memref<128x128xf32, #tpu.memory_space<vmem>>, vector<1x16xf32>,
      %swap3A_78 = arith.index_cast %scan3A_67 : i32 to index
      %swap3A_79 = arith.constant 32 : index
      %swap3A_80 = tpu.vector_load %arg6[%swap3A_78, %swap3A_79] {strides = array<i32>} : memref<128x128xf32, #tpu.memory_space<vmem>>, vector<1x16xf32>,
      %swap3A_81 = vector.shape_cast %swap3A_80 : vector<1x16xf32> to vector<16xf32>
      %swap3A_82 = vector.shape_cast %broadcast_in_dim3A_9 : vector<16xf32> to vector<1x16xf32>
      tpu.vector_store %arg6[%swap3A_78, %swap3A_79], %swap3A_82 {strides = array<i32>} : memref<128x128xf32, #tpu.memory_space<vmem>>, vector<1x16xf32>,
      %swap3A_83 = arith.index_cast %scan3A_67 : i32 to index
      %swap3A_84 = arith.constant 48 : index
      %swap3A_85 = tpu.vector_load %arg6[%swap3A_83, %swap3A_84] {strides = array<i32>} : memref<128x128xf32, #tpu.memory_space<vmem>>, vector<1x16xf32>,
      %swap3A_86 = vector.shape_cast %swap3A_85 : vector<1x16xf32> to vector<16xf32>
      %swap3A_87 = vector.shape_cast %broadcast_in_dim3A_9 : vector<16xf32> to vector<1x16xf32>
      tpu.vector_store %arg6[%swap3A_83, %swap3A_84], %swap3A_87 {strides = array<i32>} : memref<128x128xf32, #tpu.memory_space<vmem>>, vector<1x16xf32>,
      %swap3A_88 = arith.index_cast %scan3A_67 : i32 to index
      %swap3A_89 = arith.constant 64 : index
      %swap3A_90 = tpu.vector_load %arg6[%swap3A_88, %swap3A_89] {strides = array<i32>} : memref<128x128xf32, #tpu.memory_space<vmem>>, vector<1x16xf32>,
      %swap3A_91 = vector.shape_cast %swap3A_90 : vector<1x16xf32> to vector<16xf32>
      %swap3A_92 = vector.shape_cast %broadcast_in_dim3A_9 : vector<16xf32> to vector<1x16xf32>
      tpu.vector_store %arg6[%swap3A_88, %swap3A_89], %swap3A_92 {strides = array<i32>} : memref<128x128xf32, #tpu.memory_space<vmem>>, vector<1x16xf32>,
      %swap3A_93 = arith.index_cast %scan3A_67 : i32 to index
      %swap3A_94 = arith.constant 80 : index
      %swap3A_95 = tpu.vector_load %arg6[%swap3A_93, %swap3A_94] {strides = array<i32>} : memref<128x128xf32, #tpu.memory_space<vmem>>, vector<1x16xf32>,
      %swap3A_96 = vector.shape_cast %swap3A_95 : vector<1x16xf32> to vector<16xf32>
      %swap3A_97 = vector.shape_cast %broadcast_in_dim3A_9 : vector<16xf32> to vector<1x16xf32>
      tpu.vector_store %arg6[%swap3A_93, %swap3A_94], %swap3A_97 {strides = array<i32>} : memref<128x128xf32, #tpu.memory_space<vmem>>, vector<1x16xf32>,
      %swap3A_98 = arith.index_cast %scan3A_67 : i32 to index
      %swap3A_99 = arith.constant 96 : index
      %swap3A_100 = tpu.vector_load %arg6[%swap3A_98, %swap3A_99] {strides = array<i32>} : memref<128x128xf32, #tpu.memory_space<vmem>>, vector<1x16xf32>,
      %swap3A_101 = vector.shape_cast %swap3A_100 : vector<1x16xf32> to vector<16xf32>
      %swap3A_102 = vector.shape_cast %broadcast_in_dim3A_9 : vector<16xf32> to vector<1x16xf32>
      tpu.vector_store %arg6[%swap3A_98, %swap3A_99], %swap3A_102 {strides = array<i32>} : memref<128x128xf32, #tpu.memory_space<vmem>>, vector<1x16xf32>,
      %swap3A_103 = arith.index_cast %scan3A_67 : i32 to index
      %swap3A_104 = arith.constant 112 : index
      %swap3A_105 = tpu.vector_load %arg6[%swap3A_103, %swap3A_104] {strides = array<i32>} : memref<128x128xf32, #tpu.memory_space<vmem>>, vector<1x16xf32>,
      %swap3A_106 = vector.shape_cast %swap3A_105 : vector<1x16xf32> to vector<16xf32>
      %swap3A_107 = vector.shape_cast %broadcast_in_dim3A_9 : vector<16xf32> to vector<1x16xf32>
      tpu.vector_store %arg6[%swap3A_103, %swap3A_104], %swap3A_107 {strides = array<i32>} : memref<128x128xf32, #tpu.memory_space<vmem>>, vector<1x16xf32>,
      %scan3A_108 = arith.constant 0 : i32
      scf.yield %scan3A_108 : i32
    }
    %scan3A_16 = arith.constant 128 : i32
    %mul3A_17 = arith.constant 80 : i32
    %mul3A_18 = arith.muli %add3A, %mul3A_17 : i32
    "tpu.region"() ({
      %run_scoped3A = tpu.sem_alloc : memref<!tpu.dma_semaphore, #tpu.memory_space<semaphore_mem>>
      %dma_start3A = arith.constant 0 : i32
      %dma_start3A_67 = tpu.memref_slice %arg2[%mul3A_18, %dma_start3A] : memref<2560x128xi32, #tpu.memory_space<hbm>> -> memref<80x128xi32, #tpu.memory_space<hbm>>
      %dma_start3A_68 = arith.constant 0 : i32
      %dma_start3A_69 = tpu.memref_slice %arg2[%mul3A_18, %dma_start3A_68] : memref<2560x128xi32, #tpu.memory_space<hbm>> -> memref<80x128xi32, #tpu.memory_space<hbm>>
      tpu.enqueue_dma source(%dma_start3A_69 : memref<80x128xi32, #tpu.memory_space<hbm>>) target(%arg5 : memref<80x128xi32, #tpu.memory_space<vmem>>) target_semaphore(%run_scoped3A : memref<!tpu.dma_semaphore, #tpu.memory_space<semaphore_mem>>)
      %dma_wait3A = arith.constant 0 : i32
      %dma_wait3A_70 = tpu.memref_slice %arg2[%mul3A_18, %dma_wait3A] : memref<2560x128xi32, #tpu.memory_space<hbm>> -> memref<80x128xi32, #tpu.memory_space<hbm>>
      %dma_wait3A_71 = arith.constant 0 : i32
      %dma_wait3A_72 = tpu.memref_slice %arg2[%mul3A_18, %dma_wait3A_71] : memref<2560x128xi32, #tpu.memory_space<hbm>> -> memref<80x128xi32, #tpu.memory_space<hbm>>
      tpu.wait_dma2 semaphore(%run_scoped3A : memref<!tpu.dma_semaphore, #tpu.memory_space<semaphore_mem>>) src(%dma_wait3A_72 : memref<80x128xi32, #tpu.memory_space<hbm>>) dst(%arg5 : memref<80x128xi32, #tpu.memory_space<vmem>>)
      tpu.yield
    }) : () -> ()
    %mul3A_19 = arith.constant 640 : i32
    %mul3A_20 = arith.muli %arg1, %mul3A_19 : i32
    %add3A_21 = arith.constant 0 : i32
    %add3A_22 = arith.addi %mul3A_20, %add3A_21 : i32
    "tpu.region"() ({
      %run_scoped3A = tpu.sem_alloc : memref<!tpu.dma_semaphore, #tpu.memory_space<semaphore_mem>>
      %dma_start3A = arith.constant 0 : i32
      %dma_start3A_67 = tpu.memref_slice %arg7[%add3A_22, %dma_start3A] : memref<10240x128xf32, #tpu.memory_space<vmem_shared>> -> memref<128x128xf32, #tpu.memory_space<vmem_shared>>
      %dma_start3A_68 = arith.constant 0 : i32
      %dma_start3A_69 = tpu.memref_slice %arg7[%add3A_22, %dma_start3A_68] : memref<10240x128xf32, #tpu.memory_space<vmem_shared>> -> memref<128x128xf32, #tpu.memory_space<vmem_shared>>
      tpu.enqueue_dma source(%arg6 : memref<128x128xf32, #tpu.memory_space<vmem>>) target(%dma_start3A_69 : memref<128x128xf32, #tpu.memory_space<vmem_shared>>) target_semaphore(%run_scoped3A : memref<!tpu.dma_semaphore, #tpu.memory_space<semaphore_mem>>)
      %dma_wait3A = arith.constant 0 : i32
      %dma_wait3A_70 = tpu.memref_slice %arg7[%add3A_22, %dma_wait3A] : memref<10240x128xf32, #tpu.memory_space<vmem_shared>> -> memref<128x128xf32, #tpu.memory_space<vmem_shared>>
      %dma_wait3A_71 = arith.constant 0 : i32
      %dma_wait3A_72 = tpu.memref_slice %arg7[%add3A_22, %dma_wait3A_71] : memref<10240x128xf32, #tpu.memory_space<vmem_shared>> -> memref<128x128xf32, #tpu.memory_space<vmem_shared>>
      tpu.wait_dma2 semaphore(%run_scoped3A : memref<!tpu.dma_semaphore, #tpu.memory_space<semaphore_mem>>) src(%arg6 : memref<128x128xf32, #tpu.memory_space<vmem>>) dst(%dma_wait3A_72 : memref<128x128xf32, #tpu.memory_space<vmem_shared>>)
      tpu.yield
    }) : () -> ()
    %mul3A_23 = arith.constant 640 : i32
    %mul3A_24 = arith.muli %arg1, %mul3A_23 : i32
    %add3A_25 = arith.constant 128 : i32
    %add3A_26 = arith.addi %mul3A_24, %add3A_25 : i32
    "tpu.region"() ({
      %run_scoped3A = tpu.sem_alloc : memref<!tpu.dma_semaphore, #tpu.memory_space<semaphore_mem>>
      %dma_start3A = arith.constant 0 : i32
      %dma_start3A_67 = tpu.memref_slice %arg7[%add3A_26, %dma_start3A] : memref<10240x128xf32, #tpu.memory_space<vmem_shared>> -> memref<128x128xf32, #tpu.memory_space<vmem_shared>>
      %dma_start3A_68 = arith.constant 0 : i32
      %dma_start3A_69 = tpu.memref_slice %arg7[%add3A_26, %dma_start3A_68] : memref<10240x128xf32, #tpu.memory_space<vmem_shared>> -> memref<128x128xf32, #tpu.memory_space<vmem_shared>>
      tpu.enqueue_dma source(%arg6 : memref<128x128xf32, #tpu.memory_space<vmem>>) target(%dma_start3A_69 : memref<128x128xf32, #tpu.memory_space<vmem_shared>>) target_semaphore(%run_scoped3A : memref<!tpu.dma_semaphore, #tpu.memory_space<semaphore_mem>>)
      %dma_wait3A = arith.constant 0 : i32
      %dma_wait3A_70 = tpu.memref_slice %arg7[%add3A_26, %dma_wait3A] : memref<10240x128xf32, #tpu.memory_space<vmem_shared>> -> memref<128x128xf32, #tpu.memory_space<vmem_shared>>
      %dma_wait3A_71 = arith.constant 0 : i32
      %dma_wait3A_72 = tpu.memref_slice %arg7[%add3A_26, %dma_wait3A_71] : memref<10240x128xf32, #tpu.memory_space<vmem_shared>> -> memref<128x128xf32, #tpu.memory_space<vmem_shared>>
      tpu.wait_dma2 semaphore(%run_scoped3A : memref<!tpu.dma_semaphore, #tpu.memory_space<semaphore_mem>>) src(%arg6 : memref<128x128xf32, #tpu.memory_space<vmem>>) dst(%dma_wait3A_72 : memref<128x128xf32, #tpu.memory_space<vmem_shared>>)
      tpu.yield
    }) : () -> ()
    %mul3A_27 = arith.constant 640 : i32
    %mul3A_28 = arith.muli %arg1, %mul3A_27 : i32
    %add3A_29 = arith.constant 256 : i32
    %add3A_30 = arith.addi %mul3A_28, %add3A_29 : i32
    "tpu.region"() ({
      %run_scoped3A = tpu.sem_alloc : memref<!tpu.dma_semaphore, #tpu.memory_space<semaphore_mem>>
      %dma_start3A = arith.constant 0 : i32
      %dma_start3A_67 = tpu.memref_slice %arg7[%add3A_30, %dma_start3A] : memref<10240x128xf32, #tpu.memory_space<vmem_shared>> -> memref<128x128xf32, #tpu.memory_space<vmem_shared>>
      %dma_start3A_68 = arith.constant 0 : i32
      %dma_start3A_69 = tpu.memref_slice %arg7[%add3A_30, %dma_start3A_68] : memref<10240x128xf32, #tpu.memory_space<vmem_shared>> -> memref<128x128xf32, #tpu.memory_space<vmem_shared>>
      tpu.enqueue_dma source(%arg6 : memref<128x128xf32, #tpu.memory_space<vmem>>) target(%dma_start3A_69 : memref<128x128xf32, #tpu.memory_space<vmem_shared>>) target_semaphore(%run_scoped3A : memref<!tpu.dma_semaphore, #tpu.memory_space<semaphore_mem>>)
      %dma_wait3A = arith.constant 0 : i32
      %dma_wait3A_70 = tpu.memref_slice %arg7[%add3A_30, %dma_wait3A] : memref<10240x128xf32, #tpu.memory_space<vmem_shared>> -> memref<128x128xf32, #tpu.memory_space<vmem_shared>>
      %dma_wait3A_71 = arith.constant 0 : i32
      %dma_wait3A_72 = tpu.memref_slice %arg7[%add3A_30, %dma_wait3A_71] : memref<10240x128xf32, #tpu.memory_space<vmem_shared>> -> memref<128x128xf32, #tpu.memory_space<vmem_shared>>
      tpu.wait_dma2 semaphore(%run_scoped3A : memref<!tpu.dma_semaphore, #tpu.memory_space<semaphore_mem>>) src(%arg6 : memref<128x128xf32, #tpu.memory_space<vmem>>) dst(%dma_wait3A_72 : memref<128x128xf32, #tpu.memory_space<vmem_shared>>)
      tpu.yield
    }) : () -> ()
    %mul3A_31 = arith.constant 640 : i32
    %mul3A_32 = arith.muli %arg1, %mul3A_31 : i32
    %add3A_33 = arith.constant 384 : i32
    %add3A_34 = arith.addi %mul3A_32, %add3A_33 : i32
    "tpu.region"() ({
      %run_scoped3A = tpu.sem_alloc : memref<!tpu.dma_semaphore, #tpu.memory_space<semaphore_mem>>
      %dma_start3A = arith.constant 0 : i32
      %dma_start3A_67 = tpu.memref_slice %arg7[%add3A_34, %dma_start3A] : memref<10240x128xf32, #tpu.memory_space<vmem_shared>> -> memref<128x128xf32, #tpu.memory_space<vmem_shared>>
      %dma_start3A_68 = arith.constant 0 : i32
      %dma_start3A_69 = tpu.memref_slice %arg7[%add3A_34, %dma_start3A_68] : memref<10240x128xf32, #tpu.memory_space<vmem_shared>> -> memref<128x128xf32, #tpu.memory_space<vmem_shared>>
      tpu.enqueue_dma source(%arg6 : memref<128x128xf32, #tpu.memory_space<vmem>>) target(%dma_start3A_69 : memref<128x128xf32, #tpu.memory_space<vmem_shared>>) target_semaphore(%run_scoped3A : memref<!tpu.dma_semaphore, #tpu.memory_space<semaphore_mem>>)
      %dma_wait3A = arith.constant 0 : i32
      %dma_wait3A_70 = tpu.memref_slice %arg7[%add3A_34, %dma_wait3A] : memref<10240x128xf32, #tpu.memory_space<vmem_shared>> -> memref<128x128xf32, #tpu.memory_space<vmem_shared>>
      %dma_wait3A_71 = arith.constant 0 : i32
      %dma_wait3A_72 = tpu.memref_slice %arg7[%add3A_34, %dma_wait3A_71] : memref<10240x128xf32, #tpu.memory_space<vmem_shared>> -> memref<128x128xf32, #tpu.memory_space<vmem_shared>>
      tpu.wait_dma2 semaphore(%run_scoped3A : memref<!tpu.dma_semaphore, #tpu.memory_space<semaphore_mem>>) src(%arg6 : memref<128x128xf32, #tpu.memory_space<vmem>>) dst(%dma_wait3A_72 : memref<128x128xf32, #tpu.memory_space<vmem_shared>>)
      tpu.yield
    }) : () -> ()
    %mul3A_35 = arith.constant 640 : i32
    %mul3A_36 = arith.muli %arg1, %mul3A_35 : i32
    %add3A_37 = arith.constant 512 : i32
    %add3A_38 = arith.addi %mul3A_36, %add3A_37 : i32
    "tpu.region"() ({
      %run_scoped3A = tpu.sem_alloc : memref<!tpu.dma_semaphore, #tpu.memory_space<semaphore_mem>>
      %dma_start3A = arith.constant 0 : i32
      %dma_start3A_67 = tpu.memref_slice %arg7[%add3A_38, %dma_start3A] : memref<10240x128xf32, #tpu.memory_space<vmem_shared>> -> memref<128x128xf32, #tpu.memory_space<vmem_shared>>
      %dma_start3A_68 = arith.constant 0 : i32
      %dma_start3A_69 = tpu.memref_slice %arg7[%add3A_38, %dma_start3A_68] : memref<10240x128xf32, #tpu.memory_space<vmem_shared>> -> memref<128x128xf32, #tpu.memory_space<vmem_shared>>
      tpu.enqueue_dma source(%arg6 : memref<128x128xf32, #tpu.memory_space<vmem>>) target(%dma_start3A_69 : memref<128x128xf32, #tpu.memory_space<vmem_shared>>) target_semaphore(%run_scoped3A : memref<!tpu.dma_semaphore, #tpu.memory_space<semaphore_mem>>)
      %dma_wait3A = arith.constant 0 : i32
      %dma_wait3A_70 = tpu.memref_slice %arg7[%add3A_38, %dma_wait3A] : memref<10240x128xf32, #tpu.memory_space<vmem_shared>> -> memref<128x128xf32, #tpu.memory_space<vmem_shared>>
      %dma_wait3A_71 = arith.constant 0 : i32
      %dma_wait3A_72 = tpu.memref_slice %arg7[%add3A_38, %dma_wait3A_71] : memref<10240x128xf32, #tpu.memory_space<vmem_shared>> -> memref<128x128xf32, #tpu.memory_space<vmem_shared>>
      tpu.wait_dma2 semaphore(%run_scoped3A : memref<!tpu.dma_semaphore, #tpu.memory_space<semaphore_mem>>) src(%arg6 : memref<128x128xf32, #tpu.memory_space<vmem>>) dst(%dma_wait3A_72 : memref<128x128xf32, #tpu.memory_space<vmem_shared>>)
      tpu.yield
    }) : () -> ()
    %barrier3A = arith.constant 0 : index
    tpu.barrier barrier_id(%barrier3A)
    %scan3A_39 = arith.constant 0 : i32
    %scan3A_40 = arith.constant 0 : i32
    %scan3A_41 = arith.constant 10 : i32
    %scan3A_42 = arith.addi %scan3A_40, %scan3A_41 : i32
    %scan3A_43 = arith.constant 1 : i32
    %scan3A_44 = scf.for %scan3A_67 = %scan3A_40 to %scan3A_42 step %scan3A_43 iter_args(%scan3A_68 = %scan3A_39) -> (i32)  : i32 {
      %mul3A_69 = arith.constant 8 : i32
      %mul3A_70 = arith.muli %scan3A_67, %mul3A_69 : i32
      %add3A_71 = arith.constant 0 : i32
      %add3A_72 = arith.addi %mul3A_70, %add3A_71 : i32
      %dma_start3A = arith.constant 0 : i32
      %dma_start3A_73 = tpu.memref_slice %arg5[%add3A_72, %dma_start3A] : memref<80x128xi32, #tpu.memory_space<vmem>> -> memref<1x128xi32, #tpu.memory_space<vmem>>
      %dma_start3A_74 = tpu.memref_squeeze %dma_start3A_73 : memref<1x128xi32, #tpu.memory_space<vmem>> -> memref<128xi32, #tpu.memory_space<vmem>>
      %dma_start3A_75 = arith.constant 0 : i32
      %dma_start3A_76 = arith.constant 0 : i32
      %dma_start3A_77 = tpu.memref_slice %arg7[%dma_start3A_75, %dma_start3A_76] : memref<10240x128xf32, #tpu.memory_space<vmem_shared>> -> memref<10240x128xf32, #tpu.memory_space<vmem_shared>>
      tpu.enqueue_indirect_dma source(%arg4 : memref<128x128xf32, #tpu.memory_space<vmem>>) target(%dma_start3A_77 : memref<10240x128xf32, #tpu.memory_space<vmem_shared>>) offsets(%dma_start3A_74 : memref<128xi32, #tpu.memory_space<vmem>>) semaphore(%arg8 : memref<!tpu.dma_semaphore, #tpu.memory_space<semaphore_mem>>) {add = true}
      %mul3A_78 = arith.constant 8 : i32
      %mul3A_79 = arith.muli %scan3A_67, %mul3A_78 : i32
      %add3A_80 = arith.constant 1 : i32
      %add3A_81 = arith.addi %mul3A_79, %add3A_80 : i32
      %dma_start3A_82 = arith.constant 0 : i32
      %dma_start3A_83 = tpu.memref_slice %arg5[%add3A_81, %dma_start3A_82] : memref<80x128xi32, #tpu.memory_space<vmem>> -> memref<1x128xi32, #tpu.memory_space<vmem>>
      %dma_start3A_84 = tpu.memref_squeeze %dma_start3A_83 : memref<1x128xi32, #tpu.memory_space<vmem>> -> memref<128xi32, #tpu.memory_space<vmem>>
      %dma_start3A_85 = arith.constant 0 : i32
      %dma_start3A_86 = arith.constant 0 : i32
      %dma_start3A_87 = tpu.memref_slice %arg7[%dma_start3A_85, %dma_start3A_86] : memref<10240x128xf32, #tpu.memory_space<vmem_shared>> -> memref<10240x128xf32, #tpu.memory_space<vmem_shared>>
      tpu.enqueue_indirect_dma source(%arg4 : memref<128x128xf32, #tpu.memory_space<vmem>>) target(%dma_start3A_87 : memref<10240x128xf32, #tpu.memory_space<vmem_shared>>) offsets(%dma_start3A_84 : memref<128xi32, #tpu.memory_space<vmem>>) semaphore(%arg8 : memref<!tpu.dma_semaphore, #tpu.memory_space<semaphore_mem>>) {add = true}
      %mul3A_88 = arith.constant 8 : i32
      %mul3A_89 = arith.muli %scan3A_67, %mul3A_88 : i32
      %add3A_90 = arith.constant 2 : i32
      %add3A_91 = arith.addi %mul3A_89, %add3A_90 : i32
      %dma_start3A_92 = arith.constant 0 : i32
      %dma_start3A_93 = tpu.memref_slice %arg5[%add3A_91, %dma_start3A_92] : memref<80x128xi32, #tpu.memory_space<vmem>> -> memref<1x128xi32, #tpu.memory_space<vmem>>
      %dma_start3A_94 = tpu.memref_squeeze %dma_start3A_93 : memref<1x128xi32, #tpu.memory_space<vmem>> -> memref<128xi32, #tpu.memory_space<vmem>>
      %dma_start3A_95 = arith.constant 0 : i32
      %dma_start3A_96 = arith.constant 0 : i32
      %dma_start3A_97 = tpu.memref_slice %arg7[%dma_start3A_95, %dma_start3A_96] : memref<10240x128xf32, #tpu.memory_space<vmem_shared>> -> memref<10240x128xf32, #tpu.memory_space<vmem_shared>>
      tpu.enqueue_indirect_dma source(%arg4 : memref<128x128xf32, #tpu.memory_space<vmem>>) target(%dma_start3A_97 : memref<10240x128xf32, #tpu.memory_space<vmem_shared>>) offsets(%dma_start3A_94 : memref<128xi32, #tpu.memory_space<vmem>>) semaphore(%arg8 : memref<!tpu.dma_semaphore, #tpu.memory_space<semaphore_mem>>) {add = true}
      %mul3A_98 = arith.constant 8 : i32
      %mul3A_99 = arith.muli %scan3A_67, %mul3A_98 : i32
      %add3A_100 = arith.constant 3 : i32
      %add3A_101 = arith.addi %mul3A_99, %add3A_100 : i32
      %dma_start3A_102 = arith.constant 0 : i32
      %dma_start3A_103 = tpu.memref_slice %arg5[%add3A_101, %dma_start3A_102] : memref<80x128xi32, #tpu.memory_space<vmem>> -> memref<1x128xi32, #tpu.memory_space<vmem>>
      %dma_start3A_104 = tpu.memref_squeeze %dma_start3A_103 : memref<1x128xi32, #tpu.memory_space<vmem>> -> memref<128xi32, #tpu.memory_space<vmem>>
      %dma_start3A_105 = arith.constant 0 : i32
      %dma_start3A_106 = arith.constant 0 : i32
      %dma_start3A_107 = tpu.memref_slice %arg7[%dma_start3A_105, %dma_start3A_106] : memref<10240x128xf32, #tpu.memory_space<vmem_shared>> -> memref<10240x128xf32, #tpu.memory_space<vmem_shared>>
      tpu.enqueue_indirect_dma source(%arg4 : memref<128x128xf32, #tpu.memory_space<vmem>>) target(%dma_start3A_107 : memref<10240x128xf32, #tpu.memory_space<vmem_shared>>) offsets(%dma_start3A_104 : memref<128xi32, #tpu.memory_space<vmem>>) semaphore(%arg8 : memref<!tpu.dma_semaphore, #tpu.memory_space<semaphore_mem>>) {add = true}
      %mul3A_108 = arith.constant 8 : i32
      %mul3A_109 = arith.muli %scan3A_67, %mul3A_108 : i32
      %add3A_110 = arith.constant 4 : i32
      %add3A_111 = arith.addi %mul3A_109, %add3A_110 : i32
      %dma_start3A_112 = arith.constant 0 : i32
      %dma_start3A_113 = tpu.memref_slice %arg5[%add3A_111, %dma_start3A_112] : memref<80x128xi32, #tpu.memory_space<vmem>> -> memref<1x128xi32, #tpu.memory_space<vmem>>
      %dma_start3A_114 = tpu.memref_squeeze %dma_start3A_113 : memref<1x128xi32, #tpu.memory_space<vmem>> -> memref<128xi32, #tpu.memory_space<vmem>>
      %dma_start3A_115 = arith.constant 0 : i32
      %dma_start3A_116 = arith.constant 0 : i32
      %dma_start3A_117 = tpu.memref_slice %arg7[%dma_start3A_115, %dma_start3A_116] : memref<10240x128xf32, #tpu.memory_space<vmem_shared>> -> memref<10240x128xf32, #tpu.memory_space<vmem_shared>>
      tpu.enqueue_indirect_dma source(%arg4 : memref<128x128xf32, #tpu.memory_space<vmem>>) target(%dma_start3A_117 : memref<10240x128xf32, #tpu.memory_space<vmem_shared>>) offsets(%dma_start3A_114 : memref<128xi32, #tpu.memory_space<vmem>>) semaphore(%arg8 : memref<!tpu.dma_semaphore, #tpu.memory_space<semaphore_mem>>) {add = true}
      %mul3A_118 = arith.constant 8 : i32
      %mul3A_119 = arith.muli %scan3A_67, %mul3A_118 : i32
      %add3A_120 = arith.constant 5 : i32
      %add3A_121 = arith.addi %mul3A_119, %add3A_120 : i32
      %dma_start3A_122 = arith.constant 0 : i32
      %dma_start3A_123 = tpu.memref_slice %arg5[%add3A_121, %dma_start3A_122] : memref<80x128xi32, #tpu.memory_space<vmem>> -> memref<1x128xi32, #tpu.memory_space<vmem>>
      %dma_start3A_124 = tpu.memref_squeeze %dma_start3A_123 : memref<1x128xi32, #tpu.memory_space<vmem>> -> memref<128xi32, #tpu.memory_space<vmem>>
      %dma_start3A_125 = arith.constant 0 : i32
      %dma_start3A_126 = arith.constant 0 : i32
      %dma_start3A_127 = tpu.memref_slice %arg7[%dma_start3A_125, %dma_start3A_126] : memref<10240x128xf32, #tpu.memory_space<vmem_shared>> -> memref<10240x128xf32, #tpu.memory_space<vmem_shared>>
      tpu.enqueue_indirect_dma source(%arg4 : memref<128x128xf32, #tpu.memory_space<vmem>>) target(%dma_start3A_127 : memref<10240x128xf32, #tpu.memory_space<vmem_shared>>) offsets(%dma_start3A_124 : memref<128xi32, #tpu.memory_space<vmem>>) semaphore(%arg8 : memref<!tpu.dma_semaphore, #tpu.memory_space<semaphore_mem>>) {add = true}
      %mul3A_128 = arith.constant 8 : i32
      %mul3A_129 = arith.muli %scan3A_67, %mul3A_128 : i32
      %add3A_130 = arith.constant 6 : i32
      %add3A_131 = arith.addi %mul3A_129, %add3A_130 : i32
      %dma_start3A_132 = arith.constant 0 : i32
      %dma_start3A_133 = tpu.memref_slice %arg5[%add3A_131, %dma_start3A_132] : memref<80x128xi32, #tpu.memory_space<vmem>> -> memref<1x128xi32, #tpu.memory_space<vmem>>
      %dma_start3A_134 = tpu.memref_squeeze %dma_start3A_133 : memref<1x128xi32, #tpu.memory_space<vmem>> -> memref<128xi32, #tpu.memory_space<vmem>>
      %dma_start3A_135 = arith.constant 0 : i32
      %dma_start3A_136 = arith.constant 0 : i32
      %dma_start3A_137 = tpu.memref_slice %arg7[%dma_start3A_135, %dma_start3A_136] : memref<10240x128xf32, #tpu.memory_space<vmem_shared>> -> memref<10240x128xf32, #tpu.memory_space<vmem_shared>>
      tpu.enqueue_indirect_dma source(%arg4 : memref<128x128xf32, #tpu.memory_space<vmem>>) target(%dma_start3A_137 : memref<10240x128xf32, #tpu.memory_space<vmem_shared>>) offsets(%dma_start3A_134 : memref<128xi32, #tpu.memory_space<vmem>>) semaphore(%arg8 : memref<!tpu.dma_semaphore, #tpu.memory_space<semaphore_mem>>) {add = true}
      %mul3A_138 = arith.constant 8 : i32
      %mul3A_139 = arith.muli %scan3A_67, %mul3A_138 : i32
      %add3A_140 = arith.constant 7 : i32
      %add3A_141 = arith.addi %mul3A_139, %add3A_140 : i32
      %dma_start3A_142 = arith.constant 0 : i32
      %dma_start3A_143 = tpu.memref_slice %arg5[%add3A_141, %dma_start3A_142] : memref<80x128xi32, #tpu.memory_space<vmem>> -> memref<1x128xi32, #tpu.memory_space<vmem>>
      %dma_start3A_144 = tpu.memref_squeeze %dma_start3A_143 : memref<1x128xi32, #tpu.memory_space<vmem>> -> memref<128xi32, #tpu.memory_space<vmem>>
      %dma_start3A_145 = arith.constant 0 : i32
      %dma_start3A_146 = arith.constant 0 : i32
      %dma_start3A_147 = tpu.memref_slice %arg7[%dma_start3A_145, %dma_start3A_146] : memref<10240x128xf32, #tpu.memory_space<vmem_shared>> -> memref<10240x128xf32, #tpu.memory_space<vmem_shared>>
      tpu.enqueue_indirect_dma source(%arg4 : memref<128x128xf32, #tpu.memory_space<vmem>>) target(%dma_start3A_147 : memref<10240x128xf32, #tpu.memory_space<vmem_shared>>) offsets(%dma_start3A_144 : memref<128xi32, #tpu.memory_space<vmem>>) semaphore(%arg8 : memref<!tpu.dma_semaphore, #tpu.memory_space<semaphore_mem>>) {add = true}
      %mul3A_148 = arith.constant 8 : i32
      %mul3A_149 = arith.muli %scan3A_67, %mul3A_148 : i32
      %add3A_150 = arith.constant 0 : i32
      %add3A_151 = arith.addi %mul3A_149, %add3A_150 : i32
      %dma_wait3A = arith.constant 0 : i32
      %dma_wait3A_152 = tpu.memref_slice %arg5[%add3A_151, %dma_wait3A] : memref<80x128xi32, #tpu.memory_space<vmem>> -> memref<1x128xi32, #tpu.memory_space<vmem>>
      %dma_wait3A_153 = tpu.memref_squeeze %dma_wait3A_152 : memref<1x128xi32, #tpu.memory_space<vmem>> -> memref<128xi32, #tpu.memory_space<vmem>>
      %dma_wait3A_154 = arith.constant 0 : i32
      %dma_wait3A_155 = arith.constant 0 : i32
      %dma_wait3A_156 = tpu.memref_slice %arg7[%dma_wait3A_154, %dma_wait3A_155] : memref<10240x128xf32, #tpu.memory_space<vmem_shared>> -> memref<10240x128xf32, #tpu.memory_space<vmem_shared>>
      tpu.wait_indirect_dma semaphore(%arg8 : memref<!tpu.dma_semaphore, #tpu.memory_space<semaphore_mem>>) src(%arg4 : memref<128x128xf32, #tpu.memory_space<vmem>>) dst(%dma_wait3A_156 : memref<10240x128xf32, #tpu.memory_space<vmem_shared>>)
      %mul3A_157 = arith.constant 8 : i32
      %mul3A_158 = arith.muli %scan3A_67, %mul3A_157 : i32
      %add3A_159 = arith.constant 1 : i32
      %add3A_160 = arith.addi %mul3A_158, %add3A_159 : i32
      %dma_wait3A_161 = arith.constant 0 : i32
      %dma_wait3A_162 = tpu.memref_slice %arg5[%add3A_160, %dma_wait3A_161] : memref<80x128xi32, #tpu.memory_space<vmem>> -> memref<1x128xi32, #tpu.memory_space<vmem>>
      %dma_wait3A_163 = tpu.memref_squeeze %dma_wait3A_162 : memref<1x128xi32, #tpu.memory_space<vmem>> -> memref<128xi32, #tpu.memory_space<vmem>>
      %dma_wait3A_164 = arith.constant 0 : i32
      %dma_wait3A_165 = arith.constant 0 : i32
      %dma_wait3A_166 = tpu.memref_slice %arg7[%dma_wait3A_164, %dma_wait3A_165] : memref<10240x128xf32, #tpu.memory_space<vmem_shared>> -> memref<10240x128xf32, #tpu.memory_space<vmem_shared>>
      tpu.wait_indirect_dma semaphore(%arg8 : memref<!tpu.dma_semaphore, #tpu.memory_space<semaphore_mem>>) src(%arg4 : memref<128x128xf32, #tpu.memory_space<vmem>>) dst(%dma_wait3A_166 : memref<10240x128xf32, #tpu.memory_space<vmem_shared>>)
      %mul3A_167 = arith.constant 8 : i32
      %mul3A_168 = arith.muli %scan3A_67, %mul3A_167 : i32
      %add3A_169 = arith.constant 2 : i32
      %add3A_170 = arith.addi %mul3A_168, %add3A_169 : i32
      %dma_wait3A_171 = arith.constant 0 : i32
      %dma_wait3A_172 = tpu.memref_slice %arg5[%add3A_170, %dma_wait3A_171] : memref<80x128xi32, #tpu.memory_space<vmem>> -> memref<1x128xi32, #tpu.memory_space<vmem>>
      %dma_wait3A_173 = tpu.memref_squeeze %dma_wait3A_172 : memref<1x128xi32, #tpu.memory_space<vmem>> -> memref<128xi32, #tpu.memory_space<vmem>>
      %dma_wait3A_174 = arith.constant 0 : i32
      %dma_wait3A_175 = arith.constant 0 : i32
      %dma_wait3A_176 = tpu.memref_slice %arg7[%dma_wait3A_174, %dma_wait3A_175] : memref<10240x128xf32, #tpu.memory_space<vmem_shared>> -> memref<10240x128xf32, #tpu.memory_space<vmem_shared>>
      tpu.wait_indirect_dma semaphore(%arg8 : memref<!tpu.dma_semaphore, #tpu.memory_space<semaphore_mem>>) src(%arg4 : memref<128x128xf32, #tpu.memory_space<vmem>>) dst(%dma_wait3A_176 : memref<10240x128xf32, #tpu.memory_space<vmem_shared>>)
      %mul3A_177 = arith.constant 8 : i32
      %mul3A_178 = arith.muli %scan3A_67, %mul3A_177 : i32
      %add3A_179 = arith.constant 3 : i32
      %add3A_180 = arith.addi %mul3A_178, %add3A_179 : i32
      %dma_wait3A_181 = arith.constant 0 : i32
      %dma_wait3A_182 = tpu.memref_slice %arg5[%add3A_180, %dma_wait3A_181] : memref<80x128xi32, #tpu.memory_space<vmem>> -> memref<1x128xi32, #tpu.memory_space<vmem>>
      %dma_wait3A_183 = tpu.memref_squeeze %dma_wait3A_182 : memref<1x128xi32, #tpu.memory_space<vmem>> -> memref<128xi32, #tpu.memory_space<vmem>>
      %dma_wait3A_184 = arith.constant 0 : i32
      %dma_wait3A_185 = arith.constant 0 : i32
      %dma_wait3A_186 = tpu.memref_slice %arg7[%dma_wait3A_184, %dma_wait3A_185] : memref<10240x128xf32, #tpu.memory_space<vmem_shared>> -> memref<10240x128xf32, #tpu.memory_space<vmem_shared>>
      tpu.wait_indirect_dma semaphore(%arg8 : memref<!tpu.dma_semaphore, #tpu.memory_space<semaphore_mem>>) src(%arg4 : memref<128x128xf32, #tpu.memory_space<vmem>>) dst(%dma_wait3A_186 : memref<10240x128xf32, #tpu.memory_space<vmem_shared>>)
      %mul3A_187 = arith.constant 8 : i32
      %mul3A_188 = arith.muli %scan3A_67, %mul3A_187 : i32
      %add3A_189 = arith.constant 4 : i32
      %add3A_190 = arith.addi %mul3A_188, %add3A_189 : i32
      %dma_wait3A_191 = arith.constant 0 : i32
      %dma_wait3A_192 = tpu.memref_slice %arg5[%add3A_190, %dma_wait3A_191] : memref<80x128xi32, #tpu.memory_space<vmem>> -> memref<1x128xi32, #tpu.memory_space<vmem>>
      %dma_wait3A_193 = tpu.memref_squeeze %dma_wait3A_192 : memref<1x128xi32, #tpu.memory_space<vmem>> -> memref<128xi32, #tpu.memory_space<vmem>>
      %dma_wait3A_194 = arith.constant 0 : i32
      %dma_wait3A_195 = arith.constant 0 : i32
      %dma_wait3A_196 = tpu.memref_slice %arg7[%dma_wait3A_194, %dma_wait3A_195] : memref<10240x128xf32, #tpu.memory_space<vmem_shared>> -> memref<10240x128xf32, #tpu.memory_space<vmem_shared>>
      tpu.wait_indirect_dma semaphore(%arg8 : memref<!tpu.dma_semaphore, #tpu.memory_space<semaphore_mem>>) src(%arg4 : memref<128x128xf32, #tpu.memory_space<vmem>>) dst(%dma_wait3A_196 : memref<10240x128xf32, #tpu.memory_space<vmem_shared>>)
      %mul3A_197 = arith.constant 8 : i32
      %mul3A_198 = arith.muli %scan3A_67, %mul3A_197 : i32
      %add3A_199 = arith.constant 5 : i32
      %add3A_200 = arith.addi %mul3A_198, %add3A_199 : i32
      %dma_wait3A_201 = arith.constant 0 : i32
      %dma_wait3A_202 = tpu.memref_slice %arg5[%add3A_200, %dma_wait3A_201] : memref<80x128xi32, #tpu.memory_space<vmem>> -> memref<1x128xi32, #tpu.memory_space<vmem>>
      %dma_wait3A_203 = tpu.memref_squeeze %dma_wait3A_202 : memref<1x128xi32, #tpu.memory_space<vmem>> -> memref<128xi32, #tpu.memory_space<vmem>>
      %dma_wait3A_204 = arith.constant 0 : i32
      %dma_wait3A_205 = arith.constant 0 : i32
      %dma_wait3A_206 = tpu.memref_slice %arg7[%dma_wait3A_204, %dma_wait3A_205] : memref<10240x128xf32, #tpu.memory_space<vmem_shared>> -> memref<10240x128xf32, #tpu.memory_space<vmem_shared>>
      tpu.wait_indirect_dma semaphore(%arg8 : memref<!tpu.dma_semaphore, #tpu.memory_space<semaphore_mem>>) src(%arg4 : memref<128x128xf32, #tpu.memory_space<vmem>>) dst(%dma_wait3A_206 : memref<10240x128xf32, #tpu.memory_space<vmem_shared>>)
      %mul3A_207 = arith.constant 8 : i32
      %mul3A_208 = arith.muli %scan3A_67, %mul3A_207 : i32
      %add3A_209 = arith.constant 6 : i32
      %add3A_210 = arith.addi %mul3A_208, %add3A_209 : i32
      %dma_wait3A_211 = arith.constant 0 : i32
      %dma_wait3A_212 = tpu.memref_slice %arg5[%add3A_210, %dma_wait3A_211] : memref<80x128xi32, #tpu.memory_space<vmem>> -> memref<1x128xi32, #tpu.memory_space<vmem>>
      %dma_wait3A_213 = tpu.memref_squeeze %dma_wait3A_212 : memref<1x128xi32, #tpu.memory_space<vmem>> -> memref<128xi32, #tpu.memory_space<vmem>>
      %dma_wait3A_214 = arith.constant 0 : i32
      %dma_wait3A_215 = arith.constant 0 : i32
      %dma_wait3A_216 = tpu.memref_slice %arg7[%dma_wait3A_214, %dma_wait3A_215] : memref<10240x128xf32, #tpu.memory_space<vmem_shared>> -> memref<10240x128xf32, #tpu.memory_space<vmem_shared>>
      tpu.wait_indirect_dma semaphore(%arg8 : memref<!tpu.dma_semaphore, #tpu.memory_space<semaphore_mem>>) src(%arg4 : memref<128x128xf32, #tpu.memory_space<vmem>>) dst(%dma_wait3A_216 : memref<10240x128xf32, #tpu.memory_space<vmem_shared>>)
      %mul3A_217 = arith.constant 8 : i32
      %mul3A_218 = arith.muli %scan3A_67, %mul3A_217 : i32
      %add3A_219 = arith.constant 7 : i32
      %add3A_220 = arith.addi %mul3A_218, %add3A_219 : i32
      %dma_wait3A_221 = arith.constant 0 : i32
      %dma_wait3A_222 = tpu.memref_slice %arg5[%add3A_220, %dma_wait3A_221] : memref<80x128xi32, #tpu.memory_space<vmem>> -> memref<1x128xi32, #tpu.memory_space<vmem>>
      %dma_wait3A_223 = tpu.memref_squeeze %dma_wait3A_222 : memref<1x128xi32, #tpu.memory_space<vmem>> -> memref<128xi32, #tpu.memory_space<vmem>>
      %dma_wait3A_224 = arith.constant 0 : i32
      %dma_wait3A_225 = arith.constant 0 : i32
      %dma_wait3A_226 = tpu.memref_slice %arg7[%dma_wait3A_224, %dma_wait3A_225] : memref<10240x128xf32, #tpu.memory_space<vmem_shared>> -> memref<10240x128xf32, #tpu.memory_space<vmem_shared>>
      tpu.wait_indirect_dma semaphore(%arg8 : memref<!tpu.dma_semaphore, #tpu.memory_space<semaphore_mem>>) src(%arg4 : memref<128x128xf32, #tpu.memory_space<vmem>>) dst(%dma_wait3A_226 : memref<10240x128xf32, #tpu.memory_space<vmem_shared>>)
      %scan3A_227 = arith.constant 0 : i32
      scf.yield %scan3A_227 : i32
    }
    %scan3A_45 = arith.constant 10 : i32
    %barrier3A_46 = arith.constant 0 : index
    tpu.barrier barrier_id(%barrier3A_46)
    %mul3A_47 = arith.constant 640 : i32
    %mul3A_48 = arith.muli %arg1, %mul3A_47 : i32
    %add3A_49 = arith.constant 0 : i32
    %add3A_50 = arith.addi %mul3A_48, %add3A_49 : i32
    "tpu.region"() ({
      %run_scoped3A = tpu.sem_alloc : memref<!tpu.dma_semaphore, #tpu.memory_space<semaphore_mem>>
      %dma_start3A = arith.constant 0 : i32
      %dma_start3A_67 = tpu.memref_slice %arg3[%arg0, %add3A_50, %dma_start3A] : memref<2x10240x128xf32, #tpu.memory_space<hbm>> -> memref<1x128x128xf32, #tpu.memory_space<hbm>>
      %dma_start3A_68 = tpu.memref_squeeze %dma_start3A_67 : memref<1x128x128xf32, #tpu.memory_space<hbm>> -> memref<128x128xf32, #tpu.memory_space<hbm>>
      %dma_start3A_69 = arith.constant 0 : i32
      %dma_start3A_70 = tpu.memref_slice %arg7[%add3A_50, %dma_start3A_69] : memref<10240x128xf32, #tpu.memory_space<vmem_shared>> -> memref<128x128xf32, #tpu.memory_space<vmem_shared>>
      tpu.enqueue_dma source(%dma_start3A_70 : memref<128x128xf32, #tpu.memory_space<vmem_shared>>) target(%dma_start3A_68 : memref<128x128xf32, #tpu.memory_space<hbm>>) target_semaphore(%run_scoped3A : memref<!tpu.dma_semaphore, #tpu.memory_space<semaphore_mem>>)
      %dma_wait3A = arith.constant 0 : i32
      %dma_wait3A_71 = tpu.memref_slice %arg3[%arg0, %add3A_50, %dma_wait3A] : memref<2x10240x128xf32, #tpu.memory_space<hbm>> -> memref<1x128x128xf32, #tpu.memory_space<hbm>>
      %dma_wait3A_72 = tpu.memref_squeeze %dma_wait3A_71 : memref<1x128x128xf32, #tpu.memory_space<hbm>> -> memref<128x128xf32, #tpu.memory_space<hbm>>
      %dma_wait3A_73 = arith.constant 0 : i32
      %dma_wait3A_74 = tpu.memref_slice %arg7[%add3A_50, %dma_wait3A_73] : memref<10240x128xf32, #tpu.memory_space<vmem_shared>> -> memref<128x128xf32, #tpu.memory_space<vmem_shared>>
      tpu.wait_dma2 semaphore(%run_scoped3A : memref<!tpu.dma_semaphore, #tpu.memory_space<semaphore_mem>>) src(%dma_wait3A_74 : memref<128x128xf32, #tpu.memory_space<vmem_shared>>) dst(%dma_wait3A_72 : memref<128x128xf32, #tpu.memory_space<hbm>>)
      tpu.yield
    }) : () -> ()
    %mul3A_51 = arith.constant 640 : i32
    %mul3A_52 = arith.muli %arg1, %mul3A_51 : i32
    %add3A_53 = arith.constant 128 : i32
    %add3A_54 = arith.addi %mul3A_52, %add3A_53 : i32
    "tpu.region"() ({
      %run_scoped3A = tpu.sem_alloc : memref<!tpu.dma_semaphore, #tpu.memory_space<semaphore_mem>>
      %dma_start3A = arith.constant 0 : i32
      %dma_start3A_67 = tpu.memref_slice %arg3[%arg0, %add3A_54, %dma_start3A] : memref<2x10240x128xf32, #tpu.memory_space<hbm>> -> memref<1x128x128xf32, #tpu.memory_space<hbm>>
      %dma_start3A_68 = tpu.memref_squeeze %dma_start3A_67 : memref<1x128x128xf32, #tpu.memory_space<hbm>> -> memref<128x128xf32, #tpu.memory_space<hbm>>
      %dma_start3A_69 = arith.constant 0 : i32
      %dma_start3A_70 = tpu.memref_slice %arg7[%add3A_54, %dma_start3A_69] : memref<10240x128xf32, #tpu.memory_space<vmem_shared>> -> memref<128x128xf32, #tpu.memory_space<vmem_shared>>
      tpu.enqueue_dma source(%dma_start3A_70 : memref<128x128xf32, #tpu.memory_space<vmem_shared>>) target(%dma_start3A_68 : memref<128x128xf32, #tpu.memory_space<hbm>>) target_semaphore(%run_scoped3A : memref<!tpu.dma_semaphore, #tpu.memory_space<semaphore_mem>>)
      %dma_wait3A = arith.constant 0 : i32
      %dma_wait3A_71 = tpu.memref_slice %arg3[%arg0, %add3A_54, %dma_wait3A] : memref<2x10240x128xf32, #tpu.memory_space<hbm>> -> memref<1x128x128xf32, #tpu.memory_space<hbm>>
      %dma_wait3A_72 = tpu.memref_squeeze %dma_wait3A_71 : memref<1x128x128xf32, #tpu.memory_space<hbm>> -> memref<128x128xf32, #tpu.memory_space<hbm>>
      %dma_wait3A_73 = arith.constant 0 : i32
      %dma_wait3A_74 = tpu.memref_slice %arg7[%add3A_54, %dma_wait3A_73] : memref<10240x128xf32, #tpu.memory_space<vmem_shared>> -> memref<128x128xf32, #tpu.memory_space<vmem_shared>>
      tpu.wait_dma2 semaphore(%run_scoped3A : memref<!tpu.dma_semaphore, #tpu.memory_space<semaphore_mem>>) src(%dma_wait3A_74 : memref<128x128xf32, #tpu.memory_space<vmem_shared>>) dst(%dma_wait3A_72 : memref<128x128xf32, #tpu.memory_space<hbm>>)
      tpu.yield
    }) : () -> ()
    %mul3A_55 = arith.constant 640 : i32
    %mul3A_56 = arith.muli %arg1, %mul3A_55 : i32
    %add3A_57 = arith.constant 256 : i32
    %add3A_58 = arith.addi %mul3A_56, %add3A_57 : i32
    "tpu.region"() ({
      %run_scoped3A = tpu.sem_alloc : memref<!tpu.dma_semaphore, #tpu.memory_space<semaphore_mem>>
      %dma_start3A = arith.constant 0 : i32
      %dma_start3A_67 = tpu.memref_slice %arg3[%arg0, %add3A_58, %dma_start3A] : memref<2x10240x128xf32, #tpu.memory_space<hbm>> -> memref<1x128x128xf32, #tpu.memory_space<hbm>>
      %dma_start3A_68 = tpu.memref_squeeze %dma_start3A_67 : memref<1x128x128xf32, #tpu.memory_space<hbm>> -> memref<128x128xf32, #tpu.memory_space<hbm>>
      %dma_start3A_69 = arith.constant 0 : i32
      %dma_start3A_70 = tpu.memref_slice %arg7[%add3A_58, %dma_start3A_69] : memref<10240x128xf32, #tpu.memory_space<vmem_shared>> -> memref<128x128xf32, #tpu.memory_space<vmem_shared>>
      tpu.enqueue_dma source(%dma_start3A_70 : memref<128x128xf32, #tpu.memory_space<vmem_shared>>) target(%dma_start3A_68 : memref<128x128xf32, #tpu.memory_space<hbm>>) target_semaphore(%run_scoped3A : memref<!tpu.dma_semaphore, #tpu.memory_space<semaphore_mem>>)
      %dma_wait3A = arith.constant 0 : i32
      %dma_wait3A_71 = tpu.memref_slice %arg3[%arg0, %add3A_58, %dma_wait3A] : memref<2x10240x128xf32, #tpu.memory_space<hbm>> -> memref<1x128x128xf32, #tpu.memory_space<hbm>>
      %dma_wait3A_72 = tpu.memref_squeeze %dma_wait3A_71 : memref<1x128x128xf32, #tpu.memory_space<hbm>> -> memref<128x128xf32, #tpu.memory_space<hbm>>
      %dma_wait3A_73 = arith.constant 0 : i32
      %dma_wait3A_74 = tpu.memref_slice %arg7[%add3A_58, %dma_wait3A_73] : memref<10240x128xf32, #tpu.memory_space<vmem_shared>> -> memref<128x128xf32, #tpu.memory_space<vmem_shared>>
      tpu.wait_dma2 semaphore(%run_scoped3A : memref<!tpu.dma_semaphore, #tpu.memory_space<semaphore_mem>>) src(%dma_wait3A_74 : memref<128x128xf32, #tpu.memory_space<vmem_shared>>) dst(%dma_wait3A_72 : memref<128x128xf32, #tpu.memory_space<hbm>>)
      tpu.yield
    }) : () -> ()
    %mul3A_59 = arith.constant 640 : i32
    %mul3A_60 = arith.muli %arg1, %mul3A_59 : i32
    %add3A_61 = arith.constant 384 : i32
    %add3A_62 = arith.addi %mul3A_60, %add3A_61 : i32
    "tpu.region"() ({
      %run_scoped3A = tpu.sem_alloc : memref<!tpu.dma_semaphore, #tpu.memory_space<semaphore_mem>>
      %dma_start3A = arith.constant 0 : i32
      %dma_start3A_67 = tpu.memref_slice %arg3[%arg0, %add3A_62, %dma_start3A] : memref<2x10240x128xf32, #tpu.memory_space<hbm>> -> memref<1x128x128xf32, #tpu.memory_space<hbm>>
      %dma_start3A_68 = tpu.memref_squeeze %dma_start3A_67 : memref<1x128x128xf32, #tpu.memory_space<hbm>> -> memref<128x128xf32, #tpu.memory_space<hbm>>
      %dma_start3A_69 = arith.constant 0 : i32
      %dma_start3A_70 = tpu.memref_slice %arg7[%add3A_62, %dma_start3A_69] : memref<10240x128xf32, #tpu.memory_space<vmem_shared>> -> memref<128x128xf32, #tpu.memory_space<vmem_shared>>
      tpu.enqueue_dma source(%dma_start3A_70 : memref<128x128xf32, #tpu.memory_space<vmem_shared>>) target(%dma_start3A_68 : memref<128x128xf32, #tpu.memory_space<hbm>>) target_semaphore(%run_scoped3A : memref<!tpu.dma_semaphore, #tpu.memory_space<semaphore_mem>>)
      %dma_wait3A = arith.constant 0 : i32
      %dma_wait3A_71 = tpu.memref_slice %arg3[%arg0, %add3A_62, %dma_wait3A] : memref<2x10240x128xf32, #tpu.memory_space<hbm>> -> memref<1x128x128xf32, #tpu.memory_space<hbm>>
      %dma_wait3A_72 = tpu.memref_squeeze %dma_wait3A_71 : memref<1x128x128xf32, #tpu.memory_space<hbm>> -> memref<128x128xf32, #tpu.memory_space<hbm>>
      %dma_wait3A_73 = arith.constant 0 : i32
      %dma_wait3A_74 = tpu.memref_slice %arg7[%add3A_62, %dma_wait3A_73] : memref<10240x128xf32, #tpu.memory_space<vmem_shared>> -> memref<128x128xf32, #tpu.memory_space<vmem_shared>>
      tpu.wait_dma2 semaphore(%run_scoped3A : memref<!tpu.dma_semaphore, #tpu.memory_space<semaphore_mem>>) src(%dma_wait3A_74 : memref<128x128xf32, #tpu.memory_space<vmem_shared>>) dst(%dma_wait3A_72 : memref<128x128xf32, #tpu.memory_space<hbm>>)
      tpu.yield
    }) : () -> ()
    %mul3A_63 = arith.constant 640 : i32
    %mul3A_64 = arith.muli %arg1, %mul3A_63 : i32
    %add3A_65 = arith.constant 512 : i32
    %add3A_66 = arith.addi %mul3A_64, %add3A_65 : i32
    "tpu.region"() ({
      %run_scoped3A = tpu.sem_alloc : memref<!tpu.dma_semaphore, #tpu.memory_space<semaphore_mem>>
      %dma_start3A = arith.constant 0 : i32
      %dma_start3A_67 = tpu.memref_slice %arg3[%arg0, %add3A_66, %dma_start3A] : memref<2x10240x128xf32, #tpu.memory_space<hbm>> -> memref<1x128x128xf32, #tpu.memory_space<hbm>>
      %dma_start3A_68 = tpu.memref_squeeze %dma_start3A_67 : memref<1x128x128xf32, #tpu.memory_space<hbm>> -> memref<128x128xf32, #tpu.memory_space<hbm>>
      %dma_start3A_69 = arith.constant 0 : i32
      %dma_start3A_70 = tpu.memref_slice %arg7[%add3A_66, %dma_start3A_69] : memref<10240x128xf32, #tpu.memory_space<vmem_shared>> -> memref<128x128xf32, #tpu.memory_space<vmem_shared>>
      tpu.enqueue_dma source(%dma_start3A_70 : memref<128x128xf32, #tpu.memory_space<vmem_shared>>) target(%dma_start3A_68 : memref<128x128xf32, #tpu.memory_space<hbm>>) target_semaphore(%run_scoped3A : memref<!tpu.dma_semaphore, #tpu.memory_space<semaphore_mem>>)
      %dma_wait3A = arith.constant 0 : i32
      %dma_wait3A_71 = tpu.memref_slice %arg3[%arg0, %add3A_66, %dma_wait3A] : memref<2x10240x128xf32, #tpu.memory_space<hbm>> -> memref<1x128x128xf32, #tpu.memory_space<hbm>>
      %dma_wait3A_72 = tpu.memref_squeeze %dma_wait3A_71 : memref<1x128x128xf32, #tpu.memory_space<hbm>> -> memref<128x128xf32, #tpu.memory_space<hbm>>
      %dma_wait3A_73 = arith.constant 0 : i32
      %dma_wait3A_74 = tpu.memref_slice %arg7[%add3A_66, %dma_wait3A_73] : memref<10240x128xf32, #tpu.memory_space<vmem_shared>> -> memref<128x128xf32, #tpu.memory_space<vmem_shared>>
      tpu.wait_dma2 semaphore(%run_scoped3A : memref<!tpu.dma_semaphore, #tpu.memory_space<semaphore_mem>>) src(%dma_wait3A_74 : memref<128x128xf32, #tpu.memory_space<vmem_shared>>) dst(%dma_wait3A_72 : memref<128x128xf32, #tpu.memory_space<hbm>>)
      tpu.yield
    }) : () -> ()
    return
  }
}

#map = affine_map<(d0, d1) -> (0, 0)>
#map1 = affine_map<(d0, d1) -> (0)>
#map2 = affine_map<(d0, d1) -> (0, 0, 0)>
module attributes {stable_mosaic.version = 14 : i64} {
  func.func @_prop_body(%arg0: i32, %arg1: i32, %arg2: memref<10000x128xf32, #tpu.memory_space<hbm>>, %arg3: memref<320000xi32, #tpu.memory_space<hbm>>, %arg4: memref<320000xi32, #tpu.memory_space<hbm>>, %arg5: memref<2x10240x128xf32, #tpu.memory_space<hbm>>, %arg6: memref<80xi32, #tpu.memory_space<vmem>>, %arg7: memref<80xi32, #tpu.memory_space<vmem>>, %arg8: memref<80xi32, #tpu.memory_space<vmem>>, %arg9: memref<80xi32, #tpu.memory_space<vmem>>, %arg10: memref<80x128xf32, #tpu.memory_space<vmem>>, %arg11: memref<80x128xf32, #tpu.memory_space<vmem>>, %arg12: memref<128x128xf32, #tpu.memory_space<vmem>>, %arg13: memref<10240x128xf32, #tpu.memory_space<vmem_shared>>, %arg14: memref<!tpu.dma_semaphore, #tpu.memory_space<semaphore_mem>>, %arg15: memref<!tpu.dma_semaphore, #tpu.memory_space<semaphore_mem>>) attributes {dimension_semantics = [#tpu.dimension_semantics<core_parallel>, #tpu.dimension_semantics<subcore_parallel>], iteration_bounds = array<i64: 2, 16>, scalar_prefetch = 0 : i64, scratch_operands = 10 : i64, tpu.core_type = #tpu.core_type<sc_vector_subcore>, window_params = [{transform_indices = #map}, {transform_indices = #map1}, {transform_indices = #map1}, {transform_indices = #map2}]} {
    %mul3A = arith.constant 16 : i32
    %mul3A_0 = arith.muli %arg0, %mul3A : i32
    %add3A = arith.addi %mul3A_0, %arg1 : i32
    %broadcast_in_dim3A = arith.constant 0.000000e+00 : f32
    %broadcast_in_dim3A_1 = vector.broadcast %broadcast_in_dim3A : f32 to vector<16xf32>
    %scan3A = arith.constant 0 : i32
    %scan3A_2 = arith.constant 0 : i32
    %scan3A_3 = arith.constant 128 : i32
    %scan3A_4 = arith.addi %scan3A_2, %scan3A_3 : i32
    %scan3A_5 = arith.constant 1 : i32
    %scan3A_6 = scf.for %scan3A_74 = %scan3A_2 to %scan3A_4 step %scan3A_5 iter_args(%scan3A_75 = %scan3A) -> (i32)  : i32 {
      %swap3A = arith.index_cast %scan3A_74 : i32 to index
      %swap3A_76 = arith.constant 0 : index
      %swap3A_77 = tpu.vector_load %arg12[%swap3A, %swap3A_76] {strides = array<i32>} : memref<128x128xf32, #tpu.memory_space<vmem>>, vector<1x16xf32>,
      %swap3A_78 = vector.shape_cast %swap3A_77 : vector<1x16xf32> to vector<16xf32>
      %swap3A_79 = vector.shape_cast %broadcast_in_dim3A_1 : vector<16xf32> to vector<1x16xf32>
      tpu.vector_store %arg12[%swap3A, %swap3A_76], %swap3A_79 {strides = array<i32>} : memref<128x128xf32, #tpu.memory_space<vmem>>, vector<1x16xf32>,
      %swap3A_80 = arith.index_cast %scan3A_74 : i32 to index
      %swap3A_81 = arith.constant 16 : index
      %swap3A_82 = tpu.vector_load %arg12[%swap3A_80, %swap3A_81] {strides = array<i32>} : memref<128x128xf32, #tpu.memory_space<vmem>>, vector<1x16xf32>,
      %swap3A_83 = vector.shape_cast %swap3A_82 : vector<1x16xf32> to vector<16xf32>
      %swap3A_84 = vector.shape_cast %broadcast_in_dim3A_1 : vector<16xf32> to vector<1x16xf32>
      tpu.vector_store %arg12[%swap3A_80, %swap3A_81], %swap3A_84 {strides = array<i32>} : memref<128x128xf32, #tpu.memory_space<vmem>>, vector<1x16xf32>,
      %swap3A_85 = arith.index_cast %scan3A_74 : i32 to index
      %swap3A_86 = arith.constant 32 : index
      %swap3A_87 = tpu.vector_load %arg12[%swap3A_85, %swap3A_86] {strides = array<i32>} : memref<128x128xf32, #tpu.memory_space<vmem>>, vector<1x16xf32>,
      %swap3A_88 = vector.shape_cast %swap3A_87 : vector<1x16xf32> to vector<16xf32>
      %swap3A_89 = vector.shape_cast %broadcast_in_dim3A_1 : vector<16xf32> to vector<1x16xf32>
      tpu.vector_store %arg12[%swap3A_85, %swap3A_86], %swap3A_89 {strides = array<i32>} : memref<128x128xf32, #tpu.memory_space<vmem>>, vector<1x16xf32>,
      %swap3A_90 = arith.index_cast %scan3A_74 : i32 to index
      %swap3A_91 = arith.constant 48 : index
      %swap3A_92 = tpu.vector_load %arg12[%swap3A_90, %swap3A_91] {strides = array<i32>} : memref<128x128xf32, #tpu.memory_space<vmem>>, vector<1x16xf32>,
      %swap3A_93 = vector.shape_cast %swap3A_92 : vector<1x16xf32> to vector<16xf32>
      %swap3A_94 = vector.shape_cast %broadcast_in_dim3A_1 : vector<16xf32> to vector<1x16xf32>
      tpu.vector_store %arg12[%swap3A_90, %swap3A_91], %swap3A_94 {strides = array<i32>} : memref<128x128xf32, #tpu.memory_space<vmem>>, vector<1x16xf32>,
      %swap3A_95 = arith.index_cast %scan3A_74 : i32 to index
      %swap3A_96 = arith.constant 64 : index
      %swap3A_97 = tpu.vector_load %arg12[%swap3A_95, %swap3A_96] {strides = array<i32>} : memref<128x128xf32, #tpu.memory_space<vmem>>, vector<1x16xf32>,
      %swap3A_98 = vector.shape_cast %swap3A_97 : vector<1x16xf32> to vector<16xf32>
      %swap3A_99 = vector.shape_cast %broadcast_in_dim3A_1 : vector<16xf32> to vector<1x16xf32>
      tpu.vector_store %arg12[%swap3A_95, %swap3A_96], %swap3A_99 {strides = array<i32>} : memref<128x128xf32, #tpu.memory_space<vmem>>, vector<1x16xf32>,
      %swap3A_100 = arith.index_cast %scan3A_74 : i32 to index
      %swap3A_101 = arith.constant 80 : index
      %swap3A_102 = tpu.vector_load %arg12[%swap3A_100, %swap3A_101] {strides = array<i32>} : memref<128x128xf32, #tpu.memory_space<vmem>>, vector<1x16xf32>,
      %swap3A_103 = vector.shape_cast %swap3A_102 : vector<1x16xf32> to vector<16xf32>
      %swap3A_104 = vector.shape_cast %broadcast_in_dim3A_1 : vector<16xf32> to vector<1x16xf32>
      tpu.vector_store %arg12[%swap3A_100, %swap3A_101], %swap3A_104 {strides = array<i32>} : memref<128x128xf32, #tpu.memory_space<vmem>>, vector<1x16xf32>,
      %swap3A_105 = arith.index_cast %scan3A_74 : i32 to index
      %swap3A_106 = arith.constant 96 : index
      %swap3A_107 = tpu.vector_load %arg12[%swap3A_105, %swap3A_106] {strides = array<i32>} : memref<128x128xf32, #tpu.memory_space<vmem>>, vector<1x16xf32>,
      %swap3A_108 = vector.shape_cast %swap3A_107 : vector<1x16xf32> to vector<16xf32>
      %swap3A_109 = vector.shape_cast %broadcast_in_dim3A_1 : vector<16xf32> to vector<1x16xf32>
      tpu.vector_store %arg12[%swap3A_105, %swap3A_106], %swap3A_109 {strides = array<i32>} : memref<128x128xf32, #tpu.memory_space<vmem>>, vector<1x16xf32>,
      %swap3A_110 = arith.index_cast %scan3A_74 : i32 to index
      %swap3A_111 = arith.constant 112 : index
      %swap3A_112 = tpu.vector_load %arg12[%swap3A_110, %swap3A_111] {strides = array<i32>} : memref<128x128xf32, #tpu.memory_space<vmem>>, vector<1x16xf32>,
      %swap3A_113 = vector.shape_cast %swap3A_112 : vector<1x16xf32> to vector<16xf32>
      %swap3A_114 = vector.shape_cast %broadcast_in_dim3A_1 : vector<16xf32> to vector<1x16xf32>
      tpu.vector_store %arg12[%swap3A_110, %swap3A_111], %swap3A_114 {strides = array<i32>} : memref<128x128xf32, #tpu.memory_space<vmem>>, vector<1x16xf32>,
      %scan3A_115 = arith.constant 0 : i32
      scf.yield %scan3A_115 : i32
    }
    %scan3A_7 = arith.constant 128 : i32
    %mul3A_8 = arith.constant 640 : i32
    %mul3A_9 = arith.muli %arg1, %mul3A_8 : i32
    %add3A_10 = arith.constant 0 : i32
    %add3A_11 = arith.addi %mul3A_9, %add3A_10 : i32
    "tpu.region"() ({
      %run_scoped3A = tpu.sem_alloc : memref<!tpu.dma_semaphore, #tpu.memory_space<semaphore_mem>>
      %dma_start3A_74 = arith.constant 0 : i32
      %dma_start3A_75 = tpu.memref_slice %arg13[%add3A_11, %dma_start3A_74] : memref<10240x128xf32, #tpu.memory_space<vmem_shared>> -> memref<128x128xf32, #tpu.memory_space<vmem_shared>>
      %dma_start3A_76 = arith.constant 0 : i32
      %dma_start3A_77 = tpu.memref_slice %arg13[%add3A_11, %dma_start3A_76] : memref<10240x128xf32, #tpu.memory_space<vmem_shared>> -> memref<128x128xf32, #tpu.memory_space<vmem_shared>>
      tpu.enqueue_dma source(%arg12 : memref<128x128xf32, #tpu.memory_space<vmem>>) target(%dma_start3A_77 : memref<128x128xf32, #tpu.memory_space<vmem_shared>>) target_semaphore(%run_scoped3A : memref<!tpu.dma_semaphore, #tpu.memory_space<semaphore_mem>>)
      %dma_wait3A_78 = arith.constant 0 : i32
      %dma_wait3A_79 = tpu.memref_slice %arg13[%add3A_11, %dma_wait3A_78] : memref<10240x128xf32, #tpu.memory_space<vmem_shared>> -> memref<128x128xf32, #tpu.memory_space<vmem_shared>>
      %dma_wait3A_80 = arith.constant 0 : i32
      %dma_wait3A_81 = tpu.memref_slice %arg13[%add3A_11, %dma_wait3A_80] : memref<10240x128xf32, #tpu.memory_space<vmem_shared>> -> memref<128x128xf32, #tpu.memory_space<vmem_shared>>
      tpu.wait_dma2 semaphore(%run_scoped3A : memref<!tpu.dma_semaphore, #tpu.memory_space<semaphore_mem>>) src(%arg12 : memref<128x128xf32, #tpu.memory_space<vmem>>) dst(%dma_wait3A_81 : memref<128x128xf32, #tpu.memory_space<vmem_shared>>)
      tpu.yield
    }) : () -> ()
    %mul3A_12 = arith.constant 640 : i32
    %mul3A_13 = arith.muli %arg1, %mul3A_12 : i32
    %add3A_14 = arith.constant 128 : i32
    %add3A_15 = arith.addi %mul3A_13, %add3A_14 : i32
    "tpu.region"() ({
      %run_scoped3A = tpu.sem_alloc : memref<!tpu.dma_semaphore, #tpu.memory_space<semaphore_mem>>
      %dma_start3A_74 = arith.constant 0 : i32
      %dma_start3A_75 = tpu.memref_slice %arg13[%add3A_15, %dma_start3A_74] : memref<10240x128xf32, #tpu.memory_space<vmem_shared>> -> memref<128x128xf32, #tpu.memory_space<vmem_shared>>
      %dma_start3A_76 = arith.constant 0 : i32
      %dma_start3A_77 = tpu.memref_slice %arg13[%add3A_15, %dma_start3A_76] : memref<10240x128xf32, #tpu.memory_space<vmem_shared>> -> memref<128x128xf32, #tpu.memory_space<vmem_shared>>
      tpu.enqueue_dma source(%arg12 : memref<128x128xf32, #tpu.memory_space<vmem>>) target(%dma_start3A_77 : memref<128x128xf32, #tpu.memory_space<vmem_shared>>) target_semaphore(%run_scoped3A : memref<!tpu.dma_semaphore, #tpu.memory_space<semaphore_mem>>)
      %dma_wait3A_78 = arith.constant 0 : i32
      %dma_wait3A_79 = tpu.memref_slice %arg13[%add3A_15, %dma_wait3A_78] : memref<10240x128xf32, #tpu.memory_space<vmem_shared>> -> memref<128x128xf32, #tpu.memory_space<vmem_shared>>
      %dma_wait3A_80 = arith.constant 0 : i32
      %dma_wait3A_81 = tpu.memref_slice %arg13[%add3A_15, %dma_wait3A_80] : memref<10240x128xf32, #tpu.memory_space<vmem_shared>> -> memref<128x128xf32, #tpu.memory_space<vmem_shared>>
      tpu.wait_dma2 semaphore(%run_scoped3A : memref<!tpu.dma_semaphore, #tpu.memory_space<semaphore_mem>>) src(%arg12 : memref<128x128xf32, #tpu.memory_space<vmem>>) dst(%dma_wait3A_81 : memref<128x128xf32, #tpu.memory_space<vmem_shared>>)
      tpu.yield
    }) : () -> ()
    %mul3A_16 = arith.constant 640 : i32
    %mul3A_17 = arith.muli %arg1, %mul3A_16 : i32
    %add3A_18 = arith.constant 256 : i32
    %add3A_19 = arith.addi %mul3A_17, %add3A_18 : i32
    "tpu.region"() ({
      %run_scoped3A = tpu.sem_alloc : memref<!tpu.dma_semaphore, #tpu.memory_space<semaphore_mem>>
      %dma_start3A_74 = arith.constant 0 : i32
      %dma_start3A_75 = tpu.memref_slice %arg13[%add3A_19, %dma_start3A_74] : memref<10240x128xf32, #tpu.memory_space<vmem_shared>> -> memref<128x128xf32, #tpu.memory_space<vmem_shared>>
      %dma_start3A_76 = arith.constant 0 : i32
      %dma_start3A_77 = tpu.memref_slice %arg13[%add3A_19, %dma_start3A_76] : memref<10240x128xf32, #tpu.memory_space<vmem_shared>> -> memref<128x128xf32, #tpu.memory_space<vmem_shared>>
      tpu.enqueue_dma source(%arg12 : memref<128x128xf32, #tpu.memory_space<vmem>>) target(%dma_start3A_77 : memref<128x128xf32, #tpu.memory_space<vmem_shared>>) target_semaphore(%run_scoped3A : memref<!tpu.dma_semaphore, #tpu.memory_space<semaphore_mem>>)
      %dma_wait3A_78 = arith.constant 0 : i32
      %dma_wait3A_79 = tpu.memref_slice %arg13[%add3A_19, %dma_wait3A_78] : memref<10240x128xf32, #tpu.memory_space<vmem_shared>> -> memref<128x128xf32, #tpu.memory_space<vmem_shared>>
      %dma_wait3A_80 = arith.constant 0 : i32
      %dma_wait3A_81 = tpu.memref_slice %arg13[%add3A_19, %dma_wait3A_80] : memref<10240x128xf32, #tpu.memory_space<vmem_shared>> -> memref<128x128xf32, #tpu.memory_space<vmem_shared>>
      tpu.wait_dma2 semaphore(%run_scoped3A : memref<!tpu.dma_semaphore, #tpu.memory_space<semaphore_mem>>) src(%arg12 : memref<128x128xf32, #tpu.memory_space<vmem>>) dst(%dma_wait3A_81 : memref<128x128xf32, #tpu.memory_space<vmem_shared>>)
      tpu.yield
    }) : () -> ()
    %mul3A_20 = arith.constant 640 : i32
    %mul3A_21 = arith.muli %arg1, %mul3A_20 : i32
    %add3A_22 = arith.constant 384 : i32
    %add3A_23 = arith.addi %mul3A_21, %add3A_22 : i32
    "tpu.region"() ({
      %run_scoped3A = tpu.sem_alloc : memref<!tpu.dma_semaphore, #tpu.memory_space<semaphore_mem>>
      %dma_start3A_74 = arith.constant 0 : i32
      %dma_start3A_75 = tpu.memref_slice %arg13[%add3A_23, %dma_start3A_74] : memref<10240x128xf32, #tpu.memory_space<vmem_shared>> -> memref<128x128xf32, #tpu.memory_space<vmem_shared>>
      %dma_start3A_76 = arith.constant 0 : i32
      %dma_start3A_77 = tpu.memref_slice %arg13[%add3A_23, %dma_start3A_76] : memref<10240x128xf32, #tpu.memory_space<vmem_shared>> -> memref<128x128xf32, #tpu.memory_space<vmem_shared>>
      tpu.enqueue_dma source(%arg12 : memref<128x128xf32, #tpu.memory_space<vmem>>) target(%dma_start3A_77 : memref<128x128xf32, #tpu.memory_space<vmem_shared>>) target_semaphore(%run_scoped3A : memref<!tpu.dma_semaphore, #tpu.memory_space<semaphore_mem>>)
      %dma_wait3A_78 = arith.constant 0 : i32
      %dma_wait3A_79 = tpu.memref_slice %arg13[%add3A_23, %dma_wait3A_78] : memref<10240x128xf32, #tpu.memory_space<vmem_shared>> -> memref<128x128xf32, #tpu.memory_space<vmem_shared>>
      %dma_wait3A_80 = arith.constant 0 : i32
      %dma_wait3A_81 = tpu.memref_slice %arg13[%add3A_23, %dma_wait3A_80] : memref<10240x128xf32, #tpu.memory_space<vmem_shared>> -> memref<128x128xf32, #tpu.memory_space<vmem_shared>>
      tpu.wait_dma2 semaphore(%run_scoped3A : memref<!tpu.dma_semaphore, #tpu.memory_space<semaphore_mem>>) src(%arg12 : memref<128x128xf32, #tpu.memory_space<vmem>>) dst(%dma_wait3A_81 : memref<128x128xf32, #tpu.memory_space<vmem_shared>>)
      tpu.yield
    }) : () -> ()
    %mul3A_24 = arith.constant 640 : i32
    %mul3A_25 = arith.muli %arg1, %mul3A_24 : i32
    %add3A_26 = arith.constant 512 : i32
    %add3A_27 = arith.addi %mul3A_25, %add3A_26 : i32
    "tpu.region"() ({
      %run_scoped3A = tpu.sem_alloc : memref<!tpu.dma_semaphore, #tpu.memory_space<semaphore_mem>>
      %dma_start3A_74 = arith.constant 0 : i32
      %dma_start3A_75 = tpu.memref_slice %arg13[%add3A_27, %dma_start3A_74] : memref<10240x128xf32, #tpu.memory_space<vmem_shared>> -> memref<128x128xf32, #tpu.memory_space<vmem_shared>>
      %dma_start3A_76 = arith.constant 0 : i32
      %dma_start3A_77 = tpu.memref_slice %arg13[%add3A_27, %dma_start3A_76] : memref<10240x128xf32, #tpu.memory_space<vmem_shared>> -> memref<128x128xf32, #tpu.memory_space<vmem_shared>>
      tpu.enqueue_dma source(%arg12 : memref<128x128xf32, #tpu.memory_space<vmem>>) target(%dma_start3A_77 : memref<128x128xf32, #tpu.memory_space<vmem_shared>>) target_semaphore(%run_scoped3A : memref<!tpu.dma_semaphore, #tpu.memory_space<semaphore_mem>>)
      %dma_wait3A_78 = arith.constant 0 : i32
      %dma_wait3A_79 = tpu.memref_slice %arg13[%add3A_27, %dma_wait3A_78] : memref<10240x128xf32, #tpu.memory_space<vmem_shared>> -> memref<128x128xf32, #tpu.memory_space<vmem_shared>>
      %dma_wait3A_80 = arith.constant 0 : i32
      %dma_wait3A_81 = tpu.memref_slice %arg13[%add3A_27, %dma_wait3A_80] : memref<10240x128xf32, #tpu.memory_space<vmem_shared>> -> memref<128x128xf32, #tpu.memory_space<vmem_shared>>
      tpu.wait_dma2 semaphore(%run_scoped3A : memref<!tpu.dma_semaphore, #tpu.memory_space<semaphore_mem>>) src(%arg12 : memref<128x128xf32, #tpu.memory_space<vmem>>) dst(%dma_wait3A_81 : memref<128x128xf32, #tpu.memory_space<vmem_shared>>)
      tpu.yield
    }) : () -> ()
    %barrier3A = arith.constant 0 : index
    tpu.barrier barrier_id(%barrier3A)
    %mul3A_28 = arith.constant 10000 : i32
    %mul3A_29 = arith.muli %add3A, %mul3A_28 : i32
    "tpu.region"() ({
      %run_scoped3A = tpu.sem_alloc : memref<!tpu.dma_semaphore, #tpu.memory_space<semaphore_mem>>
      %dma_start3A_74 = tpu.memref_slice %arg3[%mul3A_29] : memref<320000xi32, #tpu.memory_space<hbm>> -> memref<80xi32, #tpu.memory_space<hbm>>
      %dma_start3A_75 = tpu.memref_slice %arg3[%mul3A_29] : memref<320000xi32, #tpu.memory_space<hbm>> -> memref<80xi32, #tpu.memory_space<hbm>>
      tpu.enqueue_dma source(%dma_start3A_75 : memref<80xi32, #tpu.memory_space<hbm>>) target(%arg6 : memref<80xi32, #tpu.memory_space<vmem>>) target_semaphore(%run_scoped3A : memref<!tpu.dma_semaphore, #tpu.memory_space<semaphore_mem>>)
      %dma_wait3A_76 = tpu.memref_slice %arg3[%mul3A_29] : memref<320000xi32, #tpu.memory_space<hbm>> -> memref<80xi32, #tpu.memory_space<hbm>>
      %dma_wait3A_77 = tpu.memref_slice %arg3[%mul3A_29] : memref<320000xi32, #tpu.memory_space<hbm>> -> memref<80xi32, #tpu.memory_space<hbm>>
      tpu.wait_dma2 semaphore(%run_scoped3A : memref<!tpu.dma_semaphore, #tpu.memory_space<semaphore_mem>>) src(%dma_wait3A_77 : memref<80xi32, #tpu.memory_space<hbm>>) dst(%arg6 : memref<80xi32, #tpu.memory_space<vmem>>)
      tpu.yield
    }) : () -> ()
    "tpu.region"() ({
      %run_scoped3A = tpu.sem_alloc : memref<!tpu.dma_semaphore, #tpu.memory_space<semaphore_mem>>
      %dma_start3A_74 = tpu.memref_slice %arg4[%mul3A_29] : memref<320000xi32, #tpu.memory_space<hbm>> -> memref<80xi32, #tpu.memory_space<hbm>>
      %dma_start3A_75 = tpu.memref_slice %arg4[%mul3A_29] : memref<320000xi32, #tpu.memory_space<hbm>> -> memref<80xi32, #tpu.memory_space<hbm>>
      tpu.enqueue_dma source(%dma_start3A_75 : memref<80xi32, #tpu.memory_space<hbm>>) target(%arg8 : memref<80xi32, #tpu.memory_space<vmem>>) target_semaphore(%run_scoped3A : memref<!tpu.dma_semaphore, #tpu.memory_space<semaphore_mem>>)
      %dma_wait3A_76 = tpu.memref_slice %arg4[%mul3A_29] : memref<320000xi32, #tpu.memory_space<hbm>> -> memref<80xi32, #tpu.memory_space<hbm>>
      %dma_wait3A_77 = tpu.memref_slice %arg4[%mul3A_29] : memref<320000xi32, #tpu.memory_space<hbm>> -> memref<80xi32, #tpu.memory_space<hbm>>
      tpu.wait_dma2 semaphore(%run_scoped3A : memref<!tpu.dma_semaphore, #tpu.memory_space<semaphore_mem>>) src(%dma_wait3A_77 : memref<80xi32, #tpu.memory_space<hbm>>) dst(%arg8 : memref<80xi32, #tpu.memory_space<vmem>>)
      tpu.yield
    }) : () -> ()
    %scan3A_30 = arith.constant 0 : i32
    %scan3A_31 = arith.constant 0 : i32
    %scan3A_32 = arith.constant 62 : i32
    %scan3A_33 = arith.addi %scan3A_31, %scan3A_32 : i32
    %scan3A_34 = arith.constant 1 : i32
    %scan3A_35 = scf.for %scan3A_74 = %scan3A_31 to %scan3A_33 step %scan3A_34 iter_args(%scan3A_75 = %scan3A_30) -> (i32)  : i32 {
      %mul3A_76 = arith.constant 2 : i32
      %mul3A_77 = arith.muli %mul3A_76, %scan3A_74 : i32
      %ge3A = arith.constant 2 : i32
      %ge3A_78 = arith.cmpi sge, %mul3A_77, %ge3A : i32
      %convert_element_type3A = arith.extui %ge3A_78 : i1 to i32
      %cond3A = arith.constant 0 : i32
      %cond3A_79 = arith.cmpi ne, %convert_element_type3A, %cond3A : i32
      scf.if %cond3A_79 {
        %dma_wait3A_121 = arith.constant 0 : i32
        %dma_wait3A_122 = arith.constant 0 : i32
        %dma_wait3A_123 = tpu.memref_slice %arg13[%dma_wait3A_121, %dma_wait3A_122] : memref<10240x128xf32, #tpu.memory_space<vmem_shared>> -> memref<10240x128xf32, #tpu.memory_space<vmem_shared>>
        tpu.wait_indirect_dma semaphore(%arg15 : memref<!tpu.dma_semaphore, #tpu.memory_space<semaphore_mem>>) src(%arg10 : memref<80x128xf32, #tpu.memory_space<vmem>>) dst(%dma_wait3A_123 : memref<10240x128xf32, #tpu.memory_space<vmem_shared>>)
      } else {
      }
      %dma_start3A_80 = arith.constant 0 : i32
      %dma_start3A_81 = arith.constant 0 : i32
      %dma_start3A_82 = tpu.memref_slice %arg2[%dma_start3A_80, %dma_start3A_81] : memref<10000x128xf32, #tpu.memory_space<hbm>> -> memref<10000x128xf32, #tpu.memory_space<hbm>>
      tpu.enqueue_indirect_dma source(%dma_start3A_82 : memref<10000x128xf32, #tpu.memory_space<hbm>>) target(%arg10 : memref<80x128xf32, #tpu.memory_space<vmem>>) offsets(%arg6 : memref<80xi32, #tpu.memory_space<vmem>>) semaphore(%arg14 : memref<!tpu.dma_semaphore, #tpu.memory_space<semaphore_mem>>)
      %add3A_83 = arith.constant 1 : i32
      %add3A_84 = arith.addi %mul3A_77, %add3A_83 : i32
      %lt3A = arith.constant 125 : i32
      %lt3A_85 = arith.cmpi slt, %add3A_84, %lt3A : i32
      %convert_element_type3A_86 = arith.extui %lt3A_85 : i1 to i32
      %cond3A_87 = arith.constant 0 : i32
      %cond3A_88 = arith.cmpi ne, %convert_element_type3A_86, %cond3A_87 : i32
      scf.if %cond3A_88 {
        %add3A_121 = arith.constant 1 : i32
        %add3A_122 = arith.addi %mul3A_77, %add3A_121 : i32
        %mul3A_123 = arith.constant 80 : i32
        %mul3A_124 = arith.muli %add3A_122, %mul3A_123 : i32
        %add3A_125 = arith.addi %mul3A_29, %mul3A_124 : i32
        "tpu.region"() ({
          %run_scoped3A = tpu.sem_alloc : memref<!tpu.dma_semaphore, #tpu.memory_space<semaphore_mem>>
          %dma_start3A_126 = tpu.memref_slice %arg3[%add3A_125] : memref<320000xi32, #tpu.memory_space<hbm>> -> memref<80xi32, #tpu.memory_space<hbm>>
          %dma_start3A_127 = tpu.memref_slice %arg3[%add3A_125] : memref<320000xi32, #tpu.memory_space<hbm>> -> memref<80xi32, #tpu.memory_space<hbm>>
          tpu.enqueue_dma source(%dma_start3A_127 : memref<80xi32, #tpu.memory_space<hbm>>) target(%arg7 : memref<80xi32, #tpu.memory_space<vmem>>) target_semaphore(%run_scoped3A : memref<!tpu.dma_semaphore, #tpu.memory_space<semaphore_mem>>)
          %dma_wait3A_128 = tpu.memref_slice %arg3[%add3A_125] : memref<320000xi32, #tpu.memory_space<hbm>> -> memref<80xi32, #tpu.memory_space<hbm>>
          %dma_wait3A_129 = tpu.memref_slice %arg3[%add3A_125] : memref<320000xi32, #tpu.memory_space<hbm>> -> memref<80xi32, #tpu.memory_space<hbm>>
          tpu.wait_dma2 semaphore(%run_scoped3A : memref<!tpu.dma_semaphore, #tpu.memory_space<semaphore_mem>>) src(%dma_wait3A_129 : memref<80xi32, #tpu.memory_space<hbm>>) dst(%arg7 : memref<80xi32, #tpu.memory_space<vmem>>)
          tpu.yield
        }) : () -> ()
        "tpu.region"() ({
          %run_scoped3A = tpu.sem_alloc : memref<!tpu.dma_semaphore, #tpu.memory_space<semaphore_mem>>
          %dma_start3A_126 = tpu.memref_slice %arg4[%add3A_125] : memref<320000xi32, #tpu.memory_space<hbm>> -> memref<80xi32, #tpu.memory_space<hbm>>
          %dma_start3A_127 = tpu.memref_slice %arg4[%add3A_125] : memref<320000xi32, #tpu.memory_space<hbm>> -> memref<80xi32, #tpu.memory_space<hbm>>
          tpu.enqueue_dma source(%dma_start3A_127 : memref<80xi32, #tpu.memory_space<hbm>>) target(%arg9 : memref<80xi32, #tpu.memory_space<vmem>>) target_semaphore(%run_scoped3A : memref<!tpu.dma_semaphore, #tpu.memory_space<semaphore_mem>>)
          %dma_wait3A_128 = tpu.memref_slice %arg4[%add3A_125] : memref<320000xi32, #tpu.memory_space<hbm>> -> memref<80xi32, #tpu.memory_space<hbm>>
          %dma_wait3A_129 = tpu.memref_slice %arg4[%add3A_125] : memref<320000xi32, #tpu.memory_space<hbm>> -> memref<80xi32, #tpu.memory_space<hbm>>
          tpu.wait_dma2 semaphore(%run_scoped3A : memref<!tpu.dma_semaphore, #tpu.memory_space<semaphore_mem>>) src(%dma_wait3A_129 : memref<80xi32, #tpu.memory_space<hbm>>) dst(%arg9 : memref<80xi32, #tpu.memory_space<vmem>>)
          tpu.yield
        }) : () -> ()
      } else {
      }
      %dma_wait3A_89 = arith.constant 0 : i32
      %dma_wait3A_90 = arith.constant 0 : i32
      %dma_wait3A_91 = tpu.memref_slice %arg2[%dma_wait3A_89, %dma_wait3A_90] : memref<10000x128xf32, #tpu.memory_space<hbm>> -> memref<10000x128xf32, #tpu.memory_space<hbm>>
      tpu.wait_indirect_dma semaphore(%arg14 : memref<!tpu.dma_semaphore, #tpu.memory_space<semaphore_mem>>) src(%dma_wait3A_91 : memref<10000x128xf32, #tpu.memory_space<hbm>>) dst(%arg10 : memref<80x128xf32, #tpu.memory_space<vmem>>)
      %dma_start3A_92 = arith.constant 0 : i32
      %dma_start3A_93 = arith.constant 0 : i32
      %dma_start3A_94 = tpu.memref_slice %arg13[%dma_start3A_92, %dma_start3A_93] : memref<10240x128xf32, #tpu.memory_space<vmem_shared>> -> memref<10240x128xf32, #tpu.memory_space<vmem_shared>>
      tpu.enqueue_indirect_dma source(%arg10 : memref<80x128xf32, #tpu.memory_space<vmem>>) target(%dma_start3A_94 : memref<10240x128xf32, #tpu.memory_space<vmem_shared>>) offsets(%arg8 : memref<80xi32, #tpu.memory_space<vmem>>) semaphore(%arg15 : memref<!tpu.dma_semaphore, #tpu.memory_space<semaphore_mem>>) {add = true}
      %mul3A_95 = arith.constant 2 : i32
      %mul3A_96 = arith.muli %mul3A_95, %scan3A_74 : i32
      %add3A_97 = arith.constant 1 : i32
      %add3A_98 = arith.addi %mul3A_96, %add3A_97 : i32
      %ge3A_99 = arith.constant 2 : i32
      %ge3A_100 = arith.cmpi sge, %add3A_98, %ge3A_99 : i32
      %convert_element_type3A_101 = arith.extui %ge3A_100 : i1 to i32
      %cond3A_102 = arith.constant 0 : i32
      %cond3A_103 = arith.cmpi ne, %convert_element_type3A_101, %cond3A_102 : i32
      scf.if %cond3A_103 {
        %dma_wait3A_121 = arith.constant 0 : i32
        %dma_wait3A_122 = arith.constant 0 : i32
        %dma_wait3A_123 = tpu.memref_slice %arg13[%dma_wait3A_121, %dma_wait3A_122] : memref<10240x128xf32, #tpu.memory_space<vmem_shared>> -> memref<10240x128xf32, #tpu.memory_space<vmem_shared>>
        tpu.wait_indirect_dma semaphore(%arg15 : memref<!tpu.dma_semaphore, #tpu.memory_space<semaphore_mem>>) src(%arg11 : memref<80x128xf32, #tpu.memory_space<vmem>>) dst(%dma_wait3A_123 : memref<10240x128xf32, #tpu.memory_space<vmem_shared>>)
      } else {
      }
      %dma_start3A_104 = arith.constant 0 : i32
      %dma_start3A_105 = arith.constant 0 : i32
      %dma_start3A_106 = tpu.memref_slice %arg2[%dma_start3A_104, %dma_start3A_105] : memref<10000x128xf32, #tpu.memory_space<hbm>> -> memref<10000x128xf32, #tpu.memory_space<hbm>>
      tpu.enqueue_indirect_dma source(%dma_start3A_106 : memref<10000x128xf32, #tpu.memory_space<hbm>>) target(%arg11 : memref<80x128xf32, #tpu.memory_space<vmem>>) offsets(%arg7 : memref<80xi32, #tpu.memory_space<vmem>>) semaphore(%arg14 : memref<!tpu.dma_semaphore, #tpu.memory_space<semaphore_mem>>)
      %add3A_107 = arith.constant 1 : i32
      %add3A_108 = arith.addi %add3A_98, %add3A_107 : i32
      %lt3A_109 = arith.constant 125 : i32
      %lt3A_110 = arith.cmpi slt, %add3A_108, %lt3A_109 : i32
      %convert_element_type3A_111 = arith.extui %lt3A_110 : i1 to i32
      %cond3A_112 = arith.constant 0 : i32
      %cond3A_113 = arith.cmpi ne, %convert_element_type3A_111, %cond3A_112 : i32
      scf.if %cond3A_113 {
        %add3A_121 = arith.constant 1 : i32
        %add3A_122 = arith.addi %add3A_98, %add3A_121 : i32
        %mul3A_123 = arith.constant 80 : i32
        %mul3A_124 = arith.muli %add3A_122, %mul3A_123 : i32
        %add3A_125 = arith.addi %mul3A_29, %mul3A_124 : i32
        "tpu.region"() ({
          %run_scoped3A = tpu.sem_alloc : memref<!tpu.dma_semaphore, #tpu.memory_space<semaphore_mem>>
          %dma_start3A_126 = tpu.memref_slice %arg3[%add3A_125] : memref<320000xi32, #tpu.memory_space<hbm>> -> memref<80xi32, #tpu.memory_space<hbm>>
          %dma_start3A_127 = tpu.memref_slice %arg3[%add3A_125] : memref<320000xi32, #tpu.memory_space<hbm>> -> memref<80xi32, #tpu.memory_space<hbm>>
          tpu.enqueue_dma source(%dma_start3A_127 : memref<80xi32, #tpu.memory_space<hbm>>) target(%arg6 : memref<80xi32, #tpu.memory_space<vmem>>) target_semaphore(%run_scoped3A : memref<!tpu.dma_semaphore, #tpu.memory_space<semaphore_mem>>)
          %dma_wait3A_128 = tpu.memref_slice %arg3[%add3A_125] : memref<320000xi32, #tpu.memory_space<hbm>> -> memref<80xi32, #tpu.memory_space<hbm>>
          %dma_wait3A_129 = tpu.memref_slice %arg3[%add3A_125] : memref<320000xi32, #tpu.memory_space<hbm>> -> memref<80xi32, #tpu.memory_space<hbm>>
          tpu.wait_dma2 semaphore(%run_scoped3A : memref<!tpu.dma_semaphore, #tpu.memory_space<semaphore_mem>>) src(%dma_wait3A_129 : memref<80xi32, #tpu.memory_space<hbm>>) dst(%arg6 : memref<80xi32, #tpu.memory_space<vmem>>)
          tpu.yield
        }) : () -> ()
        "tpu.region"() ({
          %run_scoped3A = tpu.sem_alloc : memref<!tpu.dma_semaphore, #tpu.memory_space<semaphore_mem>>
          %dma_start3A_126 = tpu.memref_slice %arg4[%add3A_125] : memref<320000xi32, #tpu.memory_space<hbm>> -> memref<80xi32, #tpu.memory_space<hbm>>
          %dma_start3A_127 = tpu.memref_slice %arg4[%add3A_125] : memref<320000xi32, #tpu.memory_space<hbm>> -> memref<80xi32, #tpu.memory_space<hbm>>
          tpu.enqueue_dma source(%dma_start3A_127 : memref<80xi32, #tpu.memory_space<hbm>>) target(%arg8 : memref<80xi32, #tpu.memory_space<vmem>>) target_semaphore(%run_scoped3A : memref<!tpu.dma_semaphore, #tpu.memory_space<semaphore_mem>>)
          %dma_wait3A_128 = tpu.memref_slice %arg4[%add3A_125] : memref<320000xi32, #tpu.memory_space<hbm>> -> memref<80xi32, #tpu.memory_space<hbm>>
          %dma_wait3A_129 = tpu.memref_slice %arg4[%add3A_125] : memref<320000xi32, #tpu.memory_space<hbm>> -> memref<80xi32, #tpu.memory_space<hbm>>
          tpu.wait_dma2 semaphore(%run_scoped3A : memref<!tpu.dma_semaphore, #tpu.memory_space<semaphore_mem>>) src(%dma_wait3A_129 : memref<80xi32, #tpu.memory_space<hbm>>) dst(%arg8 : memref<80xi32, #tpu.memory_space<vmem>>)
          tpu.yield
        }) : () -> ()
      } else {
      }
      %dma_wait3A_114 = arith.constant 0 : i32
      %dma_wait3A_115 = arith.constant 0 : i32
      %dma_wait3A_116 = tpu.memref_slice %arg2[%dma_wait3A_114, %dma_wait3A_115] : memref<10000x128xf32, #tpu.memory_space<hbm>> -> memref<10000x128xf32, #tpu.memory_space<hbm>>
      tpu.wait_indirect_dma semaphore(%arg14 : memref<!tpu.dma_semaphore, #tpu.memory_space<semaphore_mem>>) src(%dma_wait3A_116 : memref<10000x128xf32, #tpu.memory_space<hbm>>) dst(%arg11 : memref<80x128xf32, #tpu.memory_space<vmem>>)
      %dma_start3A_117 = arith.constant 0 : i32
      %dma_start3A_118 = arith.constant 0 : i32
      %dma_start3A_119 = tpu.memref_slice %arg13[%dma_start3A_117, %dma_start3A_118] : memref<10240x128xf32, #tpu.memory_space<vmem_shared>> -> memref<10240x128xf32, #tpu.memory_space<vmem_shared>>
      tpu.enqueue_indirect_dma source(%arg11 : memref<80x128xf32, #tpu.memory_space<vmem>>) target(%dma_start3A_119 : memref<10240x128xf32, #tpu.memory_space<vmem_shared>>) offsets(%arg9 : memref<80xi32, #tpu.memory_space<vmem>>) semaphore(%arg15 : memref<!tpu.dma_semaphore, #tpu.memory_space<semaphore_mem>>) {add = true}
      %scan3A_120 = arith.constant 0 : i32
      scf.yield %scan3A_120 : i32
    }
    %scan3A_36 = arith.constant 62 : i32
    %dma_wait3A = arith.constant 0 : i32
    %dma_wait3A_37 = arith.constant 0 : i32
    %dma_wait3A_38 = tpu.memref_slice %arg13[%dma_wait3A, %dma_wait3A_37] : memref<10240x128xf32, #tpu.memory_space<vmem_shared>> -> memref<10240x128xf32, #tpu.memory_space<vmem_shared>>
    tpu.wait_indirect_dma semaphore(%arg15 : memref<!tpu.dma_semaphore, #tpu.memory_space<semaphore_mem>>) src(%arg10 : memref<80x128xf32, #tpu.memory_space<vmem>>) dst(%dma_wait3A_38 : memref<10240x128xf32, #tpu.memory_space<vmem_shared>>)
    %dma_start3A = arith.constant 0 : i32
    %dma_start3A_39 = arith.constant 0 : i32
    %dma_start3A_40 = tpu.memref_slice %arg2[%dma_start3A, %dma_start3A_39] : memref<10000x128xf32, #tpu.memory_space<hbm>> -> memref<10000x128xf32, #tpu.memory_space<hbm>>
    tpu.enqueue_indirect_dma source(%dma_start3A_40 : memref<10000x128xf32, #tpu.memory_space<hbm>>) target(%arg10 : memref<80x128xf32, #tpu.memory_space<vmem>>) offsets(%arg6 : memref<80xi32, #tpu.memory_space<vmem>>) semaphore(%arg14 : memref<!tpu.dma_semaphore, #tpu.memory_space<semaphore_mem>>)
    %dma_wait3A_41 = arith.constant 0 : i32
    %dma_wait3A_42 = arith.constant 0 : i32
    %dma_wait3A_43 = tpu.memref_slice %arg2[%dma_wait3A_41, %dma_wait3A_42] : memref<10000x128xf32, #tpu.memory_space<hbm>> -> memref<10000x128xf32, #tpu.memory_space<hbm>>
    tpu.wait_indirect_dma semaphore(%arg14 : memref<!tpu.dma_semaphore, #tpu.memory_space<semaphore_mem>>) src(%dma_wait3A_43 : memref<10000x128xf32, #tpu.memory_space<hbm>>) dst(%arg10 : memref<80x128xf32, #tpu.memory_space<vmem>>)
    %dma_start3A_44 = arith.constant 0 : i32
    %dma_start3A_45 = arith.constant 0 : i32
    %dma_start3A_46 = tpu.memref_slice %arg13[%dma_start3A_44, %dma_start3A_45] : memref<10240x128xf32, #tpu.memory_space<vmem_shared>> -> memref<10240x128xf32, #tpu.memory_space<vmem_shared>>
    tpu.enqueue_indirect_dma source(%arg10 : memref<80x128xf32, #tpu.memory_space<vmem>>) target(%dma_start3A_46 : memref<10240x128xf32, #tpu.memory_space<vmem_shared>>) offsets(%arg8 : memref<80xi32, #tpu.memory_space<vmem>>) semaphore(%arg15 : memref<!tpu.dma_semaphore, #tpu.memory_space<semaphore_mem>>) {add = true}
    %dma_wait3A_47 = arith.constant 0 : i32
    %dma_wait3A_48 = arith.constant 0 : i32
    %dma_wait3A_49 = tpu.memref_slice %arg13[%dma_wait3A_47, %dma_wait3A_48] : memref<10240x128xf32, #tpu.memory_space<vmem_shared>> -> memref<10240x128xf32, #tpu.memory_space<vmem_shared>>
    tpu.wait_indirect_dma semaphore(%arg15 : memref<!tpu.dma_semaphore, #tpu.memory_space<semaphore_mem>>) src(%arg11 : memref<80x128xf32, #tpu.memory_space<vmem>>) dst(%dma_wait3A_49 : memref<10240x128xf32, #tpu.memory_space<vmem_shared>>)
    %dma_wait3A_50 = arith.constant 0 : i32
    %dma_wait3A_51 = arith.constant 0 : i32
    %dma_wait3A_52 = tpu.memref_slice %arg13[%dma_wait3A_50, %dma_wait3A_51] : memref<10240x128xf32, #tpu.memory_space<vmem_shared>> -> memref<10240x128xf32, #tpu.memory_space<vmem_shared>>
    tpu.wait_indirect_dma semaphore(%arg15 : memref<!tpu.dma_semaphore, #tpu.memory_space<semaphore_mem>>) src(%arg10 : memref<80x128xf32, #tpu.memory_space<vmem>>) dst(%dma_wait3A_52 : memref<10240x128xf32, #tpu.memory_space<vmem_shared>>)
    %barrier3A_53 = arith.constant 0 : index
    tpu.barrier barrier_id(%barrier3A_53)
    %mul3A_54 = arith.constant 640 : i32
    %mul3A_55 = arith.muli %arg1, %mul3A_54 : i32
    %add3A_56 = arith.constant 0 : i32
    %add3A_57 = arith.addi %mul3A_55, %add3A_56 : i32
    "tpu.region"() ({
      %run_scoped3A = tpu.sem_alloc : memref<!tpu.dma_semaphore, #tpu.memory_space<semaphore_mem>>
      %dma_start3A_74 = arith.constant 0 : i32
      %dma_start3A_75 = tpu.memref_slice %arg5[%arg0, %add3A_57, %dma_start3A_74] : memref<2x10240x128xf32, #tpu.memory_space<hbm>> -> memref<1x128x128xf32, #tpu.memory_space<hbm>>
      %dma_start3A_76 = tpu.memref_squeeze %dma_start3A_75 : memref<1x128x128xf32, #tpu.memory_space<hbm>> -> memref<128x128xf32, #tpu.memory_space<hbm>>
      %dma_start3A_77 = arith.constant 0 : i32
      %dma_start3A_78 = tpu.memref_slice %arg13[%add3A_57, %dma_start3A_77] : memref<10240x128xf32, #tpu.memory_space<vmem_shared>> -> memref<128x128xf32, #tpu.memory_space<vmem_shared>>
      tpu.enqueue_dma source(%dma_start3A_78 : memref<128x128xf32, #tpu.memory_space<vmem_shared>>) target(%dma_start3A_76 : memref<128x128xf32, #tpu.memory_space<hbm>>) target_semaphore(%run_scoped3A : memref<!tpu.dma_semaphore, #tpu.memory_space<semaphore_mem>>)
      %dma_wait3A_79 = arith.constant 0 : i32
      %dma_wait3A_80 = tpu.memref_slice %arg5[%arg0, %add3A_57, %dma_wait3A_79] : memref<2x10240x128xf32, #tpu.memory_space<hbm>> -> memref<1x128x128xf32, #tpu.memory_space<hbm>>
      %dma_wait3A_81 = tpu.memref_squeeze %dma_wait3A_80 : memref<1x128x128xf32, #tpu.memory_space<hbm>> -> memref<128x128xf32, #tpu.memory_space<hbm>>
      %dma_wait3A_82 = arith.constant 0 : i32
      %dma_wait3A_83 = tpu.memref_slice %arg13[%add3A_57, %dma_wait3A_82] : memref<10240x128xf32, #tpu.memory_space<vmem_shared>> -> memref<128x128xf32, #tpu.memory_space<vmem_shared>>
      tpu.wait_dma2 semaphore(%run_scoped3A : memref<!tpu.dma_semaphore, #tpu.memory_space<semaphore_mem>>) src(%dma_wait3A_83 : memref<128x128xf32, #tpu.memory_space<vmem_shared>>) dst(%dma_wait3A_81 : memref<128x128xf32, #tpu.memory_space<hbm>>)
      tpu.yield
    }) : () -> ()
    %mul3A_58 = arith.constant 640 : i32
    %mul3A_59 = arith.muli %arg1, %mul3A_58 : i32
    %add3A_60 = arith.constant 128 : i32
    %add3A_61 = arith.addi %mul3A_59, %add3A_60 : i32
    "tpu.region"() ({
      %run_scoped3A = tpu.sem_alloc : memref<!tpu.dma_semaphore, #tpu.memory_space<semaphore_mem>>
      %dma_start3A_74 = arith.constant 0 : i32
      %dma_start3A_75 = tpu.memref_slice %arg5[%arg0, %add3A_61, %dma_start3A_74] : memref<2x10240x128xf32, #tpu.memory_space<hbm>> -> memref<1x128x128xf32, #tpu.memory_space<hbm>>
      %dma_start3A_76 = tpu.memref_squeeze %dma_start3A_75 : memref<1x128x128xf32, #tpu.memory_space<hbm>> -> memref<128x128xf32, #tpu.memory_space<hbm>>
      %dma_start3A_77 = arith.constant 0 : i32
      %dma_start3A_78 = tpu.memref_slice %arg13[%add3A_61, %dma_start3A_77] : memref<10240x128xf32, #tpu.memory_space<vmem_shared>> -> memref<128x128xf32, #tpu.memory_space<vmem_shared>>
      tpu.enqueue_dma source(%dma_start3A_78 : memref<128x128xf32, #tpu.memory_space<vmem_shared>>) target(%dma_start3A_76 : memref<128x128xf32, #tpu.memory_space<hbm>>) target_semaphore(%run_scoped3A : memref<!tpu.dma_semaphore, #tpu.memory_space<semaphore_mem>>)
      %dma_wait3A_79 = arith.constant 0 : i32
      %dma_wait3A_80 = tpu.memref_slice %arg5[%arg0, %add3A_61, %dma_wait3A_79] : memref<2x10240x128xf32, #tpu.memory_space<hbm>> -> memref<1x128x128xf32, #tpu.memory_space<hbm>>
      %dma_wait3A_81 = tpu.memref_squeeze %dma_wait3A_80 : memref<1x128x128xf32, #tpu.memory_space<hbm>> -> memref<128x128xf32, #tpu.memory_space<hbm>>
      %dma_wait3A_82 = arith.constant 0 : i32
      %dma_wait3A_83 = tpu.memref_slice %arg13[%add3A_61, %dma_wait3A_82] : memref<10240x128xf32, #tpu.memory_space<vmem_shared>> -> memref<128x128xf32, #tpu.memory_space<vmem_shared>>
      tpu.wait_dma2 semaphore(%run_scoped3A : memref<!tpu.dma_semaphore, #tpu.memory_space<semaphore_mem>>) src(%dma_wait3A_83 : memref<128x128xf32, #tpu.memory_space<vmem_shared>>) dst(%dma_wait3A_81 : memref<128x128xf32, #tpu.memory_space<hbm>>)
      tpu.yield
    }) : () -> ()
    %mul3A_62 = arith.constant 640 : i32
    %mul3A_63 = arith.muli %arg1, %mul3A_62 : i32
    %add3A_64 = arith.constant 256 : i32
    %add3A_65 = arith.addi %mul3A_63, %add3A_64 : i32
    "tpu.region"() ({
      %run_scoped3A = tpu.sem_alloc : memref<!tpu.dma_semaphore, #tpu.memory_space<semaphore_mem>>
      %dma_start3A_74 = arith.constant 0 : i32
      %dma_start3A_75 = tpu.memref_slice %arg5[%arg0, %add3A_65, %dma_start3A_74] : memref<2x10240x128xf32, #tpu.memory_space<hbm>> -> memref<1x128x128xf32, #tpu.memory_space<hbm>>
      %dma_start3A_76 = tpu.memref_squeeze %dma_start3A_75 : memref<1x128x128xf32, #tpu.memory_space<hbm>> -> memref<128x128xf32, #tpu.memory_space<hbm>>
      %dma_start3A_77 = arith.constant 0 : i32
      %dma_start3A_78 = tpu.memref_slice %arg13[%add3A_65, %dma_start3A_77] : memref<10240x128xf32, #tpu.memory_space<vmem_shared>> -> memref<128x128xf32, #tpu.memory_space<vmem_shared>>
      tpu.enqueue_dma source(%dma_start3A_78 : memref<128x128xf32, #tpu.memory_space<vmem_shared>>) target(%dma_start3A_76 : memref<128x128xf32, #tpu.memory_space<hbm>>) target_semaphore(%run_scoped3A : memref<!tpu.dma_semaphore, #tpu.memory_space<semaphore_mem>>)
      %dma_wait3A_79 = arith.constant 0 : i32
      %dma_wait3A_80 = tpu.memref_slice %arg5[%arg0, %add3A_65, %dma_wait3A_79] : memref<2x10240x128xf32, #tpu.memory_space<hbm>> -> memref<1x128x128xf32, #tpu.memory_space<hbm>>
      %dma_wait3A_81 = tpu.memref_squeeze %dma_wait3A_80 : memref<1x128x128xf32, #tpu.memory_space<hbm>> -> memref<128x128xf32, #tpu.memory_space<hbm>>
      %dma_wait3A_82 = arith.constant 0 : i32
      %dma_wait3A_83 = tpu.memref_slice %arg13[%add3A_65, %dma_wait3A_82] : memref<10240x128xf32, #tpu.memory_space<vmem_shared>> -> memref<128x128xf32, #tpu.memory_space<vmem_shared>>
      tpu.wait_dma2 semaphore(%run_scoped3A : memref<!tpu.dma_semaphore, #tpu.memory_space<semaphore_mem>>) src(%dma_wait3A_83 : memref<128x128xf32, #tpu.memory_space<vmem_shared>>) dst(%dma_wait3A_81 : memref<128x128xf32, #tpu.memory_space<hbm>>)
      tpu.yield
    }) : () -> ()
    %mul3A_66 = arith.constant 640 : i32
    %mul3A_67 = arith.muli %arg1, %mul3A_66 : i32
    %add3A_68 = arith.constant 384 : i32
    %add3A_69 = arith.addi %mul3A_67, %add3A_68 : i32
    "tpu.region"() ({
      %run_scoped3A = tpu.sem_alloc : memref<!tpu.dma_semaphore, #tpu.memory_space<semaphore_mem>>
      %dma_start3A_74 = arith.constant 0 : i32
      %dma_start3A_75 = tpu.memref_slice %arg5[%arg0, %add3A_69, %dma_start3A_74] : memref<2x10240x128xf32, #tpu.memory_space<hbm>> -> memref<1x128x128xf32, #tpu.memory_space<hbm>>
      %dma_start3A_76 = tpu.memref_squeeze %dma_start3A_75 : memref<1x128x128xf32, #tpu.memory_space<hbm>> -> memref<128x128xf32, #tpu.memory_space<hbm>>
      %dma_start3A_77 = arith.constant 0 : i32
      %dma_start3A_78 = tpu.memref_slice %arg13[%add3A_69, %dma_start3A_77] : memref<10240x128xf32, #tpu.memory_space<vmem_shared>> -> memref<128x128xf32, #tpu.memory_space<vmem_shared>>
      tpu.enqueue_dma source(%dma_start3A_78 : memref<128x128xf32, #tpu.memory_space<vmem_shared>>) target(%dma_start3A_76 : memref<128x128xf32, #tpu.memory_space<hbm>>) target_semaphore(%run_scoped3A : memref<!tpu.dma_semaphore, #tpu.memory_space<semaphore_mem>>)
      %dma_wait3A_79 = arith.constant 0 : i32
      %dma_wait3A_80 = tpu.memref_slice %arg5[%arg0, %add3A_69, %dma_wait3A_79] : memref<2x10240x128xf32, #tpu.memory_space<hbm>> -> memref<1x128x128xf32, #tpu.memory_space<hbm>>
      %dma_wait3A_81 = tpu.memref_squeeze %dma_wait3A_80 : memref<1x128x128xf32, #tpu.memory_space<hbm>> -> memref<128x128xf32, #tpu.memory_space<hbm>>
      %dma_wait3A_82 = arith.constant 0 : i32
      %dma_wait3A_83 = tpu.memref_slice %arg13[%add3A_69, %dma_wait3A_82] : memref<10240x128xf32, #tpu.memory_space<vmem_shared>> -> memref<128x128xf32, #tpu.memory_space<vmem_shared>>
      tpu.wait_dma2 semaphore(%run_scoped3A : memref<!tpu.dma_semaphore, #tpu.memory_space<semaphore_mem>>) src(%dma_wait3A_83 : memref<128x128xf32, #tpu.memory_space<vmem_shared>>) dst(%dma_wait3A_81 : memref<128x128xf32, #tpu.memory_space<hbm>>)
      tpu.yield
    }) : () -> ()
    %mul3A_70 = arith.constant 640 : i32
    %mul3A_71 = arith.muli %arg1, %mul3A_70 : i32
    %add3A_72 = arith.constant 512 : i32
    %add3A_73 = arith.addi %mul3A_71, %add3A_72 : i32
    "tpu.region"() ({
      %run_scoped3A = tpu.sem_alloc : memref<!tpu.dma_semaphore, #tpu.memory_space<semaphore_mem>>
      %dma_start3A_74 = arith.constant 0 : i32
      %dma_start3A_75 = tpu.memref_slice %arg5[%arg0, %add3A_73, %dma_start3A_74] : memref<2x10240x128xf32, #tpu.memory_space<hbm>> -> memref<1x128x128xf32, #tpu.memory_space<hbm>>
      %dma_start3A_76 = tpu.memref_squeeze %dma_start3A_75 : memref<1x128x128xf32, #tpu.memory_space<hbm>> -> memref<128x128xf32, #tpu.memory_space<hbm>>
      %dma_start3A_77 = arith.constant 0 : i32
      %dma_start3A_78 = tpu.memref_slice %arg13[%add3A_73, %dma_start3A_77] : memref<10240x128xf32, #tpu.memory_space<vmem_shared>> -> memref<128x128xf32, #tpu.memory_space<vmem_shared>>
      tpu.enqueue_dma source(%dma_start3A_78 : memref<128x128xf32, #tpu.memory_space<vmem_shared>>) target(%dma_start3A_76 : memref<128x128xf32, #tpu.memory_space<hbm>>) target_semaphore(%run_scoped3A : memref<!tpu.dma_semaphore, #tpu.memory_space<semaphore_mem>>)
      %dma_wait3A_79 = arith.constant 0 : i32
      %dma_wait3A_80 = tpu.memref_slice %arg5[%arg0, %add3A_73, %dma_wait3A_79] : memref<2x10240x128xf32, #tpu.memory_space<hbm>> -> memref<1x128x128xf32, #tpu.memory_space<hbm>>
      %dma_wait3A_81 = tpu.memref_squeeze %dma_wait3A_80 : memref<1x128x128xf32, #tpu.memory_space<hbm>> -> memref<128x128xf32, #tpu.memory_space<hbm>>
      %dma_wait3A_82 = arith.constant 0 : i32
      %dma_wait3A_83 = tpu.memref_slice %arg13[%add3A_73, %dma_wait3A_82] : memref<10240x128xf32, #tpu.memory_space<vmem_shared>> -> memref<128x128xf32, #tpu.memory_space<vmem_shared>>
      tpu.wait_dma2 semaphore(%run_scoped3A : memref<!tpu.dma_semaphore, #tpu.memory_space<semaphore_mem>>) src(%dma_wait3A_83 : memref<128x128xf32, #tpu.memory_space<vmem_shared>>) dst(%dma_wait3A_81 : memref<128x128xf32, #tpu.memory_space<hbm>>)
      tpu.yield
    }) : () -> ()
    return
  }
}

module attributes {stable_mosaic.version = 14 : i64} {
  func.func @_tc1_body(%arg0: i32, %arg1: memref<2x2000x128xf32, #tpu.memory_space<vmem>>, %arg2: memref<2000x128xf32, #tpu.memory_space<vmem>>, %arg3: memref<128x128xf32, #tpu.memory_space<vmem>>, %arg4: memref<2000x128xf32, #tpu.memory_space<vmem>>, %arg5: memref<2000x1xf32, #tpu.memory_space<vmem>>) attributes {dimension_semantics = [#tpu.dimension_semantics<arbitrary>], iteration_bounds = array<i64: 5>, scalar_prefetch = 0 : i64, scratch_operands = 0 : i64, tpu.core_type = #tpu.core_type<tc>, window_params = [{transform_indices = @transform_0, window_bounds = array<i64: 2, 2000, 128>}, {transform_indices = @transform_1, window_bounds = array<i64: 2000, 128>}, {pipeline_mode = #tpu.pipeline_mode<synchronous>, transform_indices = @transform_2, window_bounds = array<i64: 128, 128>}, {transform_indices = @transform_3, window_bounds = array<i64: 2000, 128>}, {transform_indices = @transform_4, window_bounds = array<i64: 2000, 1>}]} {
    %get3A = arith.constant 0 : index
    %get3A_0 = arith.constant 0 : index
    %get3A_1 = arith.constant 0 : index
    %get3A_2 = vector.load %arg1[%get3A, %get3A_0, %get3A_1] : memref<2x2000x128xf32, #tpu.memory_space<vmem>>, vector<1x2000x128xf32>
    %get3A_3 = vector.shape_cast %get3A_2 : vector<1x2000x128xf32> to vector<2000x128xf32>
    %get3A_4 = arith.constant 1 : index
    %get3A_5 = arith.constant 0 : index
    %get3A_6 = arith.constant 0 : index
    %get3A_7 = vector.load %arg1[%get3A_4, %get3A_5, %get3A_6] : memref<2x2000x128xf32, #tpu.memory_space<vmem>>, vector<1x2000x128xf32>
    %get3A_8 = vector.shape_cast %get3A_7 : vector<1x2000x128xf32> to vector<2000x128xf32>
    %add3A = arith.addf %get3A_3, %get3A_8 : vector<2000x128xf32>
    %reduce_max3A = arith.constant dense<0xFF800000> : vector<2000xf32>
    %reduce_max3A_9 = vector.multi_reduction <maximumf>, %add3A, %reduce_max3A [1] : vector<2000x128xf32> to vector<2000xf32>
    %broadcast_in_dim3A = vector.shape_cast %reduce_max3A_9 : vector<2000xf32> to vector<2000x1xf32>
    %add3A_10 = arith.constant 1.000000e+00 : f32
    %add3A_11 = vector.broadcast %add3A_10 : f32 to vector<2000x1xf32>
    %add3A_12 = arith.addf %broadcast_in_dim3A, %add3A_11 : vector<2000x1xf32>
    %max3A = arith.constant 1.000000e+00 : f32
    %max3A_13 = vector.broadcast %max3A : f32 to vector<2000x1xf32>
    %max3A_14 = arith.maximumf %add3A_12, %max3A_13 : vector<2000x1xf32>
    %rsqrt3A = math.rsqrt %max3A_14 : vector<2000x1xf32>
    %get3A_15 = arith.constant 0 : index
    %get3A_16 = arith.constant 0 : index
    %get3A_17 = vector.load %arg2[%get3A_15, %get3A_16] : memref<2000x128xf32, #tpu.memory_space<vmem>>, vector<2000x128xf32>
    %get3A_18 = arith.constant 0 : index
    %get3A_19 = arith.constant 0 : index
    %get3A_20 = vector.load %arg3[%get3A_18, %get3A_19] : memref<128x128xf32, #tpu.memory_space<vmem>>, vector<128x128xf32>
    %dot_general3A = arith.constant dense<0.000000e+00> : vector<2000x128xf32>
    %dot_general3A_21 = tpu.matmul %get3A_17, %get3A_20, %dot_general3A {dimension_numbers = #tpu.dot_dimension_numbers<[1], [0], [0], [1], [0, 0, 1, 1], [], []>, transpose_lhs_hint = false} : vector<2000x128xf32>, vector<128x128xf32>, vector<2000x128xf32> -> vector<2000x128xf32>
    %mul3A = vector.broadcast %rsqrt3A : vector<2000x1xf32> to vector<2000x128xf32>
    %mul3A_22 = arith.mulf %dot_general3A_21, %mul3A : vector<2000x128xf32>
    %swap3A = arith.constant 0 : index
    %swap3A_23 = arith.constant 0 : index
    %swap3A_24 = vector.load %arg4[%swap3A, %swap3A_23] : memref<2000x128xf32, #tpu.memory_space<vmem>>, vector<2000x128xf32>
    tpu.vector_store %arg4[%swap3A, %swap3A_23], %mul3A_22 {strides = array<i32>} : memref<2000x128xf32, #tpu.memory_space<vmem>>, vector<2000x128xf32>,
    %swap3A_25 = arith.constant 0 : index
    %swap3A_26 = arith.constant 0 : index
    %swap3A_27 = vector.load %arg5[%swap3A_25, %swap3A_26] : memref<2000x1xf32, #tpu.memory_space<vmem>>, vector<2000x1xf32>
    tpu.vector_store %arg5[%swap3A_25, %swap3A_26], %rsqrt3A {strides = array<i32>} : memref<2000x1xf32, #tpu.memory_space<vmem>>, vector<2000x1xf32>,
    return
  }
  func.func @transform_0(%arg0: i32) -> (i32, i32, i32) {
    %c0_i32 = arith.constant 0 : i32
    %c0_i32_0 = arith.constant 0 : i32
    %c0_i32_1 = arith.constant 0 : i32
    return %c0_i32, %arg0, %c0_i32_0 : i32, i32, i32
  }
  func.func @transform_1(%arg0: i32) -> (i32, i32) {
    %c0_i32 = arith.constant 0 : i32
    %c0_i32_0 = arith.constant 0 : i32
    return %arg0, %c0_i32 : i32, i32
  }
  func.func @transform_2(%arg0: i32) -> (i32, i32) {
    %c0_i32 = arith.constant 0 : i32
    %c0_i32_0 = arith.constant 0 : i32
    %c0_i32_1 = arith.constant 0 : i32
    return %c0_i32, %c0_i32_0 : i32, i32
  }
  func.func @transform_3(%arg0: i32) -> (i32, i32) {
    %c0_i32 = arith.constant 0 : i32
    %c0_i32_0 = arith.constant 0 : i32
    return %arg0, %c0_i32 : i32, i32
  }
  func.func @transform_4(%arg0: i32) -> (i32, i32) {
    %c0_i32 = arith.constant 0 : i32
    %c0_i32_0 = arith.constant 0 : i32
    return %arg0, %c0_i32 : i32, i32
  }
}

module attributes {stable_mosaic.version = 14 : i64} {
  func.func @_tc2_body(%arg0: i32, %arg1: memref<2x2000x128xf32, #tpu.memory_space<vmem>>, %arg2: memref<2000x128xf32, #tpu.memory_space<vmem>>, %arg3: memref<2000x1xf32, #tpu.memory_space<vmem>>, %arg4: memref<1x128xf32, #tpu.memory_space<vmem>>, %arg5: memref<128x128xf32, #tpu.memory_space<vmem>>, %arg6: memref<2000x128xf32, #tpu.memory_space<vmem>>) attributes {dimension_semantics = [#tpu.dimension_semantics<arbitrary>], iteration_bounds = array<i64: 5>, scalar_prefetch = 0 : i64, scratch_operands = 0 : i64, tpu.core_type = #tpu.core_type<tc>, window_params = [{transform_indices = @transform_0, window_bounds = array<i64: 2, 2000, 128>}, {transform_indices = @transform_1, window_bounds = array<i64: 2000, 128>}, {transform_indices = @transform_2, window_bounds = array<i64: 2000, 1>}, {pipeline_mode = #tpu.pipeline_mode<synchronous>, transform_indices = @transform_3, window_bounds = array<i64: 1, 128>}, {pipeline_mode = #tpu.pipeline_mode<synchronous>, transform_indices = @transform_4, window_bounds = array<i64: 128, 128>}, {transform_indices = @transform_5, window_bounds = array<i64: 2000, 128>}]} {
    %get3A = arith.constant 0 : index
    %get3A_0 = arith.constant 0 : index
    %get3A_1 = vector.load %arg3[%get3A, %get3A_0] : memref<2000x1xf32, #tpu.memory_space<vmem>>, vector<2000x1xf32>
    %get3A_2 = arith.constant 0 : index
    %get3A_3 = arith.constant 0 : index
    %get3A_4 = arith.constant 0 : index
    %get3A_5 = vector.load %arg1[%get3A_2, %get3A_3, %get3A_4] : memref<2x2000x128xf32, #tpu.memory_space<vmem>>, vector<1x2000x128xf32>
    %get3A_6 = vector.shape_cast %get3A_5 : vector<1x2000x128xf32> to vector<2000x128xf32>
    %get3A_7 = arith.constant 1 : index
    %get3A_8 = arith.constant 0 : index
    %get3A_9 = arith.constant 0 : index
    %get3A_10 = vector.load %arg1[%get3A_7, %get3A_8, %get3A_9] : memref<2x2000x128xf32, #tpu.memory_space<vmem>>, vector<1x2000x128xf32>
    %get3A_11 = vector.shape_cast %get3A_10 : vector<1x2000x128xf32> to vector<2000x128xf32>
    %add3A = arith.addf %get3A_6, %get3A_11 : vector<2000x128xf32>
    %get3A_12 = arith.constant 0 : index
    %get3A_13 = arith.constant 0 : index
    %get3A_14 = vector.load %arg2[%get3A_12, %get3A_13] : memref<2000x128xf32, #tpu.memory_space<vmem>>, vector<2000x128xf32>
    %add3A_15 = arith.addf %add3A, %get3A_14 : vector<2000x128xf32>
    %mul3A = vector.broadcast %get3A_1 : vector<2000x1xf32> to vector<2000x128xf32>
    %mul3A_16 = arith.mulf %add3A_15, %mul3A : vector<2000x128xf32>
    %get3A_17 = arith.constant 0 : index
    %get3A_18 = arith.constant 0 : index
    %get3A_19 = vector.load %arg4[%get3A_17, %get3A_18] : memref<1x128xf32, #tpu.memory_space<vmem>>, vector<1x128xf32>
    %add3A_20 = vector.broadcast %get3A_19 : vector<1x128xf32> to vector<2000x128xf32>
    %add3A_21 = arith.addf %mul3A_16, %add3A_20 : vector<2000x128xf32>
    %max3A = arith.constant 0.000000e+00 : f32
    %max3A_22 = vector.broadcast %max3A : f32 to vector<2000x128xf32>
    %max3A_23 = arith.maximumf %add3A_21, %max3A_22 : vector<2000x128xf32>
    %get3A_24 = arith.constant 0 : index
    %get3A_25 = arith.constant 0 : index
    %get3A_26 = vector.load %arg5[%get3A_24, %get3A_25] : memref<128x128xf32, #tpu.memory_space<vmem>>, vector<128x128xf32>
    %dot_general3A = arith.constant dense<0.000000e+00> : vector<2000x128xf32>
    %dot_general3A_27 = tpu.matmul %max3A_23, %get3A_26, %dot_general3A {dimension_numbers = #tpu.dot_dimension_numbers<[1], [0], [0], [1], [0, 0, 1, 1], [], []>, transpose_lhs_hint = false} : vector<2000x128xf32>, vector<128x128xf32>, vector<2000x128xf32> -> vector<2000x128xf32>
    %mul3A_28 = vector.broadcast %get3A_1 : vector<2000x1xf32> to vector<2000x128xf32>
    %mul3A_29 = arith.mulf %dot_general3A_27, %mul3A_28 : vector<2000x128xf32>
    %swap3A = arith.constant 0 : index
    %swap3A_30 = arith.constant 0 : index
    %swap3A_31 = vector.load %arg6[%swap3A, %swap3A_30] : memref<2000x128xf32, #tpu.memory_space<vmem>>, vector<2000x128xf32>
    tpu.vector_store %arg6[%swap3A, %swap3A_30], %mul3A_29 {strides = array<i32>} : memref<2000x128xf32, #tpu.memory_space<vmem>>, vector<2000x128xf32>,
    return
  }
  func.func @transform_0(%arg0: i32) -> (i32, i32, i32) {
    %c0_i32 = arith.constant 0 : i32
    %c0_i32_0 = arith.constant 0 : i32
    %c0_i32_1 = arith.constant 0 : i32
    return %c0_i32, %arg0, %c0_i32_0 : i32, i32, i32
  }
  func.func @transform_1(%arg0: i32) -> (i32, i32) {
    %c0_i32 = arith.constant 0 : i32
    %c0_i32_0 = arith.constant 0 : i32
    return %arg0, %c0_i32 : i32, i32
  }
  func.func @transform_2(%arg0: i32) -> (i32, i32) {
    %c0_i32 = arith.constant 0 : i32
    %c0_i32_0 = arith.constant 0 : i32
    return %arg0, %c0_i32 : i32, i32
  }
  func.func @transform_3(%arg0: i32) -> (i32, i32) {
    %c0_i32 = arith.constant 0 : i32
    %c0_i32_0 = arith.constant 0 : i32
    %c0_i32_1 = arith.constant 0 : i32
    return %c0_i32, %c0_i32_0 : i32, i32
  }
  func.func @transform_4(%arg0: i32) -> (i32, i32) {
    %c0_i32 = arith.constant 0 : i32
    %c0_i32_0 = arith.constant 0 : i32
    %c0_i32_1 = arith.constant 0 : i32
    return %c0_i32, %c0_i32_0 : i32, i32
  }
  func.func @transform_5(%arg0: i32) -> (i32, i32) {
    %c0_i32 = arith.constant 0 : i32
    %c0_i32_0 = arith.constant 0 : i32
    return %arg0, %c0_i32 : i32, i32
  }
}

module attributes {stable_mosaic.version = 14 : i64} {
  func.func @_tc3_body(%arg0: i32, %arg1: memref<2x2000x128xf32, #tpu.memory_space<vmem>>, %arg2: memref<2000x128xf32, #tpu.memory_space<vmem>>, %arg3: memref<2000x1xf32, #tpu.memory_space<vmem>>, %arg4: memref<1x128xf32, #tpu.memory_space<vmem>>, %arg5: memref<2000x128xf32, #tpu.memory_space<vmem>>) attributes {dimension_semantics = [#tpu.dimension_semantics<arbitrary>], iteration_bounds = array<i64: 5>, scalar_prefetch = 0 : i64, scratch_operands = 0 : i64, tpu.core_type = #tpu.core_type<tc>, window_params = [{transform_indices = @transform_0, window_bounds = array<i64: 2, 2000, 128>}, {transform_indices = @transform_1, window_bounds = array<i64: 2000, 128>}, {transform_indices = @transform_2, window_bounds = array<i64: 2000, 1>}, {pipeline_mode = #tpu.pipeline_mode<synchronous>, transform_indices = @transform_3, window_bounds = array<i64: 1, 128>}, {transform_indices = @transform_4, window_bounds = array<i64: 2000, 128>}]} {
    %get3A = arith.constant 0 : index
    %get3A_0 = arith.constant 0 : index
    %get3A_1 = arith.constant 0 : index
    %get3A_2 = vector.load %arg1[%get3A, %get3A_0, %get3A_1] : memref<2x2000x128xf32, #tpu.memory_space<vmem>>, vector<1x2000x128xf32>
    %get3A_3 = vector.shape_cast %get3A_2 : vector<1x2000x128xf32> to vector<2000x128xf32>
    %get3A_4 = arith.constant 1 : index
    %get3A_5 = arith.constant 0 : index
    %get3A_6 = arith.constant 0 : index
    %get3A_7 = vector.load %arg1[%get3A_4, %get3A_5, %get3A_6] : memref<2x2000x128xf32, #tpu.memory_space<vmem>>, vector<1x2000x128xf32>
    %get3A_8 = vector.shape_cast %get3A_7 : vector<1x2000x128xf32> to vector<2000x128xf32>
    %add3A = arith.addf %get3A_3, %get3A_8 : vector<2000x128xf32>
    %get3A_9 = arith.constant 0 : index
    %get3A_10 = arith.constant 0 : index
    %get3A_11 = vector.load %arg2[%get3A_9, %get3A_10] : memref<2000x128xf32, #tpu.memory_space<vmem>>, vector<2000x128xf32>
    %add3A_12 = arith.addf %add3A, %get3A_11 : vector<2000x128xf32>
    %get3A_13 = arith.constant 0 : index
    %get3A_14 = arith.constant 0 : index
    %get3A_15 = vector.load %arg3[%get3A_13, %get3A_14] : memref<2000x1xf32, #tpu.memory_space<vmem>>, vector<2000x1xf32>
    %mul3A = vector.broadcast %get3A_15 : vector<2000x1xf32> to vector<2000x128xf32>
    %mul3A_16 = arith.mulf %add3A_12, %mul3A : vector<2000x128xf32>
    %get3A_17 = arith.constant 0 : index
    %get3A_18 = arith.constant 0 : index
    %get3A_19 = vector.load %arg4[%get3A_17, %get3A_18] : memref<1x128xf32, #tpu.memory_space<vmem>>, vector<1x128xf32>
    %add3A_20 = vector.broadcast %get3A_19 : vector<1x128xf32> to vector<2000x128xf32>
    %add3A_21 = arith.addf %mul3A_16, %add3A_20 : vector<2000x128xf32>
    %swap3A = arith.constant 0 : index
    %swap3A_22 = arith.constant 0 : index
    %swap3A_23 = vector.load %arg5[%swap3A, %swap3A_22] : memref<2000x128xf32, #tpu.memory_space<vmem>>, vector<2000x128xf32>
    tpu.vector_store %arg5[%swap3A, %swap3A_22], %add3A_21 {strides = array<i32>} : memref<2000x128xf32, #tpu.memory_space<vmem>>, vector<2000x128xf32>,
    return
  }
  func.func @transform_0(%arg0: i32) -> (i32, i32, i32) {
    %c0_i32 = arith.constant 0 : i32
    %c0_i32_0 = arith.constant 0 : i32
    %c0_i32_1 = arith.constant 0 : i32
    return %c0_i32, %arg0, %c0_i32_0 : i32, i32, i32
  }
  func.func @transform_1(%arg0: i32) -> (i32, i32) {
    %c0_i32 = arith.constant 0 : i32
    %c0_i32_0 = arith.constant 0 : i32
    return %arg0, %c0_i32 : i32, i32
  }
  func.func @transform_2(%arg0: i32) -> (i32, i32) {
    %c0_i32 = arith.constant 0 : i32
    %c0_i32_0 = arith.constant 0 : i32
    return %arg0, %c0_i32 : i32, i32
  }
  func.func @transform_3(%arg0: i32) -> (i32, i32) {
    %c0_i32 = arith.constant 0 : i32
    %c0_i32_0 = arith.constant 0 : i32
    %c0_i32_1 = arith.constant 0 : i32
    return %c0_i32, %c0_i32_0 : i32, i32
  }
  func.func @transform_4(%arg0: i32) -> (i32, i32) {
    %c0_i32 = arith.constant 0 : i32
    %c0_i32_0 = arith.constant 0 : i32
    return %arg0, %c0_i32 : i32, i32
  }
}

</mosaic_0001>

<sc_bundles>
// kernel: kernel.11.cloned.1.call-start
scs
__scs_entry_jumppad:
0x0: {  	(pc) =	sbr.rel $0x88, $3  }
0x1: {  	(tag) =	ssettag $0x0;
	lr =	simm.s32 $0x1  }
0x2: {  	[smem:$0x3F9B] =	sst lr;
	_ =	strace $0xD0000000  }
0x3: {  	_ = 	snop  }
0x4: {  	_ = 	snop  }
0x5: {  	_ = 	snop  }
0x6: {  	_ = 	snop  }
0x7: {  	_ = 	snop  }
__scs_overlays_trampoline_lowered:
0x8: {  	[smem:$0x3FAA] =	sst s0  }
0x9: {  	[smem:$0x3FAB] =	sst s1  }
0xa: {  	[smem:$0x3FAC] =	sst s2  }
0xb: {  	[smem:$0x3FAD] =	sst s3  }
0xc: {  	[smem:$0x3FAE] =	sst s4  }
0xd: {  	[smem:$0x3FAF] =	sst s5  }
0xe: {  	[smem:$0x3FB0] =	sst s6  }
0xf: {  	[smem:$0x3FB1] =	sst s7  }
0x10: {  	[smem:$0x3FB2] =	sst s8  }
0x11: {  	[smem:$0x3FB3] =	sst s9;
	s0 =	simm.s32 @!p0 $0x0  }
0x12: {  	s1 =	sld [smem:$0x3F99];
	s0 =	simm.s32 @p0 $0x1  }
0x13: {  	[smem:$0x3FB4] =	sst s0;
	s0 =	simm.s32 @!p1 $0x0  }
0x14: {  	s2 =	sld [smem:$0x3F98];
	s0 =	simm.s32 @p1 $0x1  }
0x15: {  	[smem:$0x3FB5] =	sst s0;
	s0 =	simm.s32 @!p2 $0x0  }
0x16: {  	s3 =	sld [smem:$0x3FDB];
	s0 =	simm.s32 @p2 $0x1  }
0x17: {  	s4 =	simm.s32 $0x1BF5;
	[smem:$0x3FB7] =	sst s0  }
0x18: {  	s0 =	sld [smem:$0x3F9A];
	_ =	swait.ge [sflag:s4], $0x0  }
0x19: {  	s7 =	sld [smem:$0x3F9B]  }
0x1a: {  	s8 =	sadd.s32 $0xFFFFE003, lr  }
0x1b: {  	s9 =	sadd.s32 $0xFFFFFEF7, lr;
	s5 =	simm.s32 $0xFFFFFFFF;
	p2 =	slt.u32 s8, $0xFFFFF086  }
0x1c: {  	p1 =	slt.u32 s9, $0xF7A;
	s5 =	simm.s32 @!p2 $0x0  }
0x1d: {  	s5 =	simm.s32 @p1 $0x1;
	p0 =	seq.s32 s7, s2  }
0x1e: {  	s7 =	smul.u32 @!p0 $0xF7A, s2;
	p2 =	seq.s32 @!p0 s5, $0x0  }
0x1f: {  	s9 =	smul.u32 $0xF7A, s1;
	s8 =	simm.s32 @!p0 $0x1BF5;
	p2 =	por !p2, p0  }
0x20: {  	[sflag:s8] =	ssyncset.s32 @!p0 $0xFFFFF086;
	s6 =	sadd.s32 @!p0 s3, s7;
	s7 =	simm.s32 @!p0 $0x108  }
0x21: {  	s3 =	sadd.s32 s3, s9;
	s6 =	sadd.s32 @!p0 $0x88, s6;
	s7 =	simm.s32 @p2 $0x1082  }
0x22: {  	[simem:s7], [sflag:s8] =	dma.local @!p0 [hbm:s6], $0xF7A  }
0x23: {  	s9 =	sor.u32 $0xD0000000, s2;
	s6 =	simm.s32 $0x108;
	_ =	swait.ge @!p0 [sflag:s8], $0x0  }
0x24: {  	s3 =	sadd.s32 $0x88, s3;
	s6 =	simm.s32 @!p1 $0x1082;
	[sflag:s4] =	ssyncset.s32 $0xFFFFF086  }
0x25: {  	[simem:s6], [sflag:s4] =	dma.local [hbm:s3], $0xF7A  }
0x26: {  	[smem:$0x3F9B] =	sst s1;
	(tag) =	ssettag s2;
	_ =	strace s9  }
0x27: {  	s1 =	sld [smem:$0x3FAB]  }
0x28: {  	s2 =	sld [smem:$0x3FAC]  }
0x29: {  	s4 =	sld [smem:$0x3FAE]  }
0x2a: {  	p0 =	seq.s32 s5, $0x0;
	s5 =	sld [smem:$0x3FAF]  }
0x2b: {  	s6 =	sld [smem:$0x3FB0]  }
0x2c: {  	s7 =	sld [smem:$0x3FB1]  }
0x2d: {  	s3 =	simm.s32 $0x108;
	s8 =	sld [smem:$0x3FB2]  }
0x2e: {  	s3 =	simm.s32 @!p0 $0x1082;
	s9 =	sld [smem:$0x3FB3]  }
0x2f: {  	lr =	sadd.s32 s0, s3;
	s0 =	sld [smem:$0x3FAA]  }
0x30: {  	s3 =	sld [smem:$0x3FAD]  }
0x31: {  	[smem:$0x3FB6] =	sst s10  }
0x32: {  	s10 =	sld [smem:$0x3FB4];
	_ =	sdelay $0x3  }
0x33: {  	p0 =	seq.s32 s10, $0x1;
	s10 =	sld [smem:$0x3FB6];
	_ =	sdelay $0x3  }
0x34: {  	[smem:$0x3FB6] =	sst s10  }
0x35: {  	s10 =	sld [smem:$0x3FB5];
	_ =	sdelay $0x3  }
0x36: {  	p1 =	seq.s32 s10, $0x1;
	s10 =	sld [smem:$0x3FB6];
	_ =	sdelay $0x3  }
0x37: {  	[smem:$0x3FB6] =	sst s10  }
0x38: {  	s10 =	sld [smem:$0x3FB7]  }
0x39: {  	_ = 	snop;
	(pc) =	sbr.ind lr, $3  }
0x3a: {  	_ = 	snop  }
0x3b: {  	_ = 	snop  }
0x3c: {  	p2 =	seq.s32 s10, $0x1;
	s10 =	sld [smem:$0x3FB6]  }
0x3d: {  	_ =	shalt  }
0x3e: {  	_ =	shalt  }
0x3f: {  	_ =	shalt  }
0x40: {  	_ =	shalt  }
0x41: {  	_ =	shalt  }
0x42: {  	_ =	shalt  }
0x43: {  	_ =	shalt  }
0x44: {  	_ =	shalt  }
0x45: {  	_ =	shalt  }
0x46: {  	_ =	shalt  }
0x47: {  	_ =	shalt  }
0x48: {  	_ =	shalt  }
0x49: {  	_ =	shalt  }
0x4a: {  	_ =	shalt  }
0x4b: {  	_ =	shalt  }
0x4c: {  	_ =	shalt  }
0x4d: {  	_ =	shalt  }
0x4e: {  	_ =	shalt  }
0x4f: {  	_ =	shalt  }
0x50: {  	_ =	shalt  }
0x51: {  	_ =	shalt  }
0x52: {  	_ =	shalt  }
0x53: {  	_ =	shalt  }
0x54: {  	_ =	shalt  }
0x55: {  	_ =	shalt  }
0x56: {  	_ =	shalt  }
0x57: {  	_ =	shalt  }
0x58: {  	_ =	shalt  }
0x59: {  	_ =	shalt  }
0x5a: {  	_ =	shalt  }
0x5b: {  	_ =	shalt  }
0x5c: {  	_ =	shalt  }
0x5d: {  	_ =	shalt  }
0x5e: {  	_ =	shalt  }
0x5f: {  	_ =	shalt  }
0x60: {  	_ =	shalt  }
0x61: {  	_ =	shalt  }
0x62: {  	_ =	shalt  }
0x63: {  	_ =	shalt  }
0x64: {  	_ =	shalt  }
0x65: {  	_ =	shalt  }
0x66: {  	_ =	shalt  }
0x67: {  	_ =	shalt  }
0x68: {  	_ =	shalt  }
0x69: {  	_ =	shalt  }
0x6a: {  	_ =	shalt  }
0x6b: {  	_ =	shalt  }
0x6c: {  	_ =	shalt  }
0x6d: {  	_ =	shalt  }
0x6e: {  	_ =	shalt  }
0x6f: {  	_ =	shalt  }
0x70: {  	_ =	shalt  }
0x71: {  	_ =	shalt  }
0x72: {  	_ =	shalt  }
0x73: {  	_ =	shalt  }
0x74: {  	_ =	shalt  }
0x75: {  	_ =	shalt  }
0x76: {  	_ =	shalt  }
0x77: {  	_ =	shalt  }
0x78: {  	_ =	shalt  }
0x79: {  	_ =	shalt  }
0x7a: {  	_ =	shalt  }
0x7b: {  	_ =	shalt  }
0x7c: {  	_ =	shalt  }
0x7d: {  	_ =	shalt  }
0x7e: {  	_ =	shalt  }
0x7f: {  	_ =	shalt  }
0x80: {  	_ =	shalt  }
0x81: {  	_ =	shalt  }
0x82: {  	_ =	shalt  }
0x83: {  	_ =	shalt  }
0x84: {  	_ =	shalt  }
0x85: {  	_ =	shalt  }
0x86: {  	_ =	shalt  }
0x87: {  	_ =	shalt  }
.Lfunc_end0:
.L_simem_size_0:
called_computation.1_lowered:
.L_overlay_start_0:
0x88: {  	s2 =	sld [smem:$0x3FD9]  }
0x89: {  	s3 =	sld [smem:$0x3FFE];
	_ =	sdelay $0x1  }
0x8a: {  	s1 =	srdreg.scid  }
0x8b: {  	s0 =	sand.u32 $0x1, s1  }
0x8c: {  	s17 =	sshll.u32 s0, $0xA;
	s2 =	sadd.s32 s3, s2  }
0x8d: {  	s2 =	sadd.s32 s2, s17  }
0x8e: {  	[smem:$0x3FC2] =	sst s2  }
0x8f: {  	_ = 	snop  }
0x90: {  	s2 =	sld [smem:$0x3FD0];
	(tm) =	ssettm $0x1  }
0x91: {  	s18 =	sld [smem:$0x3FFB];
	_ =	sdelay $0x3  }
0x92: {  	_ =	strace s18  }
0x93: {  	s3 =	sld [smem:$0x3FFC];
	_ =	sdelay $0x3  }
0x94: {  	_ =	strace s3  }
0x95: {  	s3 =	sld [smem:$0x3FFD];
	_ =	sdelay $0x3  }
0x96: {  	_ =	strace s3  }
0x97: {  	_ =	strace $0x8FFFFFFF  }
0x98: {  	s19 =	sld [smem:$0x3FDB];
	_ =	sdelay $0x1  }
0x99: {  	s4 =	simm.s32 $_scs_section_size  }
0x9a: {  	s5 =	simm.s32 $_size__tile_overlayer_lowered;
	s6 =	simm.s32 $_tile_overlayer_lowered  }
0x9b: {  	s22 =	simm.s32 $0x1BFF;
	s21 =	sshll.u32 s6, $0x1;
	s3 =	sadd.s32 s4, s19  }
0x9c: {  	s7 =	simm.s32 $0x0;
	s20 =	sshll.u32 s5, $0x1;
	s5 =	sadd.s32 s21, s3  }
0x9d: {  	[timem:s7], [sflag:s22] =	dma.local [hbm:s5], s20  }
0x9e: {  	_ =	swait.ge [sflag:s22], s20  }
0x9f: {  	s4 =	ssub.s32 $0x0, s20;
	[sflag:s22] =	ssyncset.done $0x0  }
0xa0: {  	[sflag:s22] =	ssyncadd.s32 s4;
	_ =	sdelay $0x1  }
0xa1: {  	s23 =	simm.s32 $0x1B8B  }
0xa2: {  	_ =	swait.ge [sflag:s23], $0x1  }
0xa3: {  	[sflag:s23] =	ssyncset.done $0x0  }
0xa4: {  	s25 =	simm.s32 $0x1B8E;
	s24 =	sld [smem:$0x3FFE];
	[sflag:s23] =	ssyncadd.s32 $0xFFFFFFFF  }
0xa5: {  	s26 =	simm.s32 $execute0_lowered;
	[smem:$0x3FD2] =	sst s25  }
0xa6: {  	s5 =	sshll.u32 s26, $0x1;
	_ =	strace $0x80000049;
	[dreg:$0x1] =	wrdreg $0xFFFFFFFF  }
0xa7: {  	s28 =	simm.s32 $_size_execute0_lowered;
	s3 =	sadd.s32 s3, s5;
	[dreg:$0x0] =	wrdreg $0x0  }
0xa8: {  	s5 =	sshll.u32 s28, $0x1;
	[dreg:$0x2] =	wrdreg s3  }
0xa9: {  	[dreg:$0x3] =	wrdreg s5  }
0xaa: {  	[dreg:$0x4] =	wrdreg $0xC0  }
0xab: {  	_ =	task [dreg:s7], $0x5FFFF  }
0xac: {  	[dreg:$0x1] =	wrdreg $0xFFFFFFFF  }
0xad: {  	[dreg:$0x0] =	wrdreg $0x60  }
0xae: {  	[dreg:$0x2] =	wrdreg s2  }
0xaf: {  	[dreg:$0x3] =	wrdreg s24  }
0xb0: {  	[dreg:$0x4] =	wrdreg $0x92000  }
0xb1: {  	[dreg:$0x5] =	wrdreg $0x9  }
0xb2: {  	_ =	task.clear_ibuf [dreg:s7], $0x6FFFF;
	_ =	strace $0x90000049  }
0xb3: {  	s29 =	simm.s32 $0x9;
	_ =	strace $0x8000004B  }
0xb4: {  	_ =	swait.ge [sflag:s29], $0x1  }
0xb5: {  	[sflag:s29] =	ssyncadd.s32 $0xFFFFFFFF  }
0xb6: {  	_ =	strace $0x9000004B  }
0xb7: {  	_ =	sfence  }
0xb8: {  	s30 =	sld [smem:$0x0];
	_ =	sdelay $0x2  }
0xb9: {  	s31 =	sshll.u32 s1, $0xD;
	s1 =	sshrl.u32 s1, $0x2  }
0xba: {  	s3 =	sand.u32 $0x4000, s31;
	s1 =	sadd.s32 s1, s30  }
0xbb: {  	s0 =	sor.u32 s3, s0;
	s1 =	sshll.u32 s1, $0x11  }
0xbc: {  	s0 =	sor.u32 s1, s0  }
0xbd: {  	s0 =	sadd.s32 $0x8F2B, s0  }
0xbe: {  	[sflag:s0] =	ssyncadd.remote.s32 $0x1  }
0xbf: {  	_ =	sfence.sel $0xFFFF  }
0xc0: {  	[dreg:$0x0] =	wrdreg $0xFFFFFFFF;
	(pc) =	sbr.abs _section_cstart, $3  }
0xc1: {  	[dreg:$0x1] =	wrdreg $0xFFFFFFFF  }
0xc2: {  	_ =	task.clear_ibuf [dreg:s7], $0x2FFFF;
	_ =	strace $0x9FFFFFFF  }
0xc3: {  	(tm) =	ssettm $0x7FFFFFFF  }
tec
execute0_lowered:
.L_overlay_start_1:
0x0: {  	(tag) =	ssettag $0x1  }
0x1: {  	s1 =	rddreg [dreg:$0x0]  }
0x2: {  	s0 =	rddreg [dreg:$0x1]  }
0x3: {  	s2 =	rddreg [dreg:$0x2];
	s3 =	srdreg.scid  }
0x4: {  	s13 =	stileid.u32;
	s28 =	simm.s32 $0x3;
	s29 =	simm.s32 $0x100  }
0x5: {  	s30 =	simm.s32 $0x50;
	s31 =	simm.s32 $0x200;
	s8 =	smul.u32 $0x14000, s13  }
0x6: {  	s4 =	sadd.s32 $0x2800, s0;
	s3 =	sand.u32 $0x1, s3;
	s16 =	smul.u32 $0x2710, s13  }
0x7: {  	s5 =	sadd.s32 $0xC600, s0;
	s0 =	sadd.s32 $0x16400, s0;
	s10 =	smul.u32 $0x140000, s3  }
0x8: {  	s6 =	sshll.u32 s3, $0x4;
	s7 =	ssub.s32 $0x2, s3;
	s3 =	smul.u32 $0x27100, s3  }
0x9: {  	s6 =	sor.u32 s13, s6;
	s9 =	sshrl.u32 s7, $0x1;
	s21 =	sadd.s32 $0x4000, s8  }
0xa: {  	s22 =	sadd.s32 $0x8000, s8;
	s23 =	sadd.s32 $0xC000, s8;
	s6 =	smul.u32 $0x2710, s6  }
0xb: {  	s24 =	sadd.s32 $0x10000, s8;
	s7 =	ssub.s32 s7, s9;
	s9 =	smul.u32 $0x50000, s13  }
0xc: {  	s8 =	sadd.s32 s8, s10;
	s26 =	sadd.s32 s10, s21;
	s12 =	sadd.s32 s10, s22  }
0xd: {  	s15 =	sadd.s32 s10, s23;
	s10 =	sadd.s32 s10, s24;
	s19 =	sadd.s32 s16, s3  }
0xe: {  	s21 =	sadd.s32 s21, s2;
	s22 =	sadd.s32 s22, s2;
	s23 =	sadd.s32 s23, s2  }
0xf: {  	s24 =	sadd.s32 s24, s2;
	s3 =	simm.s32 $0x180;
	s8 =	sshrl.u32 s8, $0x3  }
0x10: {  	s14 =	sshrl.u32 s12, $0x3;
	s6 =	sshrl.u32 s6, $0x3;
	s8 =	sadd.s32 s0, s8  }
0x11: {  	s17 =	sshrl.u32 s10, $0x3;
	s11 =	sadd.s32 s4, s6;
	[dreg:$0x6] =	wrdreg s8  }
0x12: {  	s25 =	sadd.s32 s5, s6;
	s8 =	sadd.s32 s0, s14;
	[dreg:$0x4] =	wrdreg s11  }
0x13: {  	s18 =	sadd.s32 $0xA, s6;
	s20 =	sadd.s32 $0x14, s6;
	[dreg:$0x5] =	wrdreg s25  }
0x14: {  	s11 =	sshrl.u32 s26, $0x3;
	[dreg:$0x8] =	wrdreg s8;
	s8 =	sshrl.u32 s15, $0x3  }
0x15: {  	s12 =	sadd.s32 s5, s18;
	s25 =	sadd.s32 $0x140, s19;
	s13 =	sadd.s32 s4, s20  }
0x16: {  	s14 =	sadd.s32 s5, s20;
	s26 =	sshrl.u32 s9, $0x2;
	s11 =	sadd.s32 s0, s11  }
0x17: {  	s8 =	sadd.s32 s0, s8;
	s0 =	sadd.s32 s0, s17;
	s6 =	sshrl.u32 s25, $0x3  }
0x18: {  	s20 =	sadd.s32 s26, s2;
	s25 =	smax.u32 s7, $0x1;
	[dreg:$0x7] =	wrdreg s11  }
0x19: {  	s26 =	simm.s32 $0x5200;
	s7 =	simm.s32 $0x0;
	[dreg:$0x9] =	wrdreg s8  }
0x1a: {  	[dreg:$0xa] =	wrdreg s0;
	s11 =	sadd.s32 s4, s18;
	s0 =	sadd.s32 $0xF0, s19  }
0x1b: {  	s15 =	sadd.s32 s6, s5;
	s16 =	sadd.s32 s6, s4;
	s18 =	simm.s32 $0x0  }
0x1c: {  	s6 =	simm.s32 $0x2;
	s0 =	sshrl.u32 s0, $0x3;
	[smem:$0x7FF] =	sst s18  }
0x1d: {  	s17 =	sadd.s32 s0, s5;
	s19 =	sadd.s32 s0, s4;
	_ =	strace $0x8000004A  }
0x1e: {  	v0 =	vimm.f32 $0.0e+00;
	s0 =	simm.s32 $0x80;
	s4 =	simm.s32 $0x1;
	s5 =	simm.s32 $0x2A00  }
.LBB2_1:
0x1f: {  	s8 =	simm.s32 $0x0;
	s9 =	simm.s32 $0x200  }
.LBB2_2:
0x20: {  	p0 =	sne.s32 s9, $0xFE00;
	[tilespmem:s8+$0x5270] =	vst v0  }
0x21: {  	[tilespmem:s8+$0x5200] =	vst v0  }
0x22: {  	[tilespmem:s8+$0x5210] =	vst v0  }
.Ltmp0:
0x23: {  	[tilespmem:s8+$0x5220] =	vst v0;
	(pc) =	sbr.rel @p0 .LBB2_2-.Ltmp0, $4  }
0x24: {  	[tilespmem:s8+$0x5230] =	vst v0  }
0x25: {  	[tilespmem:s8+$0x5240] =	vst v0  }
0x26: {  	[tilespmem:s8+$0x5250] =	vst v0  }
0x27: {  	[tilespmem:s8+$0x5260] =	vst v0;
	s8 =	sshra.s32 s9, $0x2;
	s9 =	sadd.s32 $0x200, s9  }
0x28: {  	[tilespmem:s8+$0x5270] =	vst v0  }
0x29: {  	[tilespmem:s8+$0x5200] =	vst v0  }
0x2a: {  	[tilespmem:s8+$0x5210] =	vst v0  }
0x2b: {  	[tilespmem:s8+$0x5220] =	vst v0  }
0x2c: {  	[tilespmem:s8+$0x5230] =	vst v0  }
0x2d: {  	[tilespmem:s8+$0x5240] =	vst v0  }
0x2e: {  	[tilespmem:s8+$0x5250] =	vst v0  }
0x2f: {  	[tilespmem:s8+$0x5260] =	vst v0  }
0x30: {  	[spmem:s20] =	stream.linear.scatter [tilespmem:s26], [sflag:$0x3], $0x4000, $0x38;
	[tilespmem:$0x1D200] =	vst v63  }
0x31: {  	_ =	swait.ge [sflag:s28], $0x4000  }
0x32: {  	[sflag:s28] =	ssyncset.done $0x0  }
0x33: {  	[sflag:s28] =	ssyncadd.s32 $0xFFFFC000  }
0x34: {  	[spmem:s21] =	stream.linear.scatter [tilespmem:s26], [sflag:$0x3], $0x4000, $0x38;
	[tilespmem:$0x1D200] =	vst v63  }
0x35: {  	_ =	swait.ge [sflag:s28], $0x4000  }
0x36: {  	[sflag:s28] =	ssyncset.done $0x0  }
0x37: {  	[sflag:s28] =	ssyncadd.s32 $0xFFFFC000  }
0x38: {  	[spmem:s22] =	stream.linear.scatter [tilespmem:s26], [sflag:$0x3], $0x4000, $0x38;
	[tilespmem:$0x1D200] =	vst v63  }
0x39: {  	_ =	swait.ge [sflag:s28], $0x4000  }
0x3a: {  	[sflag:s28] =	ssyncset.done $0x0  }
0x3b: {  	[sflag:s28] =	ssyncadd.s32 $0xFFFFC000  }
0x3c: {  	[spmem:s23] =	stream.linear.scatter [tilespmem:s26], [sflag:$0x3], $0x4000, $0x38;
	[tilespmem:$0x1D200] =	vst v63  }
0x3d: {  	_ =	swait.ge [sflag:s28], $0x4000  }
0x3e: {  	[sflag:s28] =	ssyncset.done $0x0  }
0x3f: {  	[sflag:s28] =	ssyncadd.s32 $0xFFFFC000  }
0x40: {  	[spmem:s24] =	stream.linear.scatter [tilespmem:s26], [sflag:$0x3], $0x4000, $0x38;
	[tilespmem:$0x1D200] =	vst v63  }
0x41: {  	_ =	swait.ge [sflag:s28], $0x4000  }
0x42: {  	[sflag:s28] =	ssyncset.done $0x0  }
0x43: {  	[sflag:s28] =	ssyncadd.s32 $0xFFFFC000  }
0x44: {  	[bflag:$0x0] =	sbarrier.arrive $0xFFFF  }
0x45: {  	s8 =	simm.s32 $0x0;
	s9 =	rddreg [dreg:$0x4]  }
0x46: {  	[tilespmem:s8], [sflag:$0x3] =	stream.linear.gather [hbm4b:s9+s8], $0x50, $0x38;
	[tilespmem:$0x1D200] =	vst v63  }
0x47: {  	_ =	swait.ge [sflag:s28], $0x50  }
0x48: {  	[sflag:s28] =	ssyncset.done $0x0  }
0x49: {  	s10 =	rddreg [dreg:$0x5];
	[sflag:s28] =	ssyncadd.s32 $0xFFFFFFB0  }
0x4a: {  	[tilespmem:s29], [sflag:$0x3] =	stream.linear.gather [hbm4b:s10+s8], $0x50, $0x38;
	[tilespmem:$0x1D200] =	vst v63  }
0x4b: {  	_ =	swait.ge [sflag:s28], $0x50  }
0x4c: {  	[sflag:s28] =	ssyncset.done $0x0  }
0x4d: {  	[sflag:s28] =	ssyncadd.s32 $0xFFFFFFB0  }
0x4e: {  	[tilespmem:s31], [sflag:$0x1] =	stream.indirect.gather [hbm4b:s1+s30], $0x80, s8, s30, $0xb8;
	[tilespmem:$0x1D200] =	vst v63  }
0x4f: {  	_ = 	snop  }
0x50: {  	[tilespmem:s0], [sflag:$0x3] =	stream.linear.gather [hbm4b:s11+s8], $0x50, $0x38;
	[tilespmem:$0x1D200] =	vst v63  }
0x51: {  	_ =	swait.ge [sflag:s28], $0x50  }
0x52: {  	[sflag:s28] =	ssyncset.done $0x0  }
0x53: {  	[sflag:s28] =	ssyncadd.s32 $0xFFFFFFB0  }
0x54: {  	[tilespmem:s3], [sflag:$0x3] =	stream.linear.gather [hbm4b:s12+s8], $0x50, $0x38;
	[tilespmem:$0x1D200] =	vst v63  }
0x55: {  	_ =	swait.ge [sflag:s28], $0x50  }
0x56: {  	[sflag:s28] =	ssyncset.done $0x0  }
0x57: {  	[sflag:s28] =	ssyncadd.s32 $0xFFFFFFB0  }
0x58: {  	_ =	swait.ge [sflag:s4], $0x2800  }
0x59: {  	[sflag:s4] =	ssyncset.done $0x0  }
0x5a: {  	[sflag:s4] =	ssyncadd.s32 $0xFFFFD800  }
0x5b: {  	[spmem:s2] =	stream.indirect.scatter.add.f32 [tilespmem:s31], [sflag:$0x2], $0x80, s29, s30, $0xb8;
	[tilespmem:$0x1D200] =	vst v63  }
0x5c: {  	_ = 	snop  }
0x5d: {  	[tilespmem:s5], [sflag:$0x1] =	stream.indirect.gather [hbm4b:s1+s30], $0x80, s0, s30, $0xb8;
	[tilespmem:$0x1D200] =	vst v63  }
0x5e: {  	_ = 	snop  }
0x5f: {  	[tilespmem:s8], [sflag:$0x3] =	stream.linear.gather [hbm4b:s13+s8], $0x50, $0x38;
	[tilespmem:$0x1D200] =	vst v63  }
0x60: {  	_ =	swait.ge [sflag:s28], $0x50  }
0x61: {  	[sflag:s28] =	ssyncset.done $0x0  }
0x62: {  	[sflag:s28] =	ssyncadd.s32 $0xFFFFFFB0  }
0x63: {  	[tilespmem:s29], [sflag:$0x3] =	stream.linear.gather [hbm4b:s14+s8], $0x50, $0x38;
	[tilespmem:$0x1D200] =	vst v63  }
0x64: {  	_ =	swait.ge [sflag:s28], $0x50  }
0x65: {  	[sflag:s28] =	ssyncset.done $0x0  }
0x66: {  	[sflag:s28] =	ssyncadd.s32 $0xFFFFFFB0  }
0x67: {  	_ =	swait.ge [sflag:s4], $0x2800  }
0x68: {  	[sflag:s4] =	ssyncset.done $0x0  }
0x69: {  	[sflag:s4] =	ssyncadd.s32 $0xFFFFD800  }
0x6a: {  	[spmem:s2] =	stream.indirect.scatter.add.f32 [tilespmem:s5], [sflag:$0x2], $0x80, s3, s30, $0xb8;
	[tilespmem:$0x1D200] =	vst v63  }
0x6b: {  	_ =	swait.ge [sflag:s6], $0x2800  }
0x6c: {  	[sflag:s6] =	ssyncset.done $0x0  }
0x6d: {  	[sflag:s6] =	ssyncadd.s32 $0xFFFFD800  }
0x6e: {  	[tilespmem:s31], [sflag:$0x1] =	stream.indirect.gather [hbm4b:s1+s30], $0x80, s18, s30, $0xb8;
	[tilespmem:$0x1D200] =	vst v63  }
0x6f: {  	s9 =	sadd.s32 $0x0, s19  }
0x70: {  	[tilespmem:s0], [sflag:$0x3] =	stream.linear.gather [hbm4b:s9+s18], $0x50, $0x38;
	[tilespmem:$0x1D200] =	vst v63  }
0x71: {  	_ =	swait.ge [sflag:s28], $0x50  }
0x72: {  	[sflag:s28] =	ssyncset.done $0x0  }
0x73: {  	s10 =	sadd.s32 $0x0, s17;
	[sflag:s28] =	ssyncadd.s32 $0xFFFFFFB0  }
0x74: {  	[tilespmem:s3], [sflag:$0x3] =	stream.linear.gather [hbm4b:s10+s18], $0x50, $0x38;
	[tilespmem:$0x1D200] =	vst v63  }
0x75: {  	_ =	swait.ge [sflag:s28], $0x50  }
0x76: {  	[sflag:s28] =	ssyncset.done $0x0  }
0x77: {  	[sflag:s28] =	ssyncadd.s32 $0xFFFFFFB0  }
0x78: {  	_ =	swait.ge [sflag:s4], $0x2800  }
0x79: {  	[sflag:s4] =	ssyncset.done $0x0  }
0x7a: {  	[sflag:s4] =	ssyncadd.s32 $0xFFFFD800  }
0x7b: {  	[spmem:s2] =	stream.indirect.scatter.add.f32 [tilespmem:s31], [sflag:$0x2], $0x80, s29, s30, $0xb8;
	[tilespmem:$0x1D200] =	vst v63  }
0x7c: {  	_ =	swait.ge [sflag:s6], $0x2800  }
0x7d: {  	[sflag:s6] =	ssyncset.done $0x0  }
0x7e: {  	[sflag:s6] =	ssyncadd.s32 $0xFFFFD800  }
0x7f: {  	[tilespmem:s5], [sflag:$0x1] =	stream.indirect.gather [hbm4b:s1+s30], $0x80, s0, s30, $0xb8;
	[tilespmem:$0x1D200] =	vst v63  }
0x80: {  	s9 =	sadd.s32 $0x0, s16  }
0x81: {  	[tilespmem:s18], [sflag:$0x3] =	stream.linear.gather [hbm4b:s9+s18], $0x50, $0x38;
	[tilespmem:$0x1D200] =	vst v63  }
0x82: {  	_ =	swait.ge [sflag:s28], $0x50  }
0x83: {  	[sflag:s28] =	ssyncset.done $0x0  }
0x84: {  	s10 =	sadd.s32 $0x0, s15;
	[sflag:s28] =	ssyncadd.s32 $0xFFFFFFB0  }
0x85: {  	[tilespmem:s29], [sflag:$0x3] =	stream.linear.gather [hbm4b:s10+s18], $0x50, $0x38;
	[tilespmem:$0x1D200] =	vst v63  }
0x86: {  	_ =	swait.ge [sflag:s28], $0x50  }
0x87: {  	[sflag:s28] =	ssyncset.done $0x0  }
0x88: {  	[sflag:s28] =	ssyncadd.s32 $0xFFFFFFB0  }
0x89: {  	_ =	swait.ge [sflag:s4], $0x2800  }
0x8a: {  	[sflag:s4] =	ssyncset.done $0x0  }
0x8b: {  	s8 =	simm.s32 $0x14;
	[sflag:s4] =	ssyncadd.s32 $0xFFFFD800  }
.LBB2_4:
0x8c: {  	[spmem:s2] =	stream.indirect.scatter.add.f32 [tilespmem:s5], [sflag:$0x2], $0x80, s3, s30, $0xb8;
	[tilespmem:$0x1D200] =	vst v63  }
0x8d: {  	s9 =	smov.u32 s8  }
0x8e: {  	p0 =	sne.s32 s8, $0x4B0;
	s8 =	sadd.s32 $0x14, s8;
	_ =	swait.ge [sflag:s6], $0x2800  }
0x8f: {  	[sflag:s6] =	ssyncset.done $0x0  }
0x90: {  	[sflag:s6] =	ssyncadd.s32 $0xFFFFD800  }
0x91: {  	[tilespmem:s31], [sflag:$0x1] =	stream.indirect.gather [hbm4b:s1+s30], $0x80, s18, s30, $0xb8;
	[tilespmem:$0x1D200] =	vst v63  }
0x92: {  	s10 =	sadd.s32 s9, s19  }
0x93: {  	[tilespmem:s0], [sflag:$0x3] =	stream.linear.gather [hbm4b:s10+s18], $0x50, $0x38;
	[tilespmem:$0x1D200] =	vst v63  }
0x94: {  	_ =	swait.ge [sflag:s28], $0x50  }
0x95: {  	[sflag:s28] =	ssyncset.done $0x0  }
0x96: {  	s10 =	sadd.s32 s9, s17;
	[sflag:s28] =	ssyncadd.s32 $0xFFFFFFB0  }
0x97: {  	[tilespmem:s3], [sflag:$0x3] =	stream.linear.gather [hbm4b:s10+s18], $0x50, $0x38;
	[tilespmem:$0x1D200] =	vst v63  }
0x98: {  	_ =	swait.ge [sflag:s28], $0x50  }
0x99: {  	[sflag:s28] =	ssyncset.done $0x0  }
0x9a: {  	[sflag:s28] =	ssyncadd.s32 $0xFFFFFFB0  }
0x9b: {  	_ =	swait.ge [sflag:s4], $0x2800  }
0x9c: {  	[sflag:s4] =	ssyncset.done $0x0  }
0x9d: {  	[sflag:s4] =	ssyncadd.s32 $0xFFFFD800  }
0x9e: {  	[spmem:s2] =	stream.indirect.scatter.add.f32 [tilespmem:s31], [sflag:$0x2], $0x80, s29, s30, $0xb8;
	[tilespmem:$0x1D200] =	vst v63  }
0x9f: {  	_ =	swait.ge [sflag:s6], $0x2800  }
0xa0: {  	[sflag:s6] =	ssyncset.done $0x0  }
0xa1: {  	[sflag:s6] =	ssyncadd.s32 $0xFFFFD800  }
0xa2: {  	[tilespmem:s5], [sflag:$0x1] =	stream.indirect.gather [hbm4b:s1+s30], $0x80, s0, s30, $0xb8;
	[tilespmem:$0x1D200] =	vst v63  }
0xa3: {  	s10 =	sadd.s32 s9, s16  }
0xa4: {  	[tilespmem:s18], [sflag:$0x3] =	stream.linear.gather [hbm4b:s10+s18], $0x50, $0x38;
	[tilespmem:$0x1D200] =	vst v63  }
0xa5: {  	_ =	swait.ge [sflag:s28], $0x50  }
0xa6: {  	[sflag:s28] =	ssyncset.done $0x0  }
0xa7: {  	s9 =	sadd.s32 s9, s15;
	[sflag:s28] =	ssyncadd.s32 $0xFFFFFFB0  }
0xa8: {  	[tilespmem:s29], [sflag:$0x3] =	stream.linear.gather [hbm4b:s9+s18], $0x50, $0x38;
	[tilespmem:$0x1D200] =	vst v63  }
0xa9: {  	_ =	swait.ge [sflag:s28], $0x50  }
.Ltmp1:
0xaa: {  	[sflag:s28] =	ssyncset.done $0x0;
	(pc) =	sbr.rel @p0 .LBB2_4-.Ltmp1, $4  }
0xab: {  	[sflag:s28] =	ssyncadd.s32 $0xFFFFFFB0  }
0xac: {  	_ =	swait.ge [sflag:s4], $0x2800  }
0xad: {  	[sflag:s4] =	ssyncset.done $0x0  }
0xae: {  	[sflag:s4] =	ssyncadd.s32 $0xFFFFD800  }
0xaf: {  	[spmem:s2] =	stream.indirect.scatter.add.f32 [tilespmem:s5], [sflag:$0x2], $0x80, s3, s30, $0xb8;
	[tilespmem:$0x1D200] =	vst v63  }
0xb0: {  	_ =	swait.ge [sflag:s6], $0x2800  }
0xb1: {  	[sflag:s6] =	ssyncset.done $0x0  }
0xb2: {  	[sflag:s6] =	ssyncadd.s32 $0xFFFFD800  }
0xb3: {  	[tilespmem:s31], [sflag:$0x1] =	stream.indirect.gather [hbm4b:s1+s30], $0x80, s18, s30, $0xb8;
	[tilespmem:$0x1D200] =	vst v63  }
0xb4: {  	_ =	swait.ge [sflag:s4], $0x2800  }
0xb5: {  	[sflag:s4] =	ssyncset.done $0x0  }
0xb6: {  	[sflag:s4] =	ssyncadd.s32 $0xFFFFD800  }
0xb7: {  	[spmem:s2] =	stream.indirect.scatter.add.f32 [tilespmem:s31], [sflag:$0x2], $0x80, s29, s30, $0xb8;
	[tilespmem:$0x1D200] =	vst v63  }
0xb8: {  	_ =	swait.ge [sflag:s6], $0x2800  }
0xb9: {  	[sflag:s6] =	ssyncset.done $0x0  }
0xba: {  	[sflag:s6] =	ssyncadd.s32 $0xFFFFD800  }
0xbb: {  	_ =	swait.ge [sflag:s6], $0x2800  }
0xbc: {  	[sflag:s6] =	ssyncset.done $0x0  }
0xbd: {  	s8 =	stileid.u32;
	[sflag:s6] =	ssyncadd.s32 $0xFFFFD800  }
0xbe: {  	s8 =	sshll.u32 s8, $0x6;
	[bflag:$0x0] =	sbarrier.arrive $0xFFFF  }
0xbf: {  	s9 =	sshrl.u32 s20, $0x3;
	s8 =	sor.u32 $0x1C03, s8;
	s10 =	rddreg [dreg:$0x6]  }
0xc0: {  	[hbm:s10], [sflag:s8] =	dma.local [spmem:s9], $0x800  }
0xc1: {  	_ =	swait.ge [sflag:s28], $0x800  }
0xc2: {  	[sflag:s28] =	ssyncset.done $0x0  }
0xc3: {  	s9 =	sshrl.u32 s21, $0x3;
	s10 =	rddreg [dreg:$0x7];
	[sflag:s28] =	ssyncadd.s32 $0xFFFFF800  }
0xc4: {  	[hbm:s10], [sflag:s8] =	dma.local [spmem:s9], $0x800  }
0xc5: {  	_ =	swait.ge [sflag:s28], $0x800  }
0xc6: {  	[sflag:s28] =	ssyncset.done $0x0  }
0xc7: {  	s9 =	sshrl.u32 s22, $0x3;
	s10 =	rddreg [dreg:$0x8];
	[sflag:s28] =	ssyncadd.s32 $0xFFFFF800  }
0xc8: {  	[hbm:s10], [sflag:s8] =	dma.local [spmem:s9], $0x800  }
0xc9: {  	_ =	swait.ge [sflag:s28], $0x800  }
0xca: {  	[sflag:s28] =	ssyncset.done $0x0  }
0xcb: {  	s9 =	sshrl.u32 s23, $0x3;
	s10 =	rddreg [dreg:$0x9];
	[sflag:s28] =	ssyncadd.s32 $0xFFFFF800  }
0xcc: {  	[hbm:s10], [sflag:s8] =	dma.local [spmem:s9], $0x800  }
0xcd: {  	s7 =	sadd.s32 $0x1, s7;
	_ =	swait.ge [sflag:s28], $0x800  }
0xce: {  	p0 =	sne.s32 s7, s25;
	s9 =	sshrl.u32 s24, $0x3;
	[sflag:s28] =	ssyncset.done $0x0  }
.Ltmp2:
0xcf: {  	s10 =	rddreg [dreg:$0xa];
	[sflag:s28] =	ssyncadd.s32 $0xFFFFF800;
	(pc) =	sbr.rel @p0 .LBB2_1-.Ltmp2, $4  }
0xd0: {  	[hbm:s10], [sflag:s8] =	dma.local [spmem:s9], $0x800  }
0xd1: {  	_ =	swait.ge [sflag:s28], $0x800  }
0xd2: {  	[sflag:s28] =	ssyncset.done $0x0  }
0xd3: {  	[sflag:s28] =	ssyncadd.s32 $0xFFFFF800  }
0xd4: {  	_ =	sfence.sel $0x180000  }
0xd5: {  	[bflag:$0x0] =	sbarrier.arrive $0xFFFF  }
0xd6: {  	_ =	strace $0x9000004A  }
0xd7: {  	s0 =	stileid.u32;
	[bflag:$0x2] =	sbarrier.arrive $0xFFFF  }
0xd8: {  	p0 =	sne.s32 s0, $0x0;
	s0 =	rddreg [dreg:$0x3]  }
0xd9: {  	s0 =	sadd.s32 @!p0 $0x100000, s0  }
0xda: {  	[sflag:s0] =	ssyncadd.tile.s32 @!p0 $0x1;
	_ =	shalt  }
.Lfunc_end2:
_tile_overlayer_lowered:
.L_overlay_start_2:
0xdb: {  	(tag) =	ssettag $0x2  }
0xdc: {  	s0 =	rddreg [dreg:$0x0];
	s2 =	stileid.u32  }
0xdd: {  	s1 =	rddreg [dreg:$0x1];
	p0 =	sne.s32 s2, $0x0  }
0xde: {  	s3 =	rddreg [dreg:$0x2];
	[bflag:$0x3] =	sbarrier.arrive $0xFFFF;
	s2 =	simm.s32 @!p0 $0x1C03  }
0xdf: {  	[timem:s3], [sflag:s2] =	dma.local @!p0 [hbm:s0], s1  }
0xe0: {  	s0 =	simm.s32 @!p0 $0x3  }
0xe1: {  	_ =	swait.ge @!p0 [sflag:s0], s1  }
0xe2: {  	s1 =	ssub.s32 @!p0 $0x0, s1;
	[sflag:s0] =	ssyncset.done @!p0 $0x0  }
0xe3: {  	[sflag:s0] =	ssyncadd.s32 @!p0 s1  }
0xe4: {  	[bflag:$0x3] =	sbarrier.arrive $0xFFFF  }
0xe5: {  	_ =	shalt  }

// kernel: kernel.14.cloned.1.call-start
scs
__scs_entry_jumppad:
0x0: {  	(pc) =	sbr.rel $0x88, $3  }
0x1: {  	(tag) =	ssettag $0x0;
	lr =	simm.s32 $0x1  }
0x2: {  	[smem:$0x3F9B] =	sst lr;
	_ =	strace $0xD0000000  }
0x3: {  	_ = 	snop  }
0x4: {  	_ = 	snop  }
0x5: {  	_ = 	snop  }
0x6: {  	_ = 	snop  }
0x7: {  	_ = 	snop  }
__scs_overlays_trampoline_lowered:
0x8: {  	[smem:$0x3FAA] =	sst s0  }
0x9: {  	[smem:$0x3FAB] =	sst s1  }
0xa: {  	[smem:$0x3FAC] =	sst s2  }
0xb: {  	[smem:$0x3FAD] =	sst s3  }
0xc: {  	[smem:$0x3FAE] =	sst s4  }
0xd: {  	[smem:$0x3FAF] =	sst s5  }
0xe: {  	[smem:$0x3FB0] =	sst s6  }
0xf: {  	[smem:$0x3FB1] =	sst s7  }
0x10: {  	[smem:$0x3FB2] =	sst s8  }
0x11: {  	[smem:$0x3FB3] =	sst s9;
	s0 =	simm.s32 @!p0 $0x0  }
0x12: {  	s1 =	sld [smem:$0x3F99];
	s0 =	simm.s32 @p0 $0x1  }
0x13: {  	[smem:$0x3FB4] =	sst s0;
	s0 =	simm.s32 @!p1 $0x0  }
0x14: {  	s2 =	sld [smem:$0x3F98];
	s0 =	simm.s32 @p1 $0x1  }
0x15: {  	[smem:$0x3FB5] =	sst s0;
	s0 =	simm.s32 @!p2 $0x0  }
0x16: {  	s3 =	sld [smem:$0x3FDB];
	s0 =	simm.s32 @p2 $0x1  }
0x17: {  	s4 =	simm.s32 $0x1BF5;
	[smem:$0x3FB7] =	sst s0  }
0x18: {  	s0 =	sld [smem:$0x3F9A];
	_ =	swait.ge [sflag:s4], $0x0  }
0x19: {  	s7 =	sld [smem:$0x3F9B]  }
0x1a: {  	s8 =	sadd.s32 $0xFFFFE003, lr  }
0x1b: {  	s9 =	sadd.s32 $0xFFFFFEF7, lr;
	s5 =	simm.s32 $0xFFFFFFFF;
	p2 =	slt.u32 s8, $0xFFFFF086  }
0x1c: {  	p1 =	slt.u32 s9, $0xF7A;
	s5 =	simm.s32 @!p2 $0x0  }
0x1d: {  	s5 =	simm.s32 @p1 $0x1;
	p0 =	seq.s32 s7, s2  }
0x1e: {  	s7 =	smul.u32 @!p0 $0xF7A, s2;
	p2 =	seq.s32 @!p0 s5, $0x0  }
0x1f: {  	s9 =	smul.u32 $0xF7A, s1;
	s8 =	simm.s32 @!p0 $0x1BF5;
	p2 =	por !p2, p0  }
0x20: {  	[sflag:s8] =	ssyncset.s32 @!p0 $0xFFFFF086;
	s6 =	sadd.s32 @!p0 s3, s7;
	s7 =	simm.s32 @!p0 $0x108  }
0x21: {  	s3 =	sadd.s32 s3, s9;
	s6 =	sadd.s32 @!p0 $0x88, s6;
	s7 =	simm.s32 @p2 $0x1082  }
0x22: {  	[simem:s7], [sflag:s8] =	dma.local @!p0 [hbm:s6], $0xF7A  }
0x23: {  	s9 =	sor.u32 $0xD0000000, s2;
	s6 =	simm.s32 $0x108;
	_ =	swait.ge @!p0 [sflag:s8], $0x0  }
0x24: {  	s3 =	sadd.s32 $0x88, s3;
	s6 =	simm.s32 @!p1 $0x1082;
	[sflag:s4] =	ssyncset.s32 $0xFFFFF086  }
0x25: {  	[simem:s6], [sflag:s4] =	dma.local [hbm:s3], $0xF7A  }
0x26: {  	[smem:$0x3F9B] =	sst s1;
	(tag) =	ssettag s2;
	_ =	strace s9  }
0x27: {  	s1 =	sld [smem:$0x3FAB]  }
0x28: {  	s2 =	sld [smem:$0x3FAC]  }
0x29: {  	s4 =	sld [smem:$0x3FAE]  }
0x2a: {  	p0 =	seq.s32 s5, $0x0;
	s5 =	sld [smem:$0x3FAF]  }
0x2b: {  	s6 =	sld [smem:$0x3FB0]  }
0x2c: {  	s7 =	sld [smem:$0x3FB1]  }
0x2d: {  	s3 =	simm.s32 $0x108;
	s8 =	sld [smem:$0x3FB2]  }
0x2e: {  	s3 =	simm.s32 @!p0 $0x1082;
	s9 =	sld [smem:$0x3FB3]  }
0x2f: {  	lr =	sadd.s32 s0, s3;
	s0 =	sld [smem:$0x3FAA]  }
0x30: {  	s3 =	sld [smem:$0x3FAD]  }
0x31: {  	[smem:$0x3FB6] =	sst s10  }
0x32: {  	s10 =	sld [smem:$0x3FB4];
	_ =	sdelay $0x3  }
0x33: {  	p0 =	seq.s32 s10, $0x1;
	s10 =	sld [smem:$0x3FB6];
	_ =	sdelay $0x3  }
0x34: {  	[smem:$0x3FB6] =	sst s10  }
0x35: {  	s10 =	sld [smem:$0x3FB5];
	_ =	sdelay $0x3  }
0x36: {  	p1 =	seq.s32 s10, $0x1;
	s10 =	sld [smem:$0x3FB6];
	_ =	sdelay $0x3  }
0x37: {  	[smem:$0x3FB6] =	sst s10  }
0x38: {  	s10 =	sld [smem:$0x3FB7]  }
0x39: {  	_ = 	snop;
	(pc) =	sbr.ind lr, $3  }
0x3a: {  	_ = 	snop  }
0x3b: {  	_ = 	snop  }
0x3c: {  	p2 =	seq.s32 s10, $0x1;
	s10 =	sld [smem:$0x3FB6]  }
0x3d: {  	_ =	shalt  }
0x3e: {  	_ =	shalt  }
0x3f: {  	_ =	shalt  }
0x40: {  	_ =	shalt  }
0x41: {  	_ =	shalt  }
0x42: {  	_ =	shalt  }
0x43: {  	_ =	shalt  }
0x44: {  	_ =	shalt  }
0x45: {  	_ =	shalt  }
0x46: {  	_ =	shalt  }
0x47: {  	_ =	shalt  }
0x48: {  	_ =	shalt  }
0x49: {  	_ =	shalt  }
0x4a: {  	_ =	shalt  }
0x4b: {  	_ =	shalt  }
0x4c: {  	_ =	shalt  }
0x4d: {  	_ =	shalt  }
0x4e: {  	_ =	shalt  }
0x4f: {  	_ =	shalt  }
0x50: {  	_ =	shalt  }
0x51: {  	_ =	shalt  }
0x52: {  	_ =	shalt  }
0x53: {  	_ =	shalt  }
0x54: {  	_ =	shalt  }
0x55: {  	_ =	shalt  }
0x56: {  	_ =	shalt  }
0x57: {  	_ =	shalt  }
0x58: {  	_ =	shalt  }
0x59: {  	_ =	shalt  }
0x5a: {  	_ =	shalt  }
0x5b: {  	_ =	shalt  }
0x5c: {  	_ =	shalt  }
0x5d: {  	_ =	shalt  }
0x5e: {  	_ =	shalt  }
0x5f: {  	_ =	shalt  }
0x60: {  	_ =	shalt  }
0x61: {  	_ =	shalt  }
0x62: {  	_ =	shalt  }
0x63: {  	_ =	shalt  }
0x64: {  	_ =	shalt  }
0x65: {  	_ =	shalt  }
0x66: {  	_ =	shalt  }
0x67: {  	_ =	shalt  }
0x68: {  	_ =	shalt  }
0x69: {  	_ =	shalt  }
0x6a: {  	_ =	shalt  }
0x6b: {  	_ =	shalt  }
0x6c: {  	_ =	shalt  }
0x6d: {  	_ =	shalt  }
0x6e: {  	_ =	shalt  }
0x6f: {  	_ =	shalt  }
0x70: {  	_ =	shalt  }
0x71: {  	_ =	shalt  }
0x72: {  	_ =	shalt  }
0x73: {  	_ =	shalt  }
0x74: {  	_ =	shalt  }
0x75: {  	_ =	shalt  }
0x76: {  	_ =	shalt  }
0x77: {  	_ =	shalt  }
0x78: {  	_ =	shalt  }
0x79: {  	_ =	shalt  }
0x7a: {  	_ =	shalt  }
0x7b: {  	_ =	shalt  }
0x7c: {  	_ =	shalt  }
0x7d: {  	_ =	shalt  }
0x7e: {  	_ =	shalt  }
0x7f: {  	_ =	shalt  }
0x80: {  	_ =	shalt  }
0x81: {  	_ =	shalt  }
0x82: {  	_ =	shalt  }
0x83: {  	_ =	shalt  }
0x84: {  	_ =	shalt  }
0x85: {  	_ =	shalt  }
0x86: {  	_ =	shalt  }
0x87: {  	_ =	shalt  }
.Lfunc_end0:
.L_simem_size_0:
called_computation.2_lowered:
.L_overlay_start_0:
0x88: {  	s2 =	sld [smem:$0x3FD9]  }
0x89: {  	s3 =	sld [smem:$0x3FFE];
	_ =	sdelay $0x1  }
0x8a: {  	s1 =	srdreg.scid  }
0x8b: {  	s0 =	sand.u32 $0x1, s1  }
0x8c: {  	s17 =	sshll.u32 s0, $0xA;
	s2 =	sadd.s32 s3, s2  }
0x8d: {  	s2 =	sadd.s32 s2, s17  }
0x8e: {  	[smem:$0x3FC2] =	sst s2  }
0x8f: {  	_ = 	snop  }
0x90: {  	s2 =	sld [smem:$0x3FD0];
	(tm) =	ssettm $0x1  }
0x91: {  	s18 =	sld [smem:$0x3FFB];
	_ =	sdelay $0x3  }
0x92: {  	_ =	strace s18  }
0x93: {  	s3 =	sld [smem:$0x3FFC];
	_ =	sdelay $0x3  }
0x94: {  	_ =	strace s3  }
0x95: {  	s3 =	sld [smem:$0x3FFD];
	_ =	sdelay $0x3  }
0x96: {  	_ =	strace s3  }
0x97: {  	_ =	strace $0x8FFFFFFF  }
0x98: {  	s19 =	sld [smem:$0x3FDB];
	_ =	sdelay $0x1  }
0x99: {  	s4 =	simm.s32 $_scs_section_size  }
0x9a: {  	s5 =	simm.s32 $_size__tile_overlayer_lowered;
	s6 =	simm.s32 $_tile_overlayer_lowered  }
0x9b: {  	s22 =	simm.s32 $0x1BFF;
	s21 =	sshll.u32 s6, $0x1;
	s3 =	sadd.s32 s4, s19  }
0x9c: {  	s7 =	simm.s32 $0x0;
	s20 =	sshll.u32 s5, $0x1;
	s5 =	sadd.s32 s21, s3  }
0x9d: {  	[timem:s7], [sflag:s22] =	dma.local [hbm:s5], s20  }
0x9e: {  	_ =	swait.ge [sflag:s22], s20  }
0x9f: {  	s4 =	ssub.s32 $0x0, s20;
	[sflag:s22] =	ssyncset.done $0x0  }
0xa0: {  	[sflag:s22] =	ssyncadd.s32 s4;
	_ =	sdelay $0x1  }
0xa1: {  	s23 =	simm.s32 $0x1B8B  }
0xa2: {  	_ =	swait.ge [sflag:s23], $0x1  }
0xa3: {  	[sflag:s23] =	ssyncset.done $0x0  }
0xa4: {  	s25 =	simm.s32 $0x1B8E;
	s24 =	sld [smem:$0x3FFE];
	[sflag:s23] =	ssyncadd.s32 $0xFFFFFFFF  }
0xa5: {  	s26 =	simm.s32 $execute0_lowered;
	[smem:$0x3FD2] =	sst s25  }
0xa6: {  	s5 =	sshll.u32 s26, $0x1;
	_ =	strace $0x8000004C;
	[dreg:$0x1] =	wrdreg $0xFFFFFFFF  }
0xa7: {  	s28 =	simm.s32 $_size_execute0_lowered;
	s3 =	sadd.s32 s3, s5;
	[dreg:$0x0] =	wrdreg $0x0  }
0xa8: {  	s5 =	sshll.u32 s28, $0x1;
	[dreg:$0x2] =	wrdreg s3  }
0xa9: {  	[dreg:$0x3] =	wrdreg s5  }
0xaa: {  	[dreg:$0x4] =	wrdreg $0xC0  }
0xab: {  	_ =	task [dreg:s7], $0x5FFFF  }
0xac: {  	[dreg:$0x1] =	wrdreg $0xFFFFFFFF  }
0xad: {  	[dreg:$0x0] =	wrdreg $0x60  }
0xae: {  	[dreg:$0x2] =	wrdreg s2  }
0xaf: {  	[dreg:$0x3] =	wrdreg s24  }
0xb0: {  	[dreg:$0x4] =	wrdreg $0x92000  }
0xb1: {  	[dreg:$0x5] =	wrdreg $0x9  }
0xb2: {  	_ =	task.clear_ibuf [dreg:s7], $0x6FFFF;
	_ =	strace $0x9000004C  }
0xb3: {  	s29 =	simm.s32 $0x9;
	_ =	strace $0x8000004E  }
0xb4: {  	_ =	swait.ge [sflag:s29], $0x1  }
0xb5: {  	[sflag:s29] =	ssyncadd.s32 $0xFFFFFFFF  }
0xb6: {  	_ =	strace $0x9000004E  }
0xb7: {  	_ =	sfence  }
0xb8: {  	s30 =	sld [smem:$0x0];
	_ =	sdelay $0x2  }
0xb9: {  	s31 =	sshll.u32 s1, $0xD;
	s1 =	sshrl.u32 s1, $0x2  }
0xba: {  	s3 =	sand.u32 $0x4000, s31;
	s1 =	sadd.s32 s1, s30  }
0xbb: {  	s0 =	sor.u32 s3, s0;
	s1 =	sshll.u32 s1, $0x11  }
0xbc: {  	s0 =	sor.u32 s1, s0  }
0xbd: {  	s0 =	sadd.s32 $0x8F2B, s0  }
0xbe: {  	[sflag:s0] =	ssyncadd.remote.s32 $0x1  }
0xbf: {  	_ =	sfence.sel $0xFFFF  }
0xc0: {  	[dreg:$0x0] =	wrdreg $0xFFFFFFFF;
	(pc) =	sbr.abs _section_cstart, $3  }
0xc1: {  	[dreg:$0x1] =	wrdreg $0xFFFFFFFF  }
0xc2: {  	_ =	task.clear_ibuf [dreg:s7], $0x2FFFF;
	_ =	strace $0x9FFFFFFF  }
0xc3: {  	(tm) =	ssettm $0x7FFFFFFF  }
tec
execute0_lowered:
.L_overlay_start_1:
0x0: {  	(tag) =	ssettag $0x1  }
0x1: {  	s1 =	rddreg [dreg:$0x0]  }
0x2: {  	s0 =	rddreg [dreg:$0x1]  }
0x3: {  	s2 =	rddreg [dreg:$0x2];
	s3 =	srdreg.scid  }
0x4: {  	s13 =	stileid.u32;
	s28 =	simm.s32 $0x3;
	s29 =	simm.s32 $0x100  }
0x5: {  	s30 =	simm.s32 $0x50;
	s31 =	simm.s32 $0x200;
	s8 =	smul.u32 $0x14000, s13  }
0x6: {  	s4 =	sadd.s32 $0x2800, s0;
	s3 =	sand.u32 $0x1, s3;
	s16 =	smul.u32 $0x2710, s13  }
0x7: {  	s5 =	sadd.s32 $0xC600, s0;
	s0 =	sadd.s32 $0x16400, s0;
	s10 =	smul.u32 $0x140000, s3  }
0x8: {  	s6 =	sshll.u32 s3, $0x4;
	s7 =	ssub.s32 $0x2, s3;
	s3 =	smul.u32 $0x27100, s3  }
0x9: {  	s6 =	sor.u32 s13, s6;
	s9 =	sshrl.u32 s7, $0x1;
	s21 =	sadd.s32 $0x4000, s8  }
0xa: {  	s22 =	sadd.s32 $0x8000, s8;
	s23 =	sadd.s32 $0xC000, s8;
	s6 =	smul.u32 $0x2710, s6  }
0xb: {  	s24 =	sadd.s32 $0x10000, s8;
	s7 =	ssub.s32 s7, s9;
	s9 =	smul.u32 $0x50000, s13  }
0xc: {  	s8 =	sadd.s32 s8, s10;
	s26 =	sadd.s32 s10, s21;
	s12 =	sadd.s32 s10, s22  }
0xd: {  	s15 =	sadd.s32 s10, s23;
	s10 =	sadd.s32 s10, s24;
	s19 =	sadd.s32 s16, s3  }
0xe: {  	s21 =	sadd.s32 s21, s2;
	s22 =	sadd.s32 s22, s2;
	s23 =	sadd.s32 s23, s2  }
0xf: {  	s24 =	sadd.s32 s24, s2;
	s3 =	simm.s32 $0x180;
	s8 =	sshrl.u32 s8, $0x3  }
0x10: {  	s14 =	sshrl.u32 s12, $0x3;
	s6 =	sshrl.u32 s6, $0x3;
	s8 =	sadd.s32 s0, s8  }
0x11: {  	s17 =	sshrl.u32 s10, $0x3;
	s11 =	sadd.s32 s4, s6;
	[dreg:$0x6] =	wrdreg s8  }
0x12: {  	s25 =	sadd.s32 s5, s6;
	s8 =	sadd.s32 s0, s14;
	[dreg:$0x4] =	wrdreg s11  }
0x13: {  	s18 =	sadd.s32 $0xA, s6;
	s20 =	sadd.s32 $0x14, s6;
	[dreg:$0x5] =	wrdreg s25  }
0x14: {  	s11 =	sshrl.u32 s26, $0x3;
	[dreg:$0x8] =	wrdreg s8;
	s8 =	sshrl.u32 s15, $0x3  }
0x15: {  	s12 =	sadd.s32 s5, s18;
	s25 =	sadd.s32 $0x140, s19;
	s13 =	sadd.s32 s4, s20  }
0x16: {  	s14 =	sadd.s32 s5, s20;
	s26 =	sshrl.u32 s9, $0x2;
	s11 =	sadd.s32 s0, s11  }
0x17: {  	s8 =	sadd.s32 s0, s8;
	s0 =	sadd.s32 s0, s17;
	s6 =	sshrl.u32 s25, $0x3  }
0x18: {  	s20 =	sadd.s32 s26, s2;
	s25 =	smax.u32 s7, $0x1;
	[dreg:$0x7] =	wrdreg s11  }
0x19: {  	s26 =	simm.s32 $0x5200;
	s7 =	simm.s32 $0x0;
	[dreg:$0x9] =	wrdreg s8  }
0x1a: {  	[dreg:$0xa] =	wrdreg s0;
	s11 =	sadd.s32 s4, s18;
	s0 =	sadd.s32 $0xF0, s19  }
0x1b: {  	s15 =	sadd.s32 s6, s5;
	s16 =	sadd.s32 s6, s4;
	s18 =	simm.s32 $0x0  }
0x1c: {  	s6 =	simm.s32 $0x2;
	s0 =	sshrl.u32 s0, $0x3;
	[smem:$0x7FF] =	sst s18  }
0x1d: {  	s17 =	sadd.s32 s0, s5;
	s19 =	sadd.s32 s0, s4;
	_ =	strace $0x8000004D  }
0x1e: {  	v0 =	vimm.f32 $0.0e+00;
	s0 =	simm.s32 $0x80;
	s4 =	simm.s32 $0x1;
	s5 =	simm.s32 $0x2A00  }
.LBB2_1:
0x1f: {  	s8 =	simm.s32 $0x0;
	s9 =	simm.s32 $0x200  }
.LBB2_2:
0x20: {  	p0 =	sne.s32 s9, $0xFE00;
	[tilespmem:s8+$0x5270] =	vst v0  }
0x21: {  	[tilespmem:s8+$0x5200] =	vst v0  }
0x22: {  	[tilespmem:s8+$0x5210] =	vst v0  }
.Ltmp0:
0x23: {  	[tilespmem:s8+$0x5220] =	vst v0;
	(pc) =	sbr.rel @p0 .LBB2_2-.Ltmp0, $4  }
0x24: {  	[tilespmem:s8+$0x5230] =	vst v0  }
0x25: {  	[tilespmem:s8+$0x5240] =	vst v0  }
0x26: {  	[tilespmem:s8+$0x5250] =	vst v0  }
0x27: {  	[tilespmem:s8+$0x5260] =	vst v0;
	s8 =	sshra.s32 s9, $0x2;
	s9 =	sadd.s32 $0x200, s9  }
0x28: {  	[tilespmem:s8+$0x5270] =	vst v0  }
0x29: {  	[tilespmem:s8+$0x5200] =	vst v0  }
0x2a: {  	[tilespmem:s8+$0x5210] =	vst v0  }
0x2b: {  	[tilespmem:s8+$0x5220] =	vst v0  }
0x2c: {  	[tilespmem:s8+$0x5230] =	vst v0  }
0x2d: {  	[tilespmem:s8+$0x5240] =	vst v0  }
0x2e: {  	[tilespmem:s8+$0x5250] =	vst v0  }
0x2f: {  	[tilespmem:s8+$0x5260] =	vst v0  }
0x30: {  	[spmem:s20] =	stream.linear.scatter [tilespmem:s26], [sflag:$0x3], $0x4000, $0x38;
	[tilespmem:$0x1D200] =	vst v63  }
0x31: {  	_ =	swait.ge [sflag:s28], $0x4000  }
0x32: {  	[sflag:s28] =	ssyncset.done $0x0  }
0x33: {  	[sflag:s28] =	ssyncadd.s32 $0xFFFFC000  }
0x34: {  	[spmem:s21] =	stream.linear.scatter [tilespmem:s26], [sflag:$0x3], $0x4000, $0x38;
	[tilespmem:$0x1D200] =	vst v63  }
0x35: {  	_ =	swait.ge [sflag:s28], $0x4000  }
0x36: {  	[sflag:s28] =	ssyncset.done $0x0  }
0x37: {  	[sflag:s28] =	ssyncadd.s32 $0xFFFFC000  }
0x38: {  	[spmem:s22] =	stream.linear.scatter [tilespmem:s26], [sflag:$0x3], $0x4000, $0x38;
	[tilespmem:$0x1D200] =	vst v63  }
0x39: {  	_ =	swait.ge [sflag:s28], $0x4000  }
0x3a: {  	[sflag:s28] =	ssyncset.done $0x0  }
0x3b: {  	[sflag:s28] =	ssyncadd.s32 $0xFFFFC000  }
0x3c: {  	[spmem:s23] =	stream.linear.scatter [tilespmem:s26], [sflag:$0x3], $0x4000, $0x38;
	[tilespmem:$0x1D200] =	vst v63  }
0x3d: {  	_ =	swait.ge [sflag:s28], $0x4000  }
0x3e: {  	[sflag:s28] =	ssyncset.done $0x0  }
0x3f: {  	[sflag:s28] =	ssyncadd.s32 $0xFFFFC000  }
0x40: {  	[spmem:s24] =	stream.linear.scatter [tilespmem:s26], [sflag:$0x3], $0x4000, $0x38;
	[tilespmem:$0x1D200] =	vst v63  }
0x41: {  	_ =	swait.ge [sflag:s28], $0x4000  }
0x42: {  	[sflag:s28] =	ssyncset.done $0x0  }
0x43: {  	[sflag:s28] =	ssyncadd.s32 $0xFFFFC000  }
0x44: {  	[bflag:$0x0] =	sbarrier.arrive $0xFFFF  }
0x45: {  	s8 =	simm.s32 $0x0;
	s9 =	rddreg [dreg:$0x4]  }
0x46: {  	[tilespmem:s8], [sflag:$0x3] =	stream.linear.gather [hbm4b:s9+s8], $0x50, $0x38;
	[tilespmem:$0x1D200] =	vst v63  }
0x47: {  	_ =	swait.ge [sflag:s28], $0x50  }
0x48: {  	[sflag:s28] =	ssyncset.done $0x0  }
0x49: {  	s10 =	rddreg [dreg:$0x5];
	[sflag:s28] =	ssyncadd.s32 $0xFFFFFFB0  }
0x4a: {  	[tilespmem:s29], [sflag:$0x3] =	stream.linear.gather [hbm4b:s10+s8], $0x50, $0x38;
	[tilespmem:$0x1D200] =	vst v63  }
0x4b: {  	_ =	swait.ge [sflag:s28], $0x50  }
0x4c: {  	[sflag:s28] =	ssyncset.done $0x0  }
0x4d: {  	[sflag:s28] =	ssyncadd.s32 $0xFFFFFFB0  }
0x4e: {  	[tilespmem:s31], [sflag:$0x1] =	stream.indirect.gather [hbm4b:s1+s30], $0x80, s8, s30, $0xb8;
	[tilespmem:$0x1D200] =	vst v63  }
0x4f: {  	_ = 	snop  }
0x50: {  	[tilespmem:s0], [sflag:$0x3] =	stream.linear.gather [hbm4b:s11+s8], $0x50, $0x38;
	[tilespmem:$0x1D200] =	vst v63  }
0x51: {  	_ =	swait.ge [sflag:s28], $0x50  }
0x52: {  	[sflag:s28] =	ssyncset.done $0x0  }
0x53: {  	[sflag:s28] =	ssyncadd.s32 $0xFFFFFFB0  }
0x54: {  	[tilespmem:s3], [sflag:$0x3] =	stream.linear.gather [hbm4b:s12+s8], $0x50, $0x38;
	[tilespmem:$0x1D200] =	vst v63  }
0x55: {  	_ =	swait.ge [sflag:s28], $0x50  }
0x56: {  	[sflag:s28] =	ssyncset.done $0x0  }
0x57: {  	[sflag:s28] =	ssyncadd.s32 $0xFFFFFFB0  }
0x58: {  	_ =	swait.ge [sflag:s4], $0x2800  }
0x59: {  	[sflag:s4] =	ssyncset.done $0x0  }
0x5a: {  	[sflag:s4] =	ssyncadd.s32 $0xFFFFD800  }
0x5b: {  	[spmem:s2] =	stream.indirect.scatter.add.f32 [tilespmem:s31], [sflag:$0x2], $0x80, s29, s30, $0xb8;
	[tilespmem:$0x1D200] =	vst v63  }
0x5c: {  	_ = 	snop  }
0x5d: {  	[tilespmem:s5], [sflag:$0x1] =	stream.indirect.gather [hbm4b:s1+s30], $0x80, s0, s30, $0xb8;
	[tilespmem:$0x1D200] =	vst v63  }
0x5e: {  	_ = 	snop  }
0x5f: {  	[tilespmem:s8], [sflag:$0x3] =	stream.linear.gather [hbm4b:s13+s8], $0x50, $0x38;
	[tilespmem:$0x1D200] =	vst v63  }
0x60: {  	_ =	swait.ge [sflag:s28], $0x50  }
0x61: {  	[sflag:s28] =	ssyncset.done $0x0  }
0x62: {  	[sflag:s28] =	ssyncadd.s32 $0xFFFFFFB0  }
0x63: {  	[tilespmem:s29], [sflag:$0x3] =	stream.linear.gather [hbm4b:s14+s8], $0x50, $0x38;
	[tilespmem:$0x1D200] =	vst v63  }
0x64: {  	_ =	swait.ge [sflag:s28], $0x50  }
0x65: {  	[sflag:s28] =	ssyncset.done $0x0  }
0x66: {  	[sflag:s28] =	ssyncadd.s32 $0xFFFFFFB0  }
0x67: {  	_ =	swait.ge [sflag:s4], $0x2800  }
0x68: {  	[sflag:s4] =	ssyncset.done $0x0  }
0x69: {  	[sflag:s4] =	ssyncadd.s32 $0xFFFFD800  }
0x6a: {  	[spmem:s2] =	stream.indirect.scatter.add.f32 [tilespmem:s5], [sflag:$0x2], $0x80, s3, s30, $0xb8;
	[tilespmem:$0x1D200] =	vst v63  }
0x6b: {  	_ =	swait.ge [sflag:s6], $0x2800  }
0x6c: {  	[sflag:s6] =	ssyncset.done $0x0  }
0x6d: {  	[sflag:s6] =	ssyncadd.s32 $0xFFFFD800  }
0x6e: {  	[tilespmem:s31], [sflag:$0x1] =	stream.indirect.gather [hbm4b:s1+s30], $0x80, s18, s30, $0xb8;
	[tilespmem:$0x1D200] =	vst v63  }
0x6f: {  	s9 =	sadd.s32 $0x0, s19  }
0x70: {  	[tilespmem:s0], [sflag:$0x3] =	stream.linear.gather [hbm4b:s9+s18], $0x50, $0x38;
	[tilespmem:$0x1D200] =	vst v63  }
0x71: {  	_ =	swait.ge [sflag:s28], $0x50  }
0x72: {  	[sflag:s28] =	ssyncset.done $0x0  }
0x73: {  	s10 =	sadd.s32 $0x0, s17;
	[sflag:s28] =	ssyncadd.s32 $0xFFFFFFB0  }
0x74: {  	[tilespmem:s3], [sflag:$0x3] =	stream.linear.gather [hbm4b:s10+s18], $0x50, $0x38;
	[tilespmem:$0x1D200] =	vst v63  }
0x75: {  	_ =	swait.ge [sflag:s28], $0x50  }
0x76: {  	[sflag:s28] =	ssyncset.done $0x0  }
0x77: {  	[sflag:s28] =	ssyncadd.s32 $0xFFFFFFB0  }
0x78: {  	_ =	swait.ge [sflag:s4], $0x2800  }
0x79: {  	[sflag:s4] =	ssyncset.done $0x0  }
0x7a: {  	[sflag:s4] =	ssyncadd.s32 $0xFFFFD800  }
0x7b: {  	[spmem:s2] =	stream.indirect.scatter.add.f32 [tilespmem:s31], [sflag:$0x2], $0x80, s29, s30, $0xb8;
	[tilespmem:$0x1D200] =	vst v63  }
0x7c: {  	_ =	swait.ge [sflag:s6], $0x2800  }
0x7d: {  	[sflag:s6] =	ssyncset.done $0x0  }
0x7e: {  	[sflag:s6] =	ssyncadd.s32 $0xFFFFD800  }
0x7f: {  	[tilespmem:s5], [sflag:$0x1] =	stream.indirect.gather [hbm4b:s1+s30], $0x80, s0, s30, $0xb8;
	[tilespmem:$0x1D200] =	vst v63  }
0x80: {  	s9 =	sadd.s32 $0x0, s16  }
0x81: {  	[tilespmem:s18], [sflag:$0x3] =	stream.linear.gather [hbm4b:s9+s18], $0x50, $0x38;
	[tilespmem:$0x1D200] =	vst v63  }
0x82: {  	_ =	swait.ge [sflag:s28], $0x50  }
0x83: {  	[sflag:s28] =	ssyncset.done $0x0  }
0x84: {  	s10 =	sadd.s32 $0x0, s15;
	[sflag:s28] =	ssyncadd.s32 $0xFFFFFFB0  }
0x85: {  	[tilespmem:s29], [sflag:$0x3] =	stream.linear.gather [hbm4b:s10+s18], $0x50, $0x38;
	[tilespmem:$0x1D200] =	vst v63  }
0x86: {  	_ =	swait.ge [sflag:s28], $0x50  }
0x87: {  	[sflag:s28] =	ssyncset.done $0x0  }
0x88: {  	[sflag:s28] =	ssyncadd.s32 $0xFFFFFFB0  }
0x89: {  	_ =	swait.ge [sflag:s4], $0x2800  }
0x8a: {  	[sflag:s4] =	ssyncset.done $0x0  }
0x8b: {  	s8 =	simm.s32 $0x14;
	[sflag:s4] =	ssyncadd.s32 $0xFFFFD800  }
.LBB2_4:
0x8c: {  	[spmem:s2] =	stream.indirect.scatter.add.f32 [tilespmem:s5], [sflag:$0x2], $0x80, s3, s30, $0xb8;
	[tilespmem:$0x1D200] =	vst v63  }
0x8d: {  	s9 =	smov.u32 s8  }
0x8e: {  	p0 =	sne.s32 s8, $0x4B0;
	s8 =	sadd.s32 $0x14, s8;
	_ =	swait.ge [sflag:s6], $0x2800  }
0x8f: {  	[sflag:s6] =	ssyncset.done $0x0  }
0x90: {  	[sflag:s6] =	ssyncadd.s32 $0xFFFFD800  }
0x91: {  	[tilespmem:s31], [sflag:$0x1] =	stream.indirect.gather [hbm4b:s1+s30], $0x80, s18, s30, $0xb8;
	[tilespmem:$0x1D200] =	vst v63  }
0x92: {  	s10 =	sadd.s32 s9, s19  }
0x93: {  	[tilespmem:s0], [sflag:$0x3] =	stream.linear.gather [hbm4b:s10+s18], $0x50, $0x38;
	[tilespmem:$0x1D200] =	vst v63  }
0x94: {  	_ =	swait.ge [sflag:s28], $0x50  }
0x95: {  	[sflag:s28] =	ssyncset.done $0x0  }
0x96: {  	s10 =	sadd.s32 s9, s17;
	[sflag:s28] =	ssyncadd.s32 $0xFFFFFFB0  }
0x97: {  	[tilespmem:s3], [sflag:$0x3] =	stream.linear.gather [hbm4b:s10+s18], $0x50, $0x38;
	[tilespmem:$0x1D200] =	vst v63  }
0x98: {  	_ =	swait.ge [sflag:s28], $0x50  }
0x99: {  	[sflag:s28] =	ssyncset.done $0x0  }
0x9a: {  	[sflag:s28] =	ssyncadd.s32 $0xFFFFFFB0  }
0x9b: {  	_ =	swait.ge [sflag:s4], $0x2800  }
0x9c: {  	[sflag:s4] =	ssyncset.done $0x0  }
0x9d: {  	[sflag:s4] =	ssyncadd.s32 $0xFFFFD800  }
0x9e: {  	[spmem:s2] =	stream.indirect.scatter.add.f32 [tilespmem:s31], [sflag:$0x2], $0x80, s29, s30, $0xb8;
	[tilespmem:$0x1D200] =	vst v63  }
0x9f: {  	_ =	swait.ge [sflag:s6], $0x2800  }
0xa0: {  	[sflag:s6] =	ssyncset.done $0x0  }
0xa1: {  	[sflag:s6] =	ssyncadd.s32 $0xFFFFD800  }
0xa2: {  	[tilespmem:s5], [sflag:$0x1] =	stream.indirect.gather [hbm4b:s1+s30], $0x80, s0, s30, $0xb8;
	[tilespmem:$0x1D200] =	vst v63  }
0xa3: {  	s10 =	sadd.s32 s9, s16  }
0xa4: {  	[tilespmem:s18], [sflag:$0x3] =	stream.linear.gather [hbm4b:s10+s18], $0x50, $0x38;
	[tilespmem:$0x1D200] =	vst v63  }
0xa5: {  	_ =	swait.ge [sflag:s28], $0x50  }
0xa6: {  	[sflag:s28] =	ssyncset.done $0x0  }
0xa7: {  	s9 =	sadd.s32 s9, s15;
	[sflag:s28] =	ssyncadd.s32 $0xFFFFFFB0  }
0xa8: {  	[tilespmem:s29], [sflag:$0x3] =	stream.linear.gather [hbm4b:s9+s18], $0x50, $0x38;
	[tilespmem:$0x1D200] =	vst v63  }
0xa9: {  	_ =	swait.ge [sflag:s28], $0x50  }
.Ltmp1:
0xaa: {  	[sflag:s28] =	ssyncset.done $0x0;
	(pc) =	sbr.rel @p0 .LBB2_4-.Ltmp1, $4  }
0xab: {  	[sflag:s28] =	ssyncadd.s32 $0xFFFFFFB0  }
0xac: {  	_ =	swait.ge [sflag:s4], $0x2800  }
0xad: {  	[sflag:s4] =	ssyncset.done $0x0  }
0xae: {  	[sflag:s4] =	ssyncadd.s32 $0xFFFFD800  }
0xaf: {  	[spmem:s2] =	stream.indirect.scatter.add.f32 [tilespmem:s5], [sflag:$0x2], $0x80, s3, s30, $0xb8;
	[tilespmem:$0x1D200] =	vst v63  }
0xb0: {  	_ =	swait.ge [sflag:s6], $0x2800  }
0xb1: {  	[sflag:s6] =	ssyncset.done $0x0  }
0xb2: {  	[sflag:s6] =	ssyncadd.s32 $0xFFFFD800  }
0xb3: {  	[tilespmem:s31], [sflag:$0x1] =	stream.indirect.gather [hbm4b:s1+s30], $0x80, s18, s30, $0xb8;
	[tilespmem:$0x1D200] =	vst v63  }
0xb4: {  	_ =	swait.ge [sflag:s4], $0x2800  }
0xb5: {  	[sflag:s4] =	ssyncset.done $0x0  }
0xb6: {  	[sflag:s4] =	ssyncadd.s32 $0xFFFFD800  }
0xb7: {  	[spmem:s2] =	stream.indirect.scatter.add.f32 [tilespmem:s31], [sflag:$0x2], $0x80, s29, s30, $0xb8;
	[tilespmem:$0x1D200] =	vst v63  }
0xb8: {  	_ =	swait.ge [sflag:s6], $0x2800  }
0xb9: {  	[sflag:s6] =	ssyncset.done $0x0  }
0xba: {  	[sflag:s6] =	ssyncadd.s32 $0xFFFFD800  }
0xbb: {  	_ =	swait.ge [sflag:s6], $0x2800  }
0xbc: {  	[sflag:s6] =	ssyncset.done $0x0  }
0xbd: {  	s8 =	stileid.u32;
	[sflag:s6] =	ssyncadd.s32 $0xFFFFD800  }
0xbe: {  	s8 =	sshll.u32 s8, $0x6;
	[bflag:$0x0] =	sbarrier.arrive $0xFFFF  }
0xbf: {  	s9 =	sshrl.u32 s20, $0x3;
	s8 =	sor.u32 $0x1C03, s8;
	s10 =	rddreg [dreg:$0x6]  }
0xc0: {  	[hbm:s10], [sflag:s8] =	dma.local [spmem:s9], $0x800  }
0xc1: {  	_ =	swait.ge [sflag:s28], $0x800  }
0xc2: {  	[sflag:s28] =	ssyncset.done $0x0  }
0xc3: {  	s9 =	sshrl.u32 s21, $0x3;
	s10 =	rddreg [dreg:$0x7];
	[sflag:s28] =	ssyncadd.s32 $0xFFFFF800  }
0xc4: {  	[hbm:s10], [sflag:s8] =	dma.local [spmem:s9], $0x800  }
0xc5: {  	_ =	swait.ge [sflag:s28], $0x800  }
0xc6: {  	[sflag:s28] =	ssyncset.done $0x0  }
0xc7: {  	s9 =	sshrl.u32 s22, $0x3;
	s10 =	rddreg [dreg:$0x8];
	[sflag:s28] =	ssyncadd.s32 $0xFFFFF800  }
0xc8: {  	[hbm:s10], [sflag:s8] =	dma.local [spmem:s9], $0x800  }
0xc9: {  	_ =	swait.ge [sflag:s28], $0x800  }
0xca: {  	[sflag:s28] =	ssyncset.done $0x0  }
0xcb: {  	s9 =	sshrl.u32 s23, $0x3;
	s10 =	rddreg [dreg:$0x9];
	[sflag:s28] =	ssyncadd.s32 $0xFFFFF800  }
0xcc: {  	[hbm:s10], [sflag:s8] =	dma.local [spmem:s9], $0x800  }
0xcd: {  	s7 =	sadd.s32 $0x1, s7;
	_ =	swait.ge [sflag:s28], $0x800  }
0xce: {  	p0 =	sne.s32 s7, s25;
	s9 =	sshrl.u32 s24, $0x3;
	[sflag:s28] =	ssyncset.done $0x0  }
.Ltmp2:
0xcf: {  	s10 =	rddreg [dreg:$0xa];
	[sflag:s28] =	ssyncadd.s32 $0xFFFFF800;
	(pc) =	sbr.rel @p0 .LBB2_1-.Ltmp2, $4  }
0xd0: {  	[hbm:s10], [sflag:s8] =	dma.local [spmem:s9], $0x800  }
0xd1: {  	_ =	swait.ge [sflag:s28], $0x800  }
0xd2: {  	[sflag:s28] =	ssyncset.done $0x0  }
0xd3: {  	[sflag:s28] =	ssyncadd.s32 $0xFFFFF800  }
0xd4: {  	_ =	sfence.sel $0x180000  }
0xd5: {  	[bflag:$0x0] =	sbarrier.arrive $0xFFFF  }
0xd6: {  	_ =	strace $0x9000004D  }
0xd7: {  	s0 =	stileid.u32;
	[bflag:$0x2] =	sbarrier.arrive $0xFFFF  }
0xd8: {  	p0 =	sne.s32 s0, $0x0;
	s0 =	rddreg [dreg:$0x3]  }
0xd9: {  	s0 =	sadd.s32 @!p0 $0x100000, s0  }
0xda: {  	[sflag:s0] =	ssyncadd.tile.s32 @!p0 $0x1;
	_ =	shalt  }
.Lfunc_end2:
_tile_overlayer_lowered:
.L_overlay_start_2:
0xdb: {  	(tag) =	ssettag $0x2  }
0xdc: {  	s0 =	rddreg [dreg:$0x0];
	s2 =	stileid.u32  }
0xdd: {  	s1 =	rddreg [dreg:$0x1];
	p0 =	sne.s32 s2, $0x0  }
0xde: {  	s3 =	rddreg [dreg:$0x2];
	[bflag:$0x3] =	sbarrier.arrive $0xFFFF;
	s2 =	simm.s32 @!p0 $0x1C03  }
0xdf: {  	[timem:s3], [sflag:s2] =	dma.local @!p0 [hbm:s0], s1  }
0xe0: {  	s0 =	simm.s32 @!p0 $0x3  }
0xe1: {  	_ =	swait.ge @!p0 [sflag:s0], s1  }
0xe2: {  	s1 =	ssub.s32 @!p0 $0x0, s1;
	[sflag:s0] =	ssyncset.done @!p0 $0x0  }
0xe3: {  	[sflag:s0] =	ssyncadd.s32 @!p0 s1  }
0xe4: {  	[bflag:$0x3] =	sbarrier.arrive $0xFFFF  }
0xe5: {  	_ =	shalt  }

// kernel: kernel.8.cloned.1.call-start
scs
__scs_entry_jumppad:
0x0: {  	(pc) =	sbr.rel $0x88, $3  }
0x1: {  	(tag) =	ssettag $0x0;
	lr =	simm.s32 $0x1  }
0x2: {  	[smem:$0x3F9B] =	sst lr;
	_ =	strace $0xD0000000  }
0x3: {  	_ = 	snop  }
0x4: {  	_ = 	snop  }
0x5: {  	_ = 	snop  }
0x6: {  	_ = 	snop  }
0x7: {  	_ = 	snop  }
__scs_overlays_trampoline_lowered:
0x8: {  	[smem:$0x3FAA] =	sst s0  }
0x9: {  	[smem:$0x3FAB] =	sst s1  }
0xa: {  	[smem:$0x3FAC] =	sst s2  }
0xb: {  	[smem:$0x3FAD] =	sst s3  }
0xc: {  	[smem:$0x3FAE] =	sst s4  }
0xd: {  	[smem:$0x3FAF] =	sst s5  }
0xe: {  	[smem:$0x3FB0] =	sst s6  }
0xf: {  	[smem:$0x3FB1] =	sst s7  }
0x10: {  	[smem:$0x3FB2] =	sst s8  }
0x11: {  	[smem:$0x3FB3] =	sst s9;
	s0 =	simm.s32 @!p0 $0x0  }
0x12: {  	s1 =	sld [smem:$0x3F99];
	s0 =	simm.s32 @p0 $0x1  }
0x13: {  	[smem:$0x3FB4] =	sst s0;
	s0 =	simm.s32 @!p1 $0x0  }
0x14: {  	s2 =	sld [smem:$0x3F98];
	s0 =	simm.s32 @p1 $0x1  }
0x15: {  	[smem:$0x3FB5] =	sst s0;
	s0 =	simm.s32 @!p2 $0x0  }
0x16: {  	s3 =	sld [smem:$0x3FDB];
	s0 =	simm.s32 @p2 $0x1  }
0x17: {  	s4 =	simm.s32 $0x1BF5;
	[smem:$0x3FB7] =	sst s0  }
0x18: {  	s0 =	sld [smem:$0x3F9A];
	_ =	swait.ge [sflag:s4], $0x0  }
0x19: {  	s7 =	sld [smem:$0x3F9B]  }
0x1a: {  	s8 =	sadd.s32 $0xFFFFE003, lr  }
0x1b: {  	s9 =	sadd.s32 $0xFFFFFEF7, lr;
	s5 =	simm.s32 $0xFFFFFFFF;
	p2 =	slt.u32 s8, $0xFFFFF086  }
0x1c: {  	p1 =	slt.u32 s9, $0xF7A;
	s5 =	simm.s32 @!p2 $0x0  }
0x1d: {  	s5 =	simm.s32 @p1 $0x1;
	p0 =	seq.s32 s7, s2  }
0x1e: {  	s7 =	smul.u32 @!p0 $0xF7A, s2;
	p2 =	seq.s32 @!p0 s5, $0x0  }
0x1f: {  	s9 =	smul.u32 $0xF7A, s1;
	s8 =	simm.s32 @!p0 $0x1BF5;
	p2 =	por !p2, p0  }
0x20: {  	[sflag:s8] =	ssyncset.s32 @!p0 $0xFFFFF086;
	s6 =	sadd.s32 @!p0 s3, s7;
	s7 =	simm.s32 @!p0 $0x108  }
0x21: {  	s3 =	sadd.s32 s3, s9;
	s6 =	sadd.s32 @!p0 $0x88, s6;
	s7 =	simm.s32 @p2 $0x1082  }
0x22: {  	[simem:s7], [sflag:s8] =	dma.local @!p0 [hbm:s6], $0xF7A  }
0x23: {  	s9 =	sor.u32 $0xD0000000, s2;
	s6 =	simm.s32 $0x108;
	_ =	swait.ge @!p0 [sflag:s8], $0x0  }
0x24: {  	s3 =	sadd.s32 $0x88, s3;
	s6 =	simm.s32 @!p1 $0x1082;
	[sflag:s4] =	ssyncset.s32 $0xFFFFF086  }
0x25: {  	[simem:s6], [sflag:s4] =	dma.local [hbm:s3], $0xF7A  }
0x26: {  	[smem:$0x3F9B] =	sst s1;
	(tag) =	ssettag s2;
	_ =	strace s9  }
0x27: {  	s1 =	sld [smem:$0x3FAB]  }
0x28: {  	s2 =	sld [smem:$0x3FAC]  }
0x29: {  	s4 =	sld [smem:$0x3FAE]  }
0x2a: {  	p0 =	seq.s32 s5, $0x0;
	s5 =	sld [smem:$0x3FAF]  }
0x2b: {  	s6 =	sld [smem:$0x3FB0]  }
0x2c: {  	s7 =	sld [smem:$0x3FB1]  }
0x2d: {  	s3 =	simm.s32 $0x108;
	s8 =	sld [smem:$0x3FB2]  }
0x2e: {  	s3 =	simm.s32 @!p0 $0x1082;
	s9 =	sld [smem:$0x3FB3]  }
0x2f: {  	lr =	sadd.s32 s0, s3;
	s0 =	sld [smem:$0x3FAA]  }
0x30: {  	s3 =	sld [smem:$0x3FAD]  }
0x31: {  	[smem:$0x3FB6] =	sst s10  }
0x32: {  	s10 =	sld [smem:$0x3FB4];
	_ =	sdelay $0x3  }
0x33: {  	p0 =	seq.s32 s10, $0x1;
	s10 =	sld [smem:$0x3FB6];
	_ =	sdelay $0x3  }
0x34: {  	[smem:$0x3FB6] =	sst s10  }
0x35: {  	s10 =	sld [smem:$0x3FB5];
	_ =	sdelay $0x3  }
0x36: {  	p1 =	seq.s32 s10, $0x1;
	s10 =	sld [smem:$0x3FB6];
	_ =	sdelay $0x3  }
0x37: {  	[smem:$0x3FB6] =	sst s10  }
0x38: {  	s10 =	sld [smem:$0x3FB7]  }
0x39: {  	_ = 	snop;
	(pc) =	sbr.ind lr, $3  }
0x3a: {  	_ = 	snop  }
0x3b: {  	_ = 	snop  }
0x3c: {  	p2 =	seq.s32 s10, $0x1;
	s10 =	sld [smem:$0x3FB6]  }
0x3d: {  	_ =	shalt  }
0x3e: {  	_ =	shalt  }
0x3f: {  	_ =	shalt  }
0x40: {  	_ =	shalt  }
0x41: {  	_ =	shalt  }
0x42: {  	_ =	shalt  }
0x43: {  	_ =	shalt  }
0x44: {  	_ =	shalt  }
0x45: {  	_ =	shalt  }
0x46: {  	_ =	shalt  }
0x47: {  	_ =	shalt  }
0x48: {  	_ =	shalt  }
0x49: {  	_ =	shalt  }
0x4a: {  	_ =	shalt  }
0x4b: {  	_ =	shalt  }
0x4c: {  	_ =	shalt  }
0x4d: {  	_ =	shalt  }
0x4e: {  	_ =	shalt  }
0x4f: {  	_ =	shalt  }
0x50: {  	_ =	shalt  }
0x51: {  	_ =	shalt  }
0x52: {  	_ =	shalt  }
0x53: {  	_ =	shalt  }
0x54: {  	_ =	shalt  }
0x55: {  	_ =	shalt  }
0x56: {  	_ =	shalt  }
0x57: {  	_ =	shalt  }
0x58: {  	_ =	shalt  }
0x59: {  	_ =	shalt  }
0x5a: {  	_ =	shalt  }
0x5b: {  	_ =	shalt  }
0x5c: {  	_ =	shalt  }
0x5d: {  	_ =	shalt  }
0x5e: {  	_ =	shalt  }
0x5f: {  	_ =	shalt  }
0x60: {  	_ =	shalt  }
0x61: {  	_ =	shalt  }
0x62: {  	_ =	shalt  }
0x63: {  	_ =	shalt  }
0x64: {  	_ =	shalt  }
0x65: {  	_ =	shalt  }
0x66: {  	_ =	shalt  }
0x67: {  	_ =	shalt  }
0x68: {  	_ =	shalt  }
0x69: {  	_ =	shalt  }
0x6a: {  	_ =	shalt  }
0x6b: {  	_ =	shalt  }
0x6c: {  	_ =	shalt  }
0x6d: {  	_ =	shalt  }
0x6e: {  	_ =	shalt  }
0x6f: {  	_ =	shalt  }
0x70: {  	_ =	shalt  }
0x71: {  	_ =	shalt  }
0x72: {  	_ =	shalt  }
0x73: {  	_ =	shalt  }
0x74: {  	_ =	shalt  }
0x75: {  	_ =	shalt  }
0x76: {  	_ =	shalt  }
0x77: {  	_ =	shalt  }
0x78: {  	_ =	shalt  }
0x79: {  	_ =	shalt  }
0x7a: {  	_ =	shalt  }
0x7b: {  	_ =	shalt  }
0x7c: {  	_ =	shalt  }
0x7d: {  	_ =	shalt  }
0x7e: {  	_ =	shalt  }
0x7f: {  	_ =	shalt  }
0x80: {  	_ =	shalt  }
0x81: {  	_ =	shalt  }
0x82: {  	_ =	shalt  }
0x83: {  	_ =	shalt  }
0x84: {  	_ =	shalt  }
0x85: {  	_ =	shalt  }
0x86: {  	_ =	shalt  }
0x87: {  	_ =	shalt  }
.Lfunc_end0:
.L_simem_size_0:
called_computation_lowered:
.L_overlay_start_0:
0x88: {  	s2 =	sld [smem:$0x3FD9]  }
0x89: {  	s3 =	sld [smem:$0x3FFE];
	_ =	sdelay $0x1  }
0x8a: {  	s1 =	srdreg.scid  }
0x8b: {  	s0 =	sand.u32 $0x1, s1  }
0x8c: {  	s17 =	sshll.u32 s0, $0xA;
	s2 =	sadd.s32 s3, s2  }
0x8d: {  	s2 =	sadd.s32 s2, s17  }
0x8e: {  	[smem:$0x3FC2] =	sst s2  }
0x8f: {  	_ = 	snop  }
0x90: {  	s2 =	sld [smem:$0x3FD0];
	(tm) =	ssettm $0x1  }
0x91: {  	s18 =	sld [smem:$0x3FFB];
	_ =	sdelay $0x3  }
0x92: {  	_ =	strace s18  }
0x93: {  	s3 =	sld [smem:$0x3FFC];
	_ =	sdelay $0x3  }
0x94: {  	_ =	strace s3  }
0x95: {  	s3 =	sld [smem:$0x3FFD];
	_ =	sdelay $0x3  }
0x96: {  	_ =	strace s3  }
0x97: {  	_ =	strace $0x8FFFFFFF  }
0x98: {  	s19 =	sld [smem:$0x3FDB];
	_ =	sdelay $0x1  }
0x99: {  	s4 =	simm.s32 $_scs_section_size  }
0x9a: {  	s5 =	simm.s32 $_size__tile_overlayer_lowered;
	s6 =	simm.s32 $_tile_overlayer_lowered  }
0x9b: {  	s22 =	simm.s32 $0x1BFF;
	s21 =	sshll.u32 s6, $0x1;
	s3 =	sadd.s32 s4, s19  }
0x9c: {  	s7 =	simm.s32 $0x0;
	s20 =	sshll.u32 s5, $0x1;
	s5 =	sadd.s32 s21, s3  }
0x9d: {  	[timem:s7], [sflag:s22] =	dma.local [hbm:s5], s20  }
0x9e: {  	_ =	swait.ge [sflag:s22], s20  }
0x9f: {  	s4 =	ssub.s32 $0x0, s20;
	[sflag:s22] =	ssyncset.done $0x0  }
0xa0: {  	[sflag:s22] =	ssyncadd.s32 s4;
	_ =	sdelay $0x1  }
0xa1: {  	s23 =	simm.s32 $0x1B8B  }
0xa2: {  	_ =	swait.ge [sflag:s23], $0x1  }
0xa3: {  	[sflag:s23] =	ssyncset.done $0x0  }
0xa4: {  	s25 =	simm.s32 $0x1B8E;
	s24 =	sld [smem:$0x3FFE];
	[sflag:s23] =	ssyncadd.s32 $0xFFFFFFFF  }
0xa5: {  	s26 =	simm.s32 $execute0_lowered;
	[smem:$0x3FD2] =	sst s25  }
0xa6: {  	s5 =	sshll.u32 s26, $0x1;
	_ =	strace $0x80000046;
	[dreg:$0x1] =	wrdreg $0xFFFFFFFF  }
0xa7: {  	s28 =	simm.s32 $_size_execute0_lowered;
	s3 =	sadd.s32 s3, s5;
	[dreg:$0x0] =	wrdreg $0x0  }
0xa8: {  	s5 =	sshll.u32 s28, $0x1;
	[dreg:$0x2] =	wrdreg s3  }
0xa9: {  	[dreg:$0x3] =	wrdreg s5  }
0xaa: {  	[dreg:$0x4] =	wrdreg $0xC0  }
0xab: {  	_ =	task [dreg:s7], $0x5FFFF  }
0xac: {  	[dreg:$0x1] =	wrdreg $0xFFFFFFFF  }
0xad: {  	[dreg:$0x0] =	wrdreg $0x60  }
0xae: {  	[dreg:$0x2] =	wrdreg s2  }
0xaf: {  	[dreg:$0x3] =	wrdreg s24  }
0xb0: {  	[dreg:$0x4] =	wrdreg $0xA8000  }
0xb1: {  	[dreg:$0x5] =	wrdreg $0x9  }
0xb2: {  	_ =	task.clear_ibuf [dreg:s7], $0x6FFFF;
	_ =	strace $0x90000046  }
0xb3: {  	s29 =	simm.s32 $0x9;
	_ =	strace $0x80000048  }
0xb4: {  	_ =	swait.ge [sflag:s29], $0x1  }
0xb5: {  	[sflag:s29] =	ssyncadd.s32 $0xFFFFFFFF  }
0xb6: {  	_ =	strace $0x90000048  }
0xb7: {  	_ =	sfence  }
0xb8: {  	s30 =	sld [smem:$0x0];
	_ =	sdelay $0x2  }
0xb9: {  	s31 =	sshll.u32 s1, $0xD;
	s1 =	sshrl.u32 s1, $0x2  }
0xba: {  	s3 =	sand.u32 $0x4000, s31;
	s1 =	sadd.s32 s1, s30  }
0xbb: {  	s0 =	sor.u32 s3, s0;
	s1 =	sshll.u32 s1, $0x11  }
0xbc: {  	s0 =	sor.u32 s1, s0  }
0xbd: {  	s0 =	sadd.s32 $0x8F2B, s0  }
0xbe: {  	[sflag:s0] =	ssyncadd.remote.s32 $0x1  }
0xbf: {  	_ =	sfence.sel $0xFFFF  }
0xc0: {  	[dreg:$0x0] =	wrdreg $0xFFFFFFFF;
	(pc) =	sbr.abs _section_cstart, $3  }
0xc1: {  	[dreg:$0x1] =	wrdreg $0xFFFFFFFF  }
0xc2: {  	_ =	task.clear_ibuf [dreg:s7], $0x2FFFF;
	_ =	strace $0x9FFFFFFF  }
0xc3: {  	(tm) =	ssettm $0x7FFFFFFF  }
tec
execute0_lowered:
.L_overlay_start_1:
0x0: {  	(tag) =	ssettag $0x1  }
0x1: {  	s4 =	rddreg [dreg:$0x0]  }
0x2: {  	s5 =	rddreg [dreg:$0x1]  }
0x3: {  	s0 =	srdreg.scid;
	s2 =	rddreg [dreg:$0x2];
	s3 =	simm.s32 $0x0  }
0x4: {  	s18 =	simm.s32 $0x6800;
	s19 =	simm.s32 $0x80;
	s20 =	simm.s32 $0x1  }
0x5: {  	s21 =	simm.s32 $0x0;
	s6 =	sand.u32 $0x1, s0;
	s0 =	stileid.u32  }
0x6: {  	[smem:$0x7FF] =	sst s3;
	s14 =	sadd.s32 $0x16400, s5;
	s9 =	smul.u32 $0x50000, s0  }
0x7: {  	s1 =	sshll.u32 s6, $0x4;
	s8 =	ssub.s32 $0x2, s6;
	s11 =	smul.u32 $0x14000, s0  }
0x8: {  	s16 =	smul.u32 $0x140000, s6;
	s7 =	sor.u32 s0, s1;
	s1 =	rddreg [dreg:$0x3]  }
0x9: {  	_ =	strace $0x80000047;
	s10 =	sshrl.u32 s8, $0x1;
	s7 =	smul.u32 $0x500, s7  }
0xa: {  	s15 =	ssub.s32 s8, s10;
	s28 =	sshrl.u32 s9, $0x2;
	s29 =	sadd.s32 $0x4000, s11  }
0xb: {  	s12 =	sadd.s32 $0x8000, s11;
	s13 =	sadd.s32 $0xC000, s11;
	s17 =	sadd.s32 $0x10000, s11  }
0xc: {  	s30 =	sadd.s32 s11, s16;
	s5 =	sadd.s32 s28, s2;
	s6 =	sadd.s32 s29, s2  }
0xd: {  	s8 =	sadd.s32 s13, s2;
	s31 =	sadd.s32 s16, s29;
	s9 =	sadd.s32 s17, s2  }
0xe: {  	s10 =	sshrl.u32 s30, $0x3;
	s13 =	sadd.s32 s16, s13;
	s15 =	smax.u32 s15, $0x1  }
0xf: {  	s4 =	sadd.s32 s4, s7;
	s7 =	sadd.s32 s12, s2;
	s11 =	sshrl.u32 s31, $0x3  }
0x10: {  	s10 =	sadd.s32 s14, s10;
	s12 =	sadd.s32 s16, s12;
	s16 =	sadd.s32 s16, s17  }
0x11: {  	s13 =	sshrl.u32 s13, $0x3;
	s17 =	simm.s32 $0x2;
	s11 =	sadd.s32 s14, s11  }
0x12: {  	s12 =	sshrl.u32 s12, $0x3;
	s16 =	sshrl.u32 s16, $0x3;
	s13 =	sadd.s32 s14, s13  }
0x13: {  	v0 =	vimm.f32 $1.000000000e+00;
	v1 =	vimm.f32 $0.0e+00;
	s12 =	sadd.s32 s14, s12;
	s14 =	sadd.s32 s14, s16;
	s16 =	simm.s32 $0x4000  }
.LBB2_1:
0x14: {  	s22 =	simm.s32 $0x0;
	s23 =	simm.s32 $0x200  }
.LBB2_2:
0x15: {  	p0 =	sne.s32 s23, $0xFE00;
	[tilespmem:s22+$0x70] =	vst v0  }
0x16: {  	[tilespmem:s22+$0x0] =	vst v0  }
0x17: {  	[tilespmem:s22+$0x10] =	vst v0  }
.Ltmp0:
0x18: {  	[tilespmem:s22+$0x20] =	vst v0;
	(pc) =	sbr.rel @p0 .LBB2_2-.Ltmp0, $4  }
0x19: {  	[tilespmem:s22+$0x30] =	vst v0  }
0x1a: {  	[tilespmem:s22+$0x40] =	vst v0  }
0x1b: {  	[tilespmem:s22+$0x50] =	vst v0  }
0x1c: {  	[tilespmem:s22+$0x60] =	vst v0;
	s22 =	sshra.s32 s23, $0x2;
	s23 =	sadd.s32 $0x200, s23  }
0x1d: {  	[tilespmem:s22+$0x70] =	vst v0  }
0x1e: {  	[tilespmem:s22+$0x0] =	vst v0  }
0x1f: {  	[tilespmem:s22+$0x10] =	vst v0  }
0x20: {  	[tilespmem:s22+$0x20] =	vst v0  }
0x21: {  	[tilespmem:s22+$0x30] =	vst v0  }
0x22: {  	[tilespmem:s22+$0x40] =	vst v0  }
0x23: {  	[tilespmem:s22+$0x50] =	vst v0  }
0x24: {  	[tilespmem:s22+$0x60] =	vst v0;
	s22 =	simm.s32 $0x0;
	s23 =	simm.s32 $0x200  }
.LBB2_4:
0x25: {  	p0 =	sne.s32 s23, $0xFE00;
	[tilespmem:s22+$0x6870] =	vst v1  }
0x26: {  	[tilespmem:s22+$0x6800] =	vst v1  }
0x27: {  	[tilespmem:s22+$0x6810] =	vst v1  }
.Ltmp1:
0x28: {  	[tilespmem:s22+$0x6820] =	vst v1;
	(pc) =	sbr.rel @p0 .LBB2_4-.Ltmp1, $4  }
0x29: {  	[tilespmem:s22+$0x6830] =	vst v1  }
0x2a: {  	[tilespmem:s22+$0x6840] =	vst v1  }
0x2b: {  	[tilespmem:s22+$0x6850] =	vst v1  }
0x2c: {  	[tilespmem:s22+$0x6860] =	vst v1;
	s22 =	sshra.s32 s23, $0x2;
	s23 =	sadd.s32 $0x200, s23  }
0x2d: {  	[tilespmem:s22+$0x6870] =	vst v1  }
0x2e: {  	[tilespmem:s22+$0x6800] =	vst v1  }
0x2f: {  	[tilespmem:s22+$0x6810] =	vst v1  }
0x30: {  	[tilespmem:s22+$0x6820] =	vst v1  }
0x31: {  	[tilespmem:s22+$0x6830] =	vst v1  }
0x32: {  	[tilespmem:s22+$0x6840] =	vst v1  }
0x33: {  	[tilespmem:s22+$0x6850] =	vst v1  }
0x34: {  	[tilespmem:s22+$0x6860] =	vst v1;
	s31 =	simm.s32 $0x0  }
0x35: {  	[tilespmem:s16], [sflag:$0x2] =	stream.linear.gather [hbm4b:s4+s31], $0x2800, $0x38;
	[tilespmem:$0x1E800] =	vst v63  }
0x36: {  	_ =	swait.ge [sflag:s17], $0x2800  }
0x37: {  	[sflag:s17] =	ssyncset.done $0x0  }
0x38: {  	[sflag:s17] =	ssyncadd.s32 $0xFFFFD800  }
0x39: {  	[spmem:s5] =	stream.linear.scatter [tilespmem:s18], [sflag:$0x2], $0x4000, $0x38;
	[tilespmem:$0x1E800] =	vst v63  }
0x3a: {  	_ =	swait.ge [sflag:s17], $0x4000  }
0x3b: {  	[sflag:s17] =	ssyncset.done $0x0  }
0x3c: {  	[sflag:s17] =	ssyncadd.s32 $0xFFFFC000  }
0x3d: {  	[spmem:s6] =	stream.linear.scatter [tilespmem:s18], [sflag:$0x2], $0x4000, $0x38;
	[tilespmem:$0x1E800] =	vst v63  }
0x3e: {  	_ =	swait.ge [sflag:s17], $0x4000  }
0x3f: {  	[sflag:s17] =	ssyncset.done $0x0  }
0x40: {  	[sflag:s17] =	ssyncadd.s32 $0xFFFFC000  }
0x41: {  	[spmem:s7] =	stream.linear.scatter [tilespmem:s18], [sflag:$0x2], $0x4000, $0x38;
	[tilespmem:$0x1E800] =	vst v63  }
0x42: {  	_ =	swait.ge [sflag:s17], $0x4000  }
0x43: {  	[sflag:s17] =	ssyncset.done $0x0  }
0x44: {  	[sflag:s17] =	ssyncadd.s32 $0xFFFFC000  }
0x45: {  	[spmem:s8] =	stream.linear.scatter [tilespmem:s18], [sflag:$0x2], $0x4000, $0x38;
	[tilespmem:$0x1E800] =	vst v63  }
0x46: {  	_ =	swait.ge [sflag:s17], $0x4000  }
0x47: {  	[sflag:s17] =	ssyncset.done $0x0  }
0x48: {  	[sflag:s17] =	ssyncadd.s32 $0xFFFFC000  }
0x49: {  	[spmem:s9] =	stream.linear.scatter [tilespmem:s18], [sflag:$0x2], $0x4000, $0x38;
	[tilespmem:$0x1E800] =	vst v63  }
0x4a: {  	_ =	swait.ge [sflag:s17], $0x4000  }
0x4b: {  	[sflag:s17] =	ssyncset.done $0x0  }
0x4c: {  	[sflag:s17] =	ssyncadd.s32 $0xFFFFC000  }
0x4d: {  	s23 =	simm.s32 $0x4000;
	[bflag:$0x0] =	sbarrier.arrive $0xFFFF  }
0x4e: {  	[spmem:s2] =	stream.indirect.scatter.add.f32 [tilespmem:s3], [sflag:$0x1], $0x80, s23, s19, $0xb8;
	[tilespmem:$0x1E800] =	vst v63  }
0x4f: {  	s24 =	simm.s32 $0x4080  }
0x50: {  	[spmem:s2] =	stream.indirect.scatter.add.f32 [tilespmem:s3], [sflag:$0x1], $0x80, s24, s19, $0xb8;
	[tilespmem:$0x1E800] =	vst v63  }
0x51: {  	s25 =	simm.s32 $0x4100  }
0x52: {  	[spmem:s2] =	stream.indirect.scatter.add.f32 [tilespmem:s3], [sflag:$0x1], $0x80, s25, s19, $0xb8;
	[tilespmem:$0x1E800] =	vst v63  }
0x53: {  	s26 =	simm.s32 $0x4180  }
0x54: {  	[spmem:s2] =	stream.indirect.scatter.add.f32 [tilespmem:s3], [sflag:$0x1], $0x80, s26, s19, $0xb8;
	[tilespmem:$0x1E800] =	vst v63  }
0x55: {  	s28 =	simm.s32 $0x4200  }
0x56: {  	[spmem:s2] =	stream.indirect.scatter.add.f32 [tilespmem:s3], [sflag:$0x1], $0x80, s28, s19, $0xb8;
	[tilespmem:$0x1E800] =	vst v63  }
0x57: {  	s29 =	simm.s32 $0x4280  }
0x58: {  	[spmem:s2] =	stream.indirect.scatter.add.f32 [tilespmem:s3], [sflag:$0x1], $0x80, s29, s19, $0xb8;
	[tilespmem:$0x1E800] =	vst v63  }
0x59: {  	s30 =	simm.s32 $0x4300  }
0x5a: {  	[spmem:s2] =	stream.indirect.scatter.add.f32 [tilespmem:s3], [sflag:$0x1], $0x80, s30, s19, $0xb8;
	[tilespmem:$0x1E800] =	vst v63  }
0x5b: {  	s31 =	simm.s32 $0x4380  }
0x5c: {  	[spmem:s2] =	stream.indirect.scatter.add.f32 [tilespmem:s3], [sflag:$0x1], $0x80, s31, s19, $0xb8;
	[tilespmem:$0x1E800] =	vst v63  }
0x5d: {  	_ =	swait.ge [sflag:s20], $0x4000  }
0x5e: {  	[sflag:s20] =	ssyncset.done $0x0  }
0x5f: {  	[sflag:s20] =	ssyncadd.s32 $0xFFFFC000  }
0x60: {  	_ =	swait.ge [sflag:s20], $0x4000  }
0x61: {  	[sflag:s20] =	ssyncset.done $0x0  }
0x62: {  	[sflag:s20] =	ssyncadd.s32 $0xFFFFC000  }
0x63: {  	_ =	swait.ge [sflag:s20], $0x4000  }
0x64: {  	[sflag:s20] =	ssyncset.done $0x0  }
0x65: {  	[sflag:s20] =	ssyncadd.s32 $0xFFFFC000  }
0x66: {  	_ =	swait.ge [sflag:s20], $0x4000  }
0x67: {  	[sflag:s20] =	ssyncset.done $0x0  }
0x68: {  	[sflag:s20] =	ssyncadd.s32 $0xFFFFC000  }
0x69: {  	_ =	swait.ge [sflag:s20], $0x4000  }
0x6a: {  	[sflag:s20] =	ssyncset.done $0x0  }
0x6b: {  	[sflag:s20] =	ssyncadd.s32 $0xFFFFC000  }
0x6c: {  	_ =	swait.ge [sflag:s20], $0x4000  }
0x6d: {  	[sflag:s20] =	ssyncset.done $0x0  }
0x6e: {  	[sflag:s20] =	ssyncadd.s32 $0xFFFFC000  }
0x6f: {  	_ =	swait.ge [sflag:s20], $0x4000  }
0x70: {  	[sflag:s20] =	ssyncset.done $0x0  }
0x71: {  	[sflag:s20] =	ssyncadd.s32 $0xFFFFC000  }
0x72: {  	_ =	swait.ge [sflag:s20], $0x4000  }
0x73: {  	s24 =	simm.s32 $0x400;
	s25 =	simm.s32 $0x2000;
	[sflag:s20] =	ssyncset.done $0x0  }
.LBB2_6:
0x74: {  	s26 =	sadd.s32 $0x4000, s24  }
0x75: {  	[sflag:s20] =	ssyncadd.s32 $0xFFFFC000;
	s23 =	smov.u32 s25;
	s22 =	sadd.s32 $0x1000, s25  }
0x76: {  	[spmem:s2] =	stream.indirect.scatter.add.f32 [tilespmem:s3], [sflag:$0x1], $0x80, s26, s19, $0xb8;
	[tilespmem:$0x1E800] =	vst v63  }
0x77: {  	p0 =	sne.s32 s25, $0x9000;
	s25 =	sadd.s32 $0x4080, s24  }
0x78: {  	[spmem:s2] =	stream.indirect.scatter.add.f32 [tilespmem:s3], [sflag:$0x1], $0x80, s25, s19, $0xb8;
	[tilespmem:$0x1E800] =	vst v63  }
0x79: {  	s25 =	sadd.s32 $0x4100, s24  }
0x7a: {  	[spmem:s2] =	stream.indirect.scatter.add.f32 [tilespmem:s3], [sflag:$0x1], $0x80, s25, s19, $0xb8;
	[tilespmem:$0x1E800] =	vst v63  }
0x7b: {  	s25 =	sadd.s32 $0x4180, s24  }
0x7c: {  	[spmem:s2] =	stream.indirect.scatter.add.f32 [tilespmem:s3], [sflag:$0x1], $0x80, s25, s19, $0xb8;
	[tilespmem:$0x1E800] =	vst v63  }
0x7d: {  	s25 =	sadd.s32 $0x4200, s24  }
0x7e: {  	[spmem:s2] =	stream.indirect.scatter.add.f32 [tilespmem:s3], [sflag:$0x1], $0x80, s25, s19, $0xb8;
	[tilespmem:$0x1E800] =	vst v63  }
0x7f: {  	s25 =	sadd.s32 $0x4280, s24  }
0x80: {  	[spmem:s2] =	stream.indirect.scatter.add.f32 [tilespmem:s3], [sflag:$0x1], $0x80, s25, s19, $0xb8;
	[tilespmem:$0x1E800] =	vst v63  }
0x81: {  	s25 =	sadd.s32 $0x4300, s24  }
0x82: {  	[spmem:s2] =	stream.indirect.scatter.add.f32 [tilespmem:s3], [sflag:$0x1], $0x80, s25, s19, $0xb8;
	[tilespmem:$0x1E800] =	vst v63  }
0x83: {  	s24 =	sadd.s32 $0x4380, s24  }
0x84: {  	[spmem:s2] =	stream.indirect.scatter.add.f32 [tilespmem:s3], [sflag:$0x1], $0x80, s24, s19, $0xb8;
	[tilespmem:$0x1E800] =	vst v63  }
0x85: {  	_ =	swait.ge [sflag:s20], $0x4000  }
0x86: {  	[sflag:s20] =	ssyncset.done $0x0  }
0x87: {  	[sflag:s20] =	ssyncadd.s32 $0xFFFFC000  }
0x88: {  	_ =	swait.ge [sflag:s20], $0x4000  }
0x89: {  	[sflag:s20] =	ssyncset.done $0x0  }
0x8a: {  	[sflag:s20] =	ssyncadd.s32 $0xFFFFC000  }
0x8b: {  	_ =	swait.ge [sflag:s20], $0x4000  }
0x8c: {  	[sflag:s20] =	ssyncset.done $0x0  }
0x8d: {  	[sflag:s20] =	ssyncadd.s32 $0xFFFFC000  }
0x8e: {  	_ =	swait.ge [sflag:s20], $0x4000  }
0x8f: {  	[sflag:s20] =	ssyncset.done $0x0  }
0x90: {  	[sflag:s20] =	ssyncadd.s32 $0xFFFFC000  }
0x91: {  	_ =	swait.ge [sflag:s20], $0x4000  }
0x92: {  	[sflag:s20] =	ssyncset.done $0x0  }
0x93: {  	[sflag:s20] =	ssyncadd.s32 $0xFFFFC000  }
0x94: {  	_ =	swait.ge [sflag:s20], $0x4000  }
0x95: {  	[sflag:s20] =	ssyncset.done $0x0  }
0x96: {  	[sflag:s20] =	ssyncadd.s32 $0xFFFFC000  }
.Ltmp2:
0x97: {  	_ =	swait.ge [sflag:s20], $0x4000;
	(pc) =	sbr.rel @p0 .LBB2_6-.Ltmp2, $4  }
0x98: {  	[sflag:s20] =	ssyncset.done $0x0  }
0x99: {  	[sflag:s20] =	ssyncadd.s32 $0xFFFFC000  }
0x9a: {  	_ =	swait.ge [sflag:s20], $0x4000  }
0x9b: {  	s25 =	smov.u32 s22;
	s24 =	sshra.s32 s23, $0x2;
	[sflag:s20] =	ssyncset.done $0x0  }
0x9c: {  	s22 =	sadd.s32 $0x4000, s24;
	[sflag:s20] =	ssyncadd.s32 $0xFFFFC000  }
0x9d: {  	[spmem:s2] =	stream.indirect.scatter.add.f32 [tilespmem:s3], [sflag:$0x1], $0x80, s22, s19, $0xb8;
	[tilespmem:$0x1E800] =	vst v63  }
0x9e: {  	s26 =	sadd.s32 $0x4080, s24  }
0x9f: {  	[spmem:s2] =	stream.indirect.scatter.add.f32 [tilespmem:s3], [sflag:$0x1], $0x80, s26, s19, $0xb8;
	[tilespmem:$0x1E800] =	vst v63  }
0xa0: {  	s28 =	sadd.s32 $0x4100, s24  }
0xa1: {  	[spmem:s2] =	stream.indirect.scatter.add.f32 [tilespmem:s3], [sflag:$0x1], $0x80, s28, s19, $0xb8;
	[tilespmem:$0x1E800] =	vst v63  }
0xa2: {  	s29 =	sadd.s32 $0x4180, s24  }
0xa3: {  	[spmem:s2] =	stream.indirect.scatter.add.f32 [tilespmem:s3], [sflag:$0x1], $0x80, s29, s19, $0xb8;
	[tilespmem:$0x1E800] =	vst v63  }
0xa4: {  	s30 =	sadd.s32 $0x4200, s24  }
0xa5: {  	[spmem:s2] =	stream.indirect.scatter.add.f32 [tilespmem:s3], [sflag:$0x1], $0x80, s30, s19, $0xb8;
	[tilespmem:$0x1E800] =	vst v63  }
0xa6: {  	s31 =	sadd.s32 $0x4280, s24  }
0xa7: {  	[spmem:s2] =	stream.indirect.scatter.add.f32 [tilespmem:s3], [sflag:$0x1], $0x80, s31, s19, $0xb8;
	[tilespmem:$0x1E800] =	vst v63  }
0xa8: {  	s23 =	sadd.s32 $0x4300, s24  }
0xa9: {  	[spmem:s2] =	stream.indirect.scatter.add.f32 [tilespmem:s3], [sflag:$0x1], $0x80, s23, s19, $0xb8;
	[tilespmem:$0x1E800] =	vst v63  }
0xaa: {  	s25 =	sadd.s32 $0x4380, s24  }
0xab: {  	[spmem:s2] =	stream.indirect.scatter.add.f32 [tilespmem:s3], [sflag:$0x1], $0x80, s25, s19, $0xb8;
	[tilespmem:$0x1E800] =	vst v63  }
0xac: {  	_ =	swait.ge [sflag:s20], $0x4000  }
0xad: {  	[sflag:s20] =	ssyncset.done $0x0  }
0xae: {  	[sflag:s20] =	ssyncadd.s32 $0xFFFFC000  }
0xaf: {  	_ =	swait.ge [sflag:s20], $0x4000  }
0xb0: {  	[sflag:s20] =	ssyncset.done $0x0  }
0xb1: {  	[sflag:s20] =	ssyncadd.s32 $0xFFFFC000  }
0xb2: {  	_ =	swait.ge [sflag:s20], $0x4000  }
0xb3: {  	[sflag:s20] =	ssyncset.done $0x0  }
0xb4: {  	[sflag:s20] =	ssyncadd.s32 $0xFFFFC000  }
0xb5: {  	_ =	swait.ge [sflag:s20], $0x4000  }
0xb6: {  	[sflag:s20] =	ssyncset.done $0x0  }
0xb7: {  	[sflag:s20] =	ssyncadd.s32 $0xFFFFC000  }
0xb8: {  	_ =	swait.ge [sflag:s20], $0x4000  }
0xb9: {  	[sflag:s20] =	ssyncset.done $0x0  }
0xba: {  	[sflag:s20] =	ssyncadd.s32 $0xFFFFC000  }
0xbb: {  	_ =	swait.ge [sflag:s20], $0x4000  }
0xbc: {  	[sflag:s20] =	ssyncset.done $0x0  }
0xbd: {  	[sflag:s20] =	ssyncadd.s32 $0xFFFFC000  }
0xbe: {  	_ =	swait.ge [sflag:s20], $0x4000  }
0xbf: {  	[sflag:s20] =	ssyncset.done $0x0  }
0xc0: {  	[sflag:s20] =	ssyncadd.s32 $0xFFFFC000  }
0xc1: {  	_ =	swait.ge [sflag:s20], $0x4000  }
0xc2: {  	[sflag:s20] =	ssyncset.done $0x0  }
0xc3: {  	s26 =	sshll.u32 s0, $0x6;
	[sflag:s20] =	ssyncadd.s32 $0xFFFFC000  }
0xc4: {  	s22 =	sor.u32 $0x1C02, s26;
	s23 =	sshrl.u32 s5, $0x3;
	[bflag:$0x0] =	sbarrier.arrive $0xFFFF  }
0xc5: {  	[hbm:s10], [sflag:s22] =	dma.local [spmem:s23], $0x800  }
0xc6: {  	_ =	swait.ge [sflag:s17], $0x800  }
0xc7: {  	[sflag:s17] =	ssyncset.done $0x0  }
0xc8: {  	s28 =	sshrl.u32 s6, $0x3;
	[sflag:s17] =	ssyncadd.s32 $0xFFFFF800  }
0xc9: {  	[hbm:s11], [sflag:s22] =	dma.local [spmem:s28], $0x800  }
0xca: {  	_ =	swait.ge [sflag:s17], $0x800  }
0xcb: {  	[sflag:s17] =	ssyncset.done $0x0  }
0xcc: {  	s29 =	sshrl.u32 s7, $0x3;
	[sflag:s17] =	ssyncadd.s32 $0xFFFFF800  }
0xcd: {  	[hbm:s12], [sflag:s22] =	dma.local [spmem:s29], $0x800  }
0xce: {  	_ =	swait.ge [sflag:s17], $0x800  }
0xcf: {  	[sflag:s17] =	ssyncset.done $0x0  }
0xd0: {  	s30 =	sshrl.u32 s8, $0x3;
	[sflag:s17] =	ssyncadd.s32 $0xFFFFF800  }
0xd1: {  	[hbm:s13], [sflag:s22] =	dma.local [spmem:s30], $0x800  }
0xd2: {  	s21 =	sadd.s32 $0x1, s21;
	_ =	swait.ge [sflag:s17], $0x800  }
0xd3: {  	p0 =	sne.s32 s21, s15;
	[sflag:s17] =	ssyncset.done $0x0  }
.Ltmp3:
0xd4: {  	s31 =	sshrl.u32 s9, $0x3;
	[sflag:s17] =	ssyncadd.s32 $0xFFFFF800;
	(pc) =	sbr.rel @p0 .LBB2_1-.Ltmp3, $4  }
0xd5: {  	[hbm:s14], [sflag:s22] =	dma.local [spmem:s31], $0x800  }
0xd6: {  	_ =	swait.ge [sflag:s17], $0x800  }
0xd7: {  	[sflag:s17] =	ssyncset.done $0x0  }
0xd8: {  	[sflag:s17] =	ssyncadd.s32 $0xFFFFF800  }
0xd9: {  	_ =	sfence.sel $0x180000  }
0xda: {  	[bflag:$0x0] =	sbarrier.arrive $0xFFFF  }
0xdb: {  	p0 =	sne.s32 s0, $0x0;
	_ =	strace $0x90000047  }
0xdc: {  	s0 =	sadd.s32 @!p0 $0x100000, s1;
	[bflag:$0x2] =	sbarrier.arrive $0xFFFF  }
0xdd: {  	[sflag:s0] =	ssyncadd.tile.s32 @!p0 $0x1;
	_ =	shalt  }
.Lfunc_end2:
_tile_overlayer_lowered:
.L_overlay_start_2:
0xde: {  	(tag) =	ssettag $0x2  }
0xdf: {  	s0 =	rddreg [dreg:$0x0];
	s2 =	stileid.u32  }
0xe0: {  	s1 =	rddreg [dreg:$0x1];
	p0 =	sne.s32 s2, $0x0  }
0xe1: {  	s3 =	rddreg [dreg:$0x2];
	[bflag:$0x3] =	sbarrier.arrive $0xFFFF;
	s2 =	simm.s32 @!p0 $0x1C02  }
0xe2: {  	[timem:s3], [sflag:s2] =	dma.local @!p0 [hbm:s0], s1  }
0xe3: {  	s0 =	simm.s32 @!p0 $0x2  }
0xe4: {  	_ =	swait.ge @!p0 [sflag:s0], s1  }
0xe5: {  	s1 =	ssub.s32 @!p0 $0x0, s1;
	[sflag:s0] =	ssyncset.done @!p0 $0x0  }
0xe6: {  	[sflag:s0] =	ssyncadd.s32 @!p0 s1  }
0xe7: {  	[bflag:$0x3] =	sbarrier.arrive $0xFFFF  }
0xe8: {  	_ =	shalt  }

</sc_bundles>
